<compile_context>
chip_gen: v7x
topology: tpu7x:2x2x1
jax: 0.10.2.dev20260603
libtpu: 0.0.44.dev20260713+nightly
codegen_flags: <defaults>
</compile_context>

<pallas_src>
import functools

import jax
import jax.numpy as jnp
from jax import lax
from jax.experimental import pallas as pl
from jax.experimental.pallas import tpu as pltpu
from jax.experimental.pallas import tpu_sc as plsc

H = 64
LANES = 16
E = 4
NBUF = 4
NREP = 512


def _relayout_table(pw):
    V, Hd = pw.shape
    C = 12800
    grid = (V + C - 1) // C

    def body(in_ref, eye_ref, out_ref):
        t = jax.lax.dot_general(in_ref[...], eye_ref[...],
                                (((0,), (0,)), ((), ())),
                                preferred_element_type=jnp.float32)
        out_ref[...] = jnp.concatenate([t, t], axis=1)

    return pl.pallas_call(
        body,
        grid=(grid,),
        in_specs=[pl.BlockSpec((Hd, C), lambda i: (0, i)),
                  pl.BlockSpec((Hd, Hd), lambda i: (0, 0))],
        out_specs=pl.BlockSpec((C, 2 * Hd), lambda i: (i, 0)),
        out_shape=jax.ShapeDtypeStruct((V, 2 * Hd), jnp.float32),
    )(pw.T, jnp.eye(Hd, dtype=jnp.float32))


@functools.lru_cache(maxsize=None)
def _make_kernel(B, L, num_cores, num_subcores):
    NW = num_cores * num_subcores
    BW = B // NW
    nch = BW // E
    CR = E * L
    NG = CR // LANES
    assert B % NW == 0 and BW % E == 0 and nch % NBUF == 0 and L == 20

    mesh = plsc.VectorSubcoreMesh(core_axis_name="c", subcore_axis_name="s")

    data_bufs = []
    for _ in range(NBUF):
        data_bufs += [
            pltpu.VMEM((E, L, H), jnp.float32),
            pltpu.VMEM((CR, 2 * H), jnp.float32),
            pltpu.VMEM((CR, H), jnp.float32),
            pltpu.SemaphoreType.DMA,
            pltpu.SemaphoreType.DMA,
        ]

    @functools.partial(
        pl.kernel,
        mesh=mesh,
        compiler_params=pltpu.CompilerParams(use_tc_tiling_on_sc=False,
                                             needs_layout_passes=False),
        out_type=jax.ShapeDtypeStruct((B, L, H), jnp.float32),
        scratch_types=[
            pltpu.VMEM((BW, L), jnp.int32),
            pltpu.VMEM((BW, L), jnp.int32),
            pltpu.VMEM((nch, CR), jnp.int32),
            pltpu.VMEM((nch, CR), jnp.int32),
        ] + data_bufs,
    )
    def k(x_hbm, pid_hbm, act_hbm, pos_hbm, ptab_hbm, ctab_hbm, out_hbm,
          stage_a, stage_b, pid_idx, idx2_idx, *bufs):
        xb = [bufs[5 * b + 0] for b in range(NBUF)]
        pb = [bufs[5 * b + 1] for b in range(NBUF)]
        cb = [bufs[5 * b + 2] for b in range(NBUF)]
        isem = [bufs[5 * b + 3] for b in range(NBUF)]
        osem = [bufs[5 * b + 4] for b in range(NBUF)]

        wid = lax.axis_index("s") * num_cores + lax.axis_index("c")
        bbase = wid * BW

        pltpu.sync_copy(act_hbm.at[pl.ds(bbase, BW)], stage_a)
        pltpu.sync_copy(pos_hbm.at[pl.ds(bbase, BW)], stage_b)

        def fuse_body(i, carry):
            row0 = i * E
            for g in range(NG):
                fv = lax.iota(jnp.int32, LANES) + (g * LANES)
                rpat = fv // L
                cv = fv - rpat * L
                rv = row0 + rpat
                av = plsc.load_gather(stage_a, [rv, cv])
                ov = plsc.load_gather(stage_b, [rv, cv])
                rep = lax.bitwise_and(wid * nch + i, NREP - 1) * 30
                idx2_idx[i, pl.ds(g * LANES, LANES)] = av * 10 + ov + rep
            return carry

        lax.fori_loop(0, nch, fuse_body, 0)
        pltpu.sync_copy(pid_hbm.at[pl.ds(bbase, BW)], stage_a)

        def repack_body(i, carry):
            row0 = i * E
            for g in range(NG):
                fv = lax.iota(jnp.int32, LANES) + (g * LANES)
                rpat = fv // L
                cv = fv - rpat * L
                rv = row0 + rpat
                pv = plsc.load_gather(stage_a, [rv, cv])
                pid_idx[i, pl.ds(g * LANES, LANES)] = pv
            return carry

        lax.fori_loop(0, nch, repack_body, 0)

        def issue_in(i, p):
            boff = bbase + i * E
            pltpu.async_copy(x_hbm.at[pl.ds(boff, E)], xb[p], isem[p])
            pltpu.async_copy(ptab_hbm.at[pid_idx.at[i]], pb[p], isem[p])
            pltpu.async_copy(ctab_hbm.at[idx2_idx.at[i]], cb[p], isem[p])

        def wait_in(i, p):
            boff = bbase + i * E
            pltpu.make_async_copy(x_hbm.at[pl.ds(boff, E)], xb[p], isem[p]).wait()
            pltpu.make_async_copy(ptab_hbm.at[pid_idx.at[i]], pb[p], isem[p]).wait()
            pltpu.make_async_copy(ctab_hbm.at[idx2_idx.at[i]], cb[p], isem[p]).wait()

        def wait_out(p):
            pltpu.make_async_copy(xb[p], out_hbm.at[pl.ds(bbase, E)],
                                  osem[p]).wait()

        for p in range(NBUF - 1):
            issue_in(p, p)

        def step(t, carry):
            for s in range(NBUF):
                i = NBUF * t + s
                p = s
                wait_in(i, p)

                def row_body(r, rc):
                    for e in range(E):
                        q = e * L + r
                        for g in range(H // LANES):
                            sl = pl.ds(g * LANES, LANES)
                            plsc.addupdate(xb[p].at[e, r, sl], pb[p][q, sl])
                            plsc.addupdate(xb[p].at[e, r, sl], cb[p][q, sl])
                    return rc

                lax.fori_loop(0, L, row_body, 0)
                pltpu.async_copy(xb[p], out_hbm.at[pl.ds(bbase + i * E, E)],
                                 osem[p])

                nxt = i + NBUF - 1
                pn = (s + NBUF - 1) % NBUF

                @pl.when(i >= 1)
                def _():
                    wait_out(pn)

                @pl.when(nxt < nch)
                def _():
                    issue_in(nxt, pn)
            return carry

        lax.fori_loop(0, nch // NBUF, step, 0)
        wait_out(NBUF - 1)

    return k


def kernel(x, player_ids, actions, positions, player_weight, action_weight,
           position_weight):
    B, L, Hd = x.shape
    pid = player_ids.astype(jnp.int32)
    act = actions.astype(jnp.int32)
    pos = positions.astype(jnp.int32)
    combo = (action_weight[:, None, :] + position_weight[None, :, :]).reshape(
        -1, Hd)
    combo = jnp.tile(combo, (NREP, 1))
    t128 = _relayout_table(player_weight)
    info = plsc.get_sparse_core_info()
    return _make_kernel(B, L, info.num_cores, info.num_subcores)(
        x, pid, act, pos, t128, combo)

# --- scband reference (transcript-rebuilt; emitter-appended) ---
"""Pipeline reference for scband-player-dynamics-attention-89146341195921 (READ-ONLY COPY).

The authoritative reference and input builder live on the scoring server;
editing this copy changes nothing except your own understanding.
"""

import jax, jax.numpy as jnp
import numpy as np

HIDDEN_DIM = 64
NUM_PLAYERS = 1000000
NUM_ACTIONS = 3
MAX_POSITIONS = 10
B, L = 16384, 20


def _xavier_uniform(key, fan_in, fan_out):
    bound = float(np.sqrt(6.0 / (fan_in + fan_out)))
    return jax.random.uniform(key, (fan_in, fan_out), dtype=jnp.float32, minval=-bound, maxval=bound)


def setup_inputs(seed: int = 0) -> dict:
    key = jax.random.key(seed)
    k_x, k_pid, k_act, k_pos, k_pw, k_aw, k_ow = jax.random.split(key, 7)
    x = jax.random.normal(k_x, (B, L, HIDDEN_DIM), dtype=jnp.float32)
    player_ids = jax.random.randint(k_pid, (B, L), 0, NUM_PLAYERS, dtype=jnp.int64) if jax.config.jax_enable_x64 else jax.random.randint(k_pid, (B, L), 0, NUM_PLAYERS).astype(jnp.int32)
    actions = jax.random.randint(k_act, (B, L), 0, NUM_ACTIONS).astype(jnp.int32)
    positions = jax.random.randint(k_pos, (B, L), 0, MAX_POSITIONS).astype(jnp.int32)
    player_weight = _xavier_uniform(k_pw, NUM_PLAYERS, HIDDEN_DIM)
    action_weight = _xavier_uniform(k_aw, NUM_ACTIONS, HIDDEN_DIM)
    position_weight = _xavier_uniform(k_ow, MAX_POSITIONS, HIDDEN_DIM)
    return {
        "x": x,
        "player_ids": player_ids,
        "actions": actions,
        "positions": positions,
        "player_weight": player_weight,
        "action_weight": action_weight,
        "position_weight": position_weight,
    }


def reference(x, player_ids, actions, positions, player_weight, action_weight, position_weight):
    max_pos = MAX_POSITIONS - 1
    positions = jnp.clip(positions, 0, max_pos)
    # embedding lookups (gather)
    player_embed = jnp.take(player_weight, player_ids, axis=0)
    action_embed = jnp.take(action_weight, actions, axis=0)
    # dropout in eval mode == identity (module's self.dropout is undefined; treated as identity)
    position_embed = jnp.take(position_weight, positions, axis=0)
    return x + player_embed + action_embed + position_embed

if __name__ == "__main__":
    import jax
    _d = setup_inputs()
    print(jax.jit(kernel)(*tuple(_d.values())))

</pallas_src>

<mosaic_0001>
#map = affine_map<(d0, d1) -> (0, 0, 0)>
#map1 = affine_map<(d0, d1) -> (0, 0)>
module attributes {stable_mosaic.version = 14 : i64} {
  func.func @k(%arg0: i32, %arg1: i32, %arg2: memref<16384x20x64xf32, #tpu.memory_space<hbm>>, %arg3: memref<16384x20xi32, #tpu.memory_space<hbm>>, %arg4: memref<16384x20xi32, #tpu.memory_space<hbm>>, %arg5: memref<16384x20xi32, #tpu.memory_space<hbm>>, %arg6: memref<1000000x128xf32, #tpu.memory_space<hbm>>, %arg7: memref<15360x64xf32, #tpu.memory_space<hbm>>, %arg8: memref<16384x20x64xf32, #tpu.memory_space<hbm>>, %arg9: memref<512x20xi32, #tpu.memory_space<vmem>>, %arg10: memref<512x20xi32, #tpu.memory_space<vmem>>, %arg11: memref<128x80xi32, #tpu.memory_space<vmem>>, %arg12: memref<128x80xi32, #tpu.memory_space<vmem>>, %arg13: memref<4x20x64xf32, #tpu.memory_space<vmem>>, %arg14: memref<80x128xf32, #tpu.memory_space<vmem>>, %arg15: memref<80x64xf32, #tpu.memory_space<vmem>>, %arg16: memref<!tpu.dma_semaphore, #tpu.memory_space<semaphore_mem>>, %arg17: memref<!tpu.dma_semaphore, #tpu.memory_space<semaphore_mem>>, %arg18: memref<4x20x64xf32, #tpu.memory_space<vmem>>, %arg19: memref<80x128xf32, #tpu.memory_space<vmem>>, %arg20: memref<80x64xf32, #tpu.memory_space<vmem>>, %arg21: memref<!tpu.dma_semaphore, #tpu.memory_space<semaphore_mem>>, %arg22: memref<!tpu.dma_semaphore, #tpu.memory_space<semaphore_mem>>, %arg23: memref<4x20x64xf32, #tpu.memory_space<vmem>>, %arg24: memref<80x128xf32, #tpu.memory_space<vmem>>, %arg25: memref<80x64xf32, #tpu.memory_space<vmem>>, %arg26: memref<!tpu.dma_semaphore, #tpu.memory_space<semaphore_mem>>, %arg27: memref<!tpu.dma_semaphore, #tpu.memory_space<semaphore_mem>>, %arg28: memref<4x20x64xf32, #tpu.memory_space<vmem>>, %arg29: memref<80x128xf32, #tpu.memory_space<vmem>>, %arg30: memref<80x64xf32, #tpu.memory_space<vmem>>, %arg31: memref<!tpu.dma_semaphore, #tpu.memory_space<semaphore_mem>>, %arg32: memref<!tpu.dma_semaphore, #tpu.memory_space<semaphore_mem>>) attributes {dimension_semantics = [#tpu.dimension_semantics<core_parallel>, #tpu.dimension_semantics<subcore_parallel>], iteration_bounds = array<i64: 2, 16>, scalar_prefetch = 0 : i64, scratch_operands = 24 : i64, tpu.core_type = #tpu.core_type<sc_vector_subcore>, window_params = [{transform_indices = #map}, {transform_indices = #map1}, {transform_indices = #map1}, {transform_indices = #map1}, {transform_indices = #map1}, {transform_indices = #map1}, {transform_indices = #map}]} {
    %mul3A = arith.constant 2 : i32
    %mul3A_0 = arith.muli %arg1, %mul3A : i32
    %add3A = arith.addi %mul3A_0, %arg0 : i32
    %mul3A_1 = arith.constant 512 : i32
    %mul3A_2 = arith.muli %add3A, %mul3A_1 : i32
    "tpu.region"() ({
      %run_scoped3A = tpu.sem_alloc : memref<!tpu.dma_semaphore, #tpu.memory_space<semaphore_mem>>
      %dma_start3A_90 = arith.constant 0 : i32
      %dma_start3A_91 = tpu.memref_slice %arg4[%mul3A_2, %dma_start3A_90] : memref<16384x20xi32, #tpu.memory_space<hbm>> -> memref<512x20xi32, #tpu.memory_space<hbm>>
      %dma_start3A_92 = arith.constant 0 : i32
      %dma_start3A_93 = tpu.memref_slice %arg4[%mul3A_2, %dma_start3A_92] : memref<16384x20xi32, #tpu.memory_space<hbm>> -> memref<512x20xi32, #tpu.memory_space<hbm>>
      tpu.enqueue_dma source(%dma_start3A_93 : memref<512x20xi32, #tpu.memory_space<hbm>>) target(%arg9 : memref<512x20xi32, #tpu.memory_space<vmem>>) target_semaphore(%run_scoped3A : memref<!tpu.dma_semaphore, #tpu.memory_space<semaphore_mem>>)
      %dma_wait3A_94 = arith.constant 0 : i32
      %dma_wait3A_95 = tpu.memref_slice %arg4[%mul3A_2, %dma_wait3A_94] : memref<16384x20xi32, #tpu.memory_space<hbm>> -> memref<512x20xi32, #tpu.memory_space<hbm>>
      %dma_wait3A_96 = arith.constant 0 : i32
      %dma_wait3A_97 = tpu.memref_slice %arg4[%mul3A_2, %dma_wait3A_96] : memref<16384x20xi32, #tpu.memory_space<hbm>> -> memref<512x20xi32, #tpu.memory_space<hbm>>
      tpu.wait_dma2 semaphore(%run_scoped3A : memref<!tpu.dma_semaphore, #tpu.memory_space<semaphore_mem>>) src(%dma_wait3A_97 : memref<512x20xi32, #tpu.memory_space<hbm>>) dst(%arg9 : memref<512x20xi32, #tpu.memory_space<vmem>>)
      tpu.yield
    }) : () -> ()
    "tpu.region"() ({
      %run_scoped3A = tpu.sem_alloc : memref<!tpu.dma_semaphore, #tpu.memory_space<semaphore_mem>>
      %dma_start3A_90 = arith.constant 0 : i32
      %dma_start3A_91 = tpu.memref_slice %arg5[%mul3A_2, %dma_start3A_90] : memref<16384x20xi32, #tpu.memory_space<hbm>> -> memref<512x20xi32, #tpu.memory_space<hbm>>
      %dma_start3A_92 = arith.constant 0 : i32
      %dma_start3A_93 = tpu.memref_slice %arg5[%mul3A_2, %dma_start3A_92] : memref<16384x20xi32, #tpu.memory_space<hbm>> -> memref<512x20xi32, #tpu.memory_space<hbm>>
      tpu.enqueue_dma source(%dma_start3A_93 : memref<512x20xi32, #tpu.memory_space<hbm>>) target(%arg10 : memref<512x20xi32, #tpu.memory_space<vmem>>) target_semaphore(%run_scoped3A : memref<!tpu.dma_semaphore, #tpu.memory_space<semaphore_mem>>)
      %dma_wait3A_94 = arith.constant 0 : i32
      %dma_wait3A_95 = tpu.memref_slice %arg5[%mul3A_2, %dma_wait3A_94] : memref<16384x20xi32, #tpu.memory_space<hbm>> -> memref<512x20xi32, #tpu.memory_space<hbm>>
      %dma_wait3A_96 = arith.constant 0 : i32
      %dma_wait3A_97 = tpu.memref_slice %arg5[%mul3A_2, %dma_wait3A_96] : memref<16384x20xi32, #tpu.memory_space<hbm>> -> memref<512x20xi32, #tpu.memory_space<hbm>>
      tpu.wait_dma2 semaphore(%run_scoped3A : memref<!tpu.dma_semaphore, #tpu.memory_space<semaphore_mem>>) src(%dma_wait3A_97 : memref<512x20xi32, #tpu.memory_space<hbm>>) dst(%arg10 : memref<512x20xi32, #tpu.memory_space<vmem>>)
      tpu.yield
    }) : () -> ()
    %scan3A = arith.constant 0 : i32
    %scan3A_3 = arith.constant 0 : i32
    %scan3A_4 = arith.constant 128 : i32
    %scan3A_5 = arith.addi %scan3A_3, %scan3A_4 : i32
    %scan3A_6 = arith.constant 1 : i32
    scf.for %scan3A_90 = %scan3A_3 to %scan3A_5 step %scan3A_6  : i32 {
      %mul3A_91 = arith.constant 4 : i32
      %mul3A_92 = arith.muli %scan3A_90, %mul3A_91 : i32
      %iota3A = tpu.iota {dimensions = array<i32: 0>} : vector<16xi32>
      %add3A_93 = arith.constant 0 : i32
      %add3A_94 = vector.broadcast %add3A_93 : i32 to vector<16xi32>
      %add3A_95 = arith.addi %iota3A, %add3A_94 : vector<16xi32>
      %jit3A = arith.constant 20 : i32
      %div3A = vector.broadcast %jit3A : i32 to vector<16xi32>
      %div3A_96 = arith.divsi %add3A_95, %div3A : vector<16xi32>
      %sign3A = arith.constant 0 : i32
      %sign3A_97 = vector.broadcast %sign3A : i32 to vector<16xi32>
      %sign3A_98 = arith.cmpi sgt, %add3A_95, %sign3A_97 : vector<16xi32>
      %sign3A_99 = arith.extui %sign3A_98 : vector<16xi1> to vector<16xi32>
      %sign3A_100 = arith.constant 0 : i32
      %sign3A_101 = vector.broadcast %sign3A_100 : i32 to vector<16xi32>
      %sign3A_102 = arith.cmpi slt, %add3A_95, %sign3A_101 : vector<16xi32>
      %sign3A_103 = arith.extui %sign3A_102 : vector<16xi1> to vector<16xi32>
      %sign3A_104 = arith.subi %sign3A_99, %sign3A_103 : vector<16xi32>
      %sign3A_105 = arith.constant 0 : i32
      %sign3A_106 = arith.cmpi sgt, %jit3A, %sign3A_105 : i32
      %sign3A_107 = arith.extui %sign3A_106 : i1 to i32
      %sign3A_108 = arith.constant 0 : i32
      %sign3A_109 = arith.cmpi slt, %jit3A, %sign3A_108 : i32
      %sign3A_110 = arith.extui %sign3A_109 : i1 to i32
      %sign3A_111 = arith.subi %sign3A_107, %sign3A_110 : i32
      %ne3A = vector.broadcast %sign3A_111 : i32 to vector<16xi32>
      %ne3A_112 = arith.cmpi ne, %sign3A_104, %ne3A : vector<16xi32>
      %rem3A = vector.broadcast %jit3A : i32 to vector<16xi32>
      %rem3A_113 = arith.remsi %add3A_95, %rem3A : vector<16xi32>
      %ne3A_114 = arith.constant 0 : i32
      %ne3A_115 = vector.broadcast %ne3A_114 : i32 to vector<16xi32>
      %ne3A_116 = arith.cmpi ne, %rem3A_113, %ne3A_115 : vector<16xi32>
      %and3A = arith.andi %ne3A_112, %ne3A_116 : vector<16xi1>
      %sub3A = arith.constant 1 : i32
      %sub3A_117 = vector.broadcast %sub3A : i32 to vector<16xi32>
      %sub3A_118 = arith.subi %div3A_96, %sub3A_117 : vector<16xi32>
      %select_n3A = arith.select %and3A, %sub3A_118, %div3A_96 : vector<16xi1>, vector<16xi32>
      %mul3A_119 = arith.constant 20 : i32
      %mul3A_120 = vector.broadcast %mul3A_119 : i32 to vector<16xi32>
      %mul3A_121 = arith.muli %select_n3A, %mul3A_120 : vector<16xi32>
      %sub3A_122 = arith.subi %add3A_95, %mul3A_121 : vector<16xi32>
      %add3A_123 = vector.broadcast %mul3A_92 : i32 to vector<16xi32>
      %add3A_124 = arith.addi %add3A_123, %select_n3A : vector<16xi32>
      %gather3A = tpu.vector_load_idx %arg9[%add3A_124, %sub3A_122] : memref<512x20xi32, #tpu.memory_space<vmem>>[vector<16xi32>, vector<16xi32>], vector<16xi32>,
      %gather3A_125 = tpu.vector_load_idx %arg10[%add3A_124, %sub3A_122] : memref<512x20xi32, #tpu.memory_space<vmem>>[vector<16xi32>, vector<16xi32>], vector<16xi32>,
      %mul3A_126 = arith.constant 128 : i32
      %mul3A_127 = arith.muli %add3A, %mul3A_126 : i32
      %add3A_128 = arith.addi %mul3A_127, %scan3A_90 : i32
      %and3A_129 = arith.constant 511 : i32
      %and3A_130 = arith.andi %add3A_128, %and3A_129 : i32
      %mul3A_131 = arith.constant 30 : i32
      %mul3A_132 = arith.muli %and3A_130, %mul3A_131 : i32
      %mul3A_133 = arith.constant 10 : i32
      %mul3A_134 = vector.broadcast %mul3A_133 : i32 to vector<16xi32>
      %mul3A_135 = arith.muli %gather3A, %mul3A_134 : vector<16xi32>
      %add3A_136 = arith.addi %mul3A_135, %gather3A_125 : vector<16xi32>
      %add3A_137 = vector.broadcast %mul3A_132 : i32 to vector<16xi32>
      %add3A_138 = arith.addi %add3A_136, %add3A_137 : vector<16xi32>
      %swap3A = arith.index_cast %scan3A_90 : i32 to index
      %swap3A_139 = arith.constant 0 : index
      %swap3A_140 = tpu.vector_load %arg12[%swap3A, %swap3A_139] {strides = array<i32>} : memref<128x80xi32, #tpu.memory_space<vmem>>, vector<16xi32>,
      tpu.vector_store %arg12[%swap3A, %swap3A_139], %add3A_138 {strides = array<i32>} : memref<128x80xi32, #tpu.memory_space<vmem>>, vector<16xi32>,
      %iota3A_141 = tpu.iota {dimensions = array<i32: 0>} : vector<16xi32>
      %add3A_142 = arith.constant 16 : i32
      %add3A_143 = vector.broadcast %add3A_142 : i32 to vector<16xi32>
      %add3A_144 = arith.addi %iota3A_141, %add3A_143 : vector<16xi32>
      %jit3A_145 = arith.constant 20 : i32
      %div3A_146 = vector.broadcast %jit3A_145 : i32 to vector<16xi32>
      %div3A_147 = arith.divsi %add3A_144, %div3A_146 : vector<16xi32>
      %sign3A_148 = arith.constant 0 : i32
      %sign3A_149 = vector.broadcast %sign3A_148 : i32 to vector<16xi32>
      %sign3A_150 = arith.cmpi sgt, %add3A_144, %sign3A_149 : vector<16xi32>
      %sign3A_151 = arith.extui %sign3A_150 : vector<16xi1> to vector<16xi32>
      %sign3A_152 = arith.constant 0 : i32
      %sign3A_153 = vector.broadcast %sign3A_152 : i32 to vector<16xi32>
      %sign3A_154 = arith.cmpi slt, %add3A_144, %sign3A_153 : vector<16xi32>
      %sign3A_155 = arith.extui %sign3A_154 : vector<16xi1> to vector<16xi32>
      %sign3A_156 = arith.subi %sign3A_151, %sign3A_155 : vector<16xi32>
      %sign3A_157 = arith.constant 0 : i32
      %sign3A_158 = arith.cmpi sgt, %jit3A_145, %sign3A_157 : i32
      %sign3A_159 = arith.extui %sign3A_158 : i1 to i32
      %sign3A_160 = arith.constant 0 : i32
      %sign3A_161 = arith.cmpi slt, %jit3A_145, %sign3A_160 : i32
      %sign3A_162 = arith.extui %sign3A_161 : i1 to i32
      %sign3A_163 = arith.subi %sign3A_159, %sign3A_162 : i32
      %ne3A_164 = vector.broadcast %sign3A_163 : i32 to vector<16xi32>
      %ne3A_165 = arith.cmpi ne, %sign3A_156, %ne3A_164 : vector<16xi32>
      %rem3A_166 = vector.broadcast %jit3A_145 : i32 to vector<16xi32>
      %rem3A_167 = arith.remsi %add3A_144, %rem3A_166 : vector<16xi32>
      %ne3A_168 = arith.constant 0 : i32
      %ne3A_169 = vector.broadcast %ne3A_168 : i32 to vector<16xi32>
      %ne3A_170 = arith.cmpi ne, %rem3A_167, %ne3A_169 : vector<16xi32>
      %and3A_171 = arith.andi %ne3A_165, %ne3A_170 : vector<16xi1>
      %sub3A_172 = arith.constant 1 : i32
      %sub3A_173 = vector.broadcast %sub3A_172 : i32 to vector<16xi32>
      %sub3A_174 = arith.subi %div3A_147, %sub3A_173 : vector<16xi32>
      %select_n3A_175 = arith.select %and3A_171, %sub3A_174, %div3A_147 : vector<16xi1>, vector<16xi32>
      %mul3A_176 = arith.constant 20 : i32
      %mul3A_177 = vector.broadcast %mul3A_176 : i32 to vector<16xi32>
      %mul3A_178 = arith.muli %select_n3A_175, %mul3A_177 : vector<16xi32>
      %sub3A_179 = arith.subi %add3A_144, %mul3A_178 : vector<16xi32>
      %add3A_180 = vector.broadcast %mul3A_92 : i32 to vector<16xi32>
      %add3A_181 = arith.addi %add3A_180, %select_n3A_175 : vector<16xi32>
      %gather3A_182 = tpu.vector_load_idx %arg9[%add3A_181, %sub3A_179] : memref<512x20xi32, #tpu.memory_space<vmem>>[vector<16xi32>, vector<16xi32>], vector<16xi32>,
      %gather3A_183 = tpu.vector_load_idx %arg10[%add3A_181, %sub3A_179] : memref<512x20xi32, #tpu.memory_space<vmem>>[vector<16xi32>, vector<16xi32>], vector<16xi32>,
      %mul3A_184 = arith.constant 128 : i32
      %mul3A_185 = arith.muli %add3A, %mul3A_184 : i32
      %add3A_186 = arith.addi %mul3A_185, %scan3A_90 : i32
      %and3A_187 = arith.constant 511 : i32
      %and3A_188 = arith.andi %add3A_186, %and3A_187 : i32
      %mul3A_189 = arith.constant 30 : i32
      %mul3A_190 = arith.muli %and3A_188, %mul3A_189 : i32
      %mul3A_191 = arith.constant 10 : i32
      %mul3A_192 = vector.broadcast %mul3A_191 : i32 to vector<16xi32>
      %mul3A_193 = arith.muli %gather3A_182, %mul3A_192 : vector<16xi32>
      %add3A_194 = arith.addi %mul3A_193, %gather3A_183 : vector<16xi32>
      %add3A_195 = vector.broadcast %mul3A_190 : i32 to vector<16xi32>
      %add3A_196 = arith.addi %add3A_194, %add3A_195 : vector<16xi32>
      %swap3A_197 = arith.index_cast %scan3A_90 : i32 to index
      %swap3A_198 = arith.constant 16 : index
      %swap3A_199 = tpu.vector_load %arg12[%swap3A_197, %swap3A_198] {strides = array<i32>} : memref<128x80xi32, #tpu.memory_space<vmem>>, vector<16xi32>,
      tpu.vector_store %arg12[%swap3A_197, %swap3A_198], %add3A_196 {strides = array<i32>} : memref<128x80xi32, #tpu.memory_space<vmem>>, vector<16xi32>,
      %iota3A_200 = tpu.iota {dimensions = array<i32: 0>} : vector<16xi32>
      %add3A_201 = arith.constant 32 : i32
      %add3A_202 = vector.broadcast %add3A_201 : i32 to vector<16xi32>
      %add3A_203 = arith.addi %iota3A_200, %add3A_202 : vector<16xi32>
      %jit3A_204 = arith.constant 20 : i32
      %div3A_205 = vector.broadcast %jit3A_204 : i32 to vector<16xi32>
      %div3A_206 = arith.divsi %add3A_203, %div3A_205 : vector<16xi32>
      %sign3A_207 = arith.constant 0 : i32
      %sign3A_208 = vector.broadcast %sign3A_207 : i32 to vector<16xi32>
      %sign3A_209 = arith.cmpi sgt, %add3A_203, %sign3A_208 : vector<16xi32>
      %sign3A_210 = arith.extui %sign3A_209 : vector<16xi1> to vector<16xi32>
      %sign3A_211 = arith.constant 0 : i32
      %sign3A_212 = vector.broadcast %sign3A_211 : i32 to vector<16xi32>
      %sign3A_213 = arith.cmpi slt, %add3A_203, %sign3A_212 : vector<16xi32>
      %sign3A_214 = arith.extui %sign3A_213 : vector<16xi1> to vector<16xi32>
      %sign3A_215 = arith.subi %sign3A_210, %sign3A_214 : vector<16xi32>
      %sign3A_216 = arith.constant 0 : i32
      %sign3A_217 = arith.cmpi sgt, %jit3A_204, %sign3A_216 : i32
      %sign3A_218 = arith.extui %sign3A_217 : i1 to i32
      %sign3A_219 = arith.constant 0 : i32
      %sign3A_220 = arith.cmpi slt, %jit3A_204, %sign3A_219 : i32
      %sign3A_221 = arith.extui %sign3A_220 : i1 to i32
      %sign3A_222 = arith.subi %sign3A_218, %sign3A_221 : i32
      %ne3A_223 = vector.broadcast %sign3A_222 : i32 to vector<16xi32>
      %ne3A_224 = arith.cmpi ne, %sign3A_215, %ne3A_223 : vector<16xi32>
      %rem3A_225 = vector.broadcast %jit3A_204 : i32 to vector<16xi32>
      %rem3A_226 = arith.remsi %add3A_203, %rem3A_225 : vector<16xi32>
      %ne3A_227 = arith.constant 0 : i32
      %ne3A_228 = vector.broadcast %ne3A_227 : i32 to vector<16xi32>
      %ne3A_229 = arith.cmpi ne, %rem3A_226, %ne3A_228 : vector<16xi32>
      %and3A_230 = arith.andi %ne3A_224, %ne3A_229 : vector<16xi1>
      %sub3A_231 = arith.constant 1 : i32
      %sub3A_232 = vector.broadcast %sub3A_231 : i32 to vector<16xi32>
      %sub3A_233 = arith.subi %div3A_206, %sub3A_232 : vector<16xi32>
      %select_n3A_234 = arith.select %and3A_230, %sub3A_233, %div3A_206 : vector<16xi1>, vector<16xi32>
      %mul3A_235 = arith.constant 20 : i32
      %mul3A_236 = vector.broadcast %mul3A_235 : i32 to vector<16xi32>
      %mul3A_237 = arith.muli %select_n3A_234, %mul3A_236 : vector<16xi32>
      %sub3A_238 = arith.subi %add3A_203, %mul3A_237 : vector<16xi32>
      %add3A_239 = vector.broadcast %mul3A_92 : i32 to vector<16xi32>
      %add3A_240 = arith.addi %add3A_239, %select_n3A_234 : vector<16xi32>
      %gather3A_241 = tpu.vector_load_idx %arg9[%add3A_240, %sub3A_238] : memref<512x20xi32, #tpu.memory_space<vmem>>[vector<16xi32>, vector<16xi32>], vector<16xi32>,
      %gather3A_242 = tpu.vector_load_idx %arg10[%add3A_240, %sub3A_238] : memref<512x20xi32, #tpu.memory_space<vmem>>[vector<16xi32>, vector<16xi32>], vector<16xi32>,
      %mul3A_243 = arith.constant 128 : i32
      %mul3A_244 = arith.muli %add3A, %mul3A_243 : i32
      %add3A_245 = arith.addi %mul3A_244, %scan3A_90 : i32
      %and3A_246 = arith.constant 511 : i32
      %and3A_247 = arith.andi %add3A_245, %and3A_246 : i32
      %mul3A_248 = arith.constant 30 : i32
      %mul3A_249 = arith.muli %and3A_247, %mul3A_248 : i32
      %mul3A_250 = arith.constant 10 : i32
      %mul3A_251 = vector.broadcast %mul3A_250 : i32 to vector<16xi32>
      %mul3A_252 = arith.muli %gather3A_241, %mul3A_251 : vector<16xi32>
      %add3A_253 = arith.addi %mul3A_252, %gather3A_242 : vector<16xi32>
      %add3A_254 = vector.broadcast %mul3A_249 : i32 to vector<16xi32>
      %add3A_255 = arith.addi %add3A_253, %add3A_254 : vector<16xi32>
      %swap3A_256 = arith.index_cast %scan3A_90 : i32 to index
      %swap3A_257 = arith.constant 32 : index
      %swap3A_258 = tpu.vector_load %arg12[%swap3A_256, %swap3A_257] {strides = array<i32>} : memref<128x80xi32, #tpu.memory_space<vmem>>, vector<16xi32>,
      tpu.vector_store %arg12[%swap3A_256, %swap3A_257], %add3A_255 {strides = array<i32>} : memref<128x80xi32, #tpu.memory_space<vmem>>, vector<16xi32>,
      %iota3A_259 = tpu.iota {dimensions = array<i32: 0>} : vector<16xi32>
      %add3A_260 = arith.constant 48 : i32
      %add3A_261 = vector.broadcast %add3A_260 : i32 to vector<16xi32>
      %add3A_262 = arith.addi %iota3A_259, %add3A_261 : vector<16xi32>
      %jit3A_263 = arith.constant 20 : i32
      %div3A_264 = vector.broadcast %jit3A_263 : i32 to vector<16xi32>
      %div3A_265 = arith.divsi %add3A_262, %div3A_264 : vector<16xi32>
      %sign3A_266 = arith.constant 0 : i32
      %sign3A_267 = vector.broadcast %sign3A_266 : i32 to vector<16xi32>
      %sign3A_268 = arith.cmpi sgt, %add3A_262, %sign3A_267 : vector<16xi32>
      %sign3A_269 = arith.extui %sign3A_268 : vector<16xi1> to vector<16xi32>
      %sign3A_270 = arith.constant 0 : i32
      %sign3A_271 = vector.broadcast %sign3A_270 : i32 to vector<16xi32>
      %sign3A_272 = arith.cmpi slt, %add3A_262, %sign3A_271 : vector<16xi32>
      %sign3A_273 = arith.extui %sign3A_272 : vector<16xi1> to vector<16xi32>
      %sign3A_274 = arith.subi %sign3A_269, %sign3A_273 : vector<16xi32>
      %sign3A_275 = arith.constant 0 : i32
      %sign3A_276 = arith.cmpi sgt, %jit3A_263, %sign3A_275 : i32
      %sign3A_277 = arith.extui %sign3A_276 : i1 to i32
      %sign3A_278 = arith.constant 0 : i32
      %sign3A_279 = arith.cmpi slt, %jit3A_263, %sign3A_278 : i32
      %sign3A_280 = arith.extui %sign3A_279 : i1 to i32
      %sign3A_281 = arith.subi %sign3A_277, %sign3A_280 : i32
      %ne3A_282 = vector.broadcast %sign3A_281 : i32 to vector<16xi32>
      %ne3A_283 = arith.cmpi ne, %sign3A_274, %ne3A_282 : vector<16xi32>
      %rem3A_284 = vector.broadcast %jit3A_263 : i32 to vector<16xi32>
      %rem3A_285 = arith.remsi %add3A_262, %rem3A_284 : vector<16xi32>
      %ne3A_286 = arith.constant 0 : i32
      %ne3A_287 = vector.broadcast %ne3A_286 : i32 to vector<16xi32>
      %ne3A_288 = arith.cmpi ne, %rem3A_285, %ne3A_287 : vector<16xi32>
      %and3A_289 = arith.andi %ne3A_283, %ne3A_288 : vector<16xi1>
      %sub3A_290 = arith.constant 1 : i32
      %sub3A_291 = vector.broadcast %sub3A_290 : i32 to vector<16xi32>
      %sub3A_292 = arith.subi %div3A_265, %sub3A_291 : vector<16xi32>
      %select_n3A_293 = arith.select %and3A_289, %sub3A_292, %div3A_265 : vector<16xi1>, vector<16xi32>
      %mul3A_294 = arith.constant 20 : i32
      %mul3A_295 = vector.broadcast %mul3A_294 : i32 to vector<16xi32>
      %mul3A_296 = arith.muli %select_n3A_293, %mul3A_295 : vector<16xi32>
      %sub3A_297 = arith.subi %add3A_262, %mul3A_296 : vector<16xi32>
      %add3A_298 = vector.broadcast %mul3A_92 : i32 to vector<16xi32>
      %add3A_299 = arith.addi %add3A_298, %select_n3A_293 : vector<16xi32>
      %gather3A_300 = tpu.vector_load_idx %arg9[%add3A_299, %sub3A_297] : memref<512x20xi32, #tpu.memory_space<vmem>>[vector<16xi32>, vector<16xi32>], vector<16xi32>,
      %gather3A_301 = tpu.vector_load_idx %arg10[%add3A_299, %sub3A_297] : memref<512x20xi32, #tpu.memory_space<vmem>>[vector<16xi32>, vector<16xi32>], vector<16xi32>,
      %mul3A_302 = arith.constant 128 : i32
      %mul3A_303 = arith.muli %add3A, %mul3A_302 : i32
      %add3A_304 = arith.addi %mul3A_303, %scan3A_90 : i32
      %and3A_305 = arith.constant 511 : i32
      %and3A_306 = arith.andi %add3A_304, %and3A_305 : i32
      %mul3A_307 = arith.constant 30 : i32
      %mul3A_308 = arith.muli %and3A_306, %mul3A_307 : i32
      %mul3A_309 = arith.constant 10 : i32
      %mul3A_310 = vector.broadcast %mul3A_309 : i32 to vector<16xi32>
      %mul3A_311 = arith.muli %gather3A_300, %mul3A_310 : vector<16xi32>
      %add3A_312 = arith.addi %mul3A_311, %gather3A_301 : vector<16xi32>
      %add3A_313 = vector.broadcast %mul3A_308 : i32 to vector<16xi32>
      %add3A_314 = arith.addi %add3A_312, %add3A_313 : vector<16xi32>
      %swap3A_315 = arith.index_cast %scan3A_90 : i32 to index
      %swap3A_316 = arith.constant 48 : index
      %swap3A_317 = tpu.vector_load %arg12[%swap3A_315, %swap3A_316] {strides = array<i32>} : memref<128x80xi32, #tpu.memory_space<vmem>>, vector<16xi32>,
      tpu.vector_store %arg12[%swap3A_315, %swap3A_316], %add3A_314 {strides = array<i32>} : memref<128x80xi32, #tpu.memory_space<vmem>>, vector<16xi32>,
      %iota3A_318 = tpu.iota {dimensions = array<i32: 0>} : vector<16xi32>
      %add3A_319 = arith.constant 64 : i32
      %add3A_320 = vector.broadcast %add3A_319 : i32 to vector<16xi32>
      %add3A_321 = arith.addi %iota3A_318, %add3A_320 : vector<16xi32>
      %jit3A_322 = arith.constant 20 : i32
      %div3A_323 = vector.broadcast %jit3A_322 : i32 to vector<16xi32>
      %div3A_324 = arith.divsi %add3A_321, %div3A_323 : vector<16xi32>
      %sign3A_325 = arith.constant 0 : i32
      %sign3A_326 = vector.broadcast %sign3A_325 : i32 to vector<16xi32>
      %sign3A_327 = arith.cmpi sgt, %add3A_321, %sign3A_326 : vector<16xi32>
      %sign3A_328 = arith.extui %sign3A_327 : vector<16xi1> to vector<16xi32>
      %sign3A_329 = arith.constant 0 : i32
      %sign3A_330 = vector.broadcast %sign3A_329 : i32 to vector<16xi32>
      %sign3A_331 = arith.cmpi slt, %add3A_321, %sign3A_330 : vector<16xi32>
      %sign3A_332 = arith.extui %sign3A_331 : vector<16xi1> to vector<16xi32>
      %sign3A_333 = arith.subi %sign3A_328, %sign3A_332 : vector<16xi32>
      %sign3A_334 = arith.constant 0 : i32
      %sign3A_335 = arith.cmpi sgt, %jit3A_322, %sign3A_334 : i32
      %sign3A_336 = arith.extui %sign3A_335 : i1 to i32
      %sign3A_337 = arith.constant 0 : i32
      %sign3A_338 = arith.cmpi slt, %jit3A_322, %sign3A_337 : i32
      %sign3A_339 = arith.extui %sign3A_338 : i1 to i32
      %sign3A_340 = arith.subi %sign3A_336, %sign3A_339 : i32
      %ne3A_341 = vector.broadcast %sign3A_340 : i32 to vector<16xi32>
      %ne3A_342 = arith.cmpi ne, %sign3A_333, %ne3A_341 : vector<16xi32>
      %rem3A_343 = vector.broadcast %jit3A_322 : i32 to vector<16xi32>
      %rem3A_344 = arith.remsi %add3A_321, %rem3A_343 : vector<16xi32>
      %ne3A_345 = arith.constant 0 : i32
      %ne3A_346 = vector.broadcast %ne3A_345 : i32 to vector<16xi32>
      %ne3A_347 = arith.cmpi ne, %rem3A_344, %ne3A_346 : vector<16xi32>
      %and3A_348 = arith.andi %ne3A_342, %ne3A_347 : vector<16xi1>
      %sub3A_349 = arith.constant 1 : i32
      %sub3A_350 = vector.broadcast %sub3A_349 : i32 to vector<16xi32>
      %sub3A_351 = arith.subi %div3A_324, %sub3A_350 : vector<16xi32>
      %select_n3A_352 = arith.select %and3A_348, %sub3A_351, %div3A_324 : vector<16xi1>, vector<16xi32>
      %mul3A_353 = arith.constant 20 : i32
      %mul3A_354 = vector.broadcast %mul3A_353 : i32 to vector<16xi32>
      %mul3A_355 = arith.muli %select_n3A_352, %mul3A_354 : vector<16xi32>
      %sub3A_356 = arith.subi %add3A_321, %mul3A_355 : vector<16xi32>
      %add3A_357 = vector.broadcast %mul3A_92 : i32 to vector<16xi32>
      %add3A_358 = arith.addi %add3A_357, %select_n3A_352 : vector<16xi32>
      %gather3A_359 = tpu.vector_load_idx %arg9[%add3A_358, %sub3A_356] : memref<512x20xi32, #tpu.memory_space<vmem>>[vector<16xi32>, vector<16xi32>], vector<16xi32>,
      %gather3A_360 = tpu.vector_load_idx %arg10[%add3A_358, %sub3A_356] : memref<512x20xi32, #tpu.memory_space<vmem>>[vector<16xi32>, vector<16xi32>], vector<16xi32>,
      %mul3A_361 = arith.constant 128 : i32
      %mul3A_362 = arith.muli %add3A, %mul3A_361 : i32
      %add3A_363 = arith.addi %mul3A_362, %scan3A_90 : i32
      %and3A_364 = arith.constant 511 : i32
      %and3A_365 = arith.andi %add3A_363, %and3A_364 : i32
      %mul3A_366 = arith.constant 30 : i32
      %mul3A_367 = arith.muli %and3A_365, %mul3A_366 : i32
      %mul3A_368 = arith.constant 10 : i32
      %mul3A_369 = vector.broadcast %mul3A_368 : i32 to vector<16xi32>
      %mul3A_370 = arith.muli %gather3A_359, %mul3A_369 : vector<16xi32>
      %add3A_371 = arith.addi %mul3A_370, %gather3A_360 : vector<16xi32>
      %add3A_372 = vector.broadcast %mul3A_367 : i32 to vector<16xi32>
      %add3A_373 = arith.addi %add3A_371, %add3A_372 : vector<16xi32>
      %swap3A_374 = arith.index_cast %scan3A_90 : i32 to index
      %swap3A_375 = arith.constant 64 : index
      %swap3A_376 = tpu.vector_load %arg12[%swap3A_374, %swap3A_375] {strides = array<i32>} : memref<128x80xi32, #tpu.memory_space<vmem>>, vector<16xi32>,
      tpu.vector_store %arg12[%swap3A_374, %swap3A_375], %add3A_373 {strides = array<i32>} : memref<128x80xi32, #tpu.memory_space<vmem>>, vector<16xi32>,
    }
    %scan3A_7 = arith.constant 128 : i32
    "tpu.region"() ({
      %run_scoped3A = tpu.sem_alloc : memref<!tpu.dma_semaphore, #tpu.memory_space<semaphore_mem>>
      %dma_start3A_90 = arith.constant 0 : i32
      %dma_start3A_91 = tpu.memref_slice %arg3[%mul3A_2, %dma_start3A_90] : memref<16384x20xi32, #tpu.memory_space<hbm>> -> memref<512x20xi32, #tpu.memory_space<hbm>>
      %dma_start3A_92 = arith.constant 0 : i32
      %dma_start3A_93 = tpu.memref_slice %arg3[%mul3A_2, %dma_start3A_92] : memref<16384x20xi32, #tpu.memory_space<hbm>> -> memref<512x20xi32, #tpu.memory_space<hbm>>
      tpu.enqueue_dma source(%dma_start3A_93 : memref<512x20xi32, #tpu.memory_space<hbm>>) target(%arg9 : memref<512x20xi32, #tpu.memory_space<vmem>>) target_semaphore(%run_scoped3A : memref<!tpu.dma_semaphore, #tpu.memory_space<semaphore_mem>>)
      %dma_wait3A_94 = arith.constant 0 : i32
      %dma_wait3A_95 = tpu.memref_slice %arg3[%mul3A_2, %dma_wait3A_94] : memref<16384x20xi32, #tpu.memory_space<hbm>> -> memref<512x20xi32, #tpu.memory_space<hbm>>
      %dma_wait3A_96 = arith.constant 0 : i32
      %dma_wait3A_97 = tpu.memref_slice %arg3[%mul3A_2, %dma_wait3A_96] : memref<16384x20xi32, #tpu.memory_space<hbm>> -> memref<512x20xi32, #tpu.memory_space<hbm>>
      tpu.wait_dma2 semaphore(%run_scoped3A : memref<!tpu.dma_semaphore, #tpu.memory_space<semaphore_mem>>) src(%dma_wait3A_97 : memref<512x20xi32, #tpu.memory_space<hbm>>) dst(%arg9 : memref<512x20xi32, #tpu.memory_space<vmem>>)
      tpu.yield
    }) : () -> ()
    %scan3A_8 = arith.constant 0 : i32
    %scan3A_9 = arith.constant 0 : i32
    %scan3A_10 = arith.constant 128 : i32
    %scan3A_11 = arith.addi %scan3A_9, %scan3A_10 : i32
    %scan3A_12 = arith.constant 1 : i32
    scf.for %scan3A_90 = %scan3A_9 to %scan3A_11 step %scan3A_12  : i32 {
      %mul3A_91 = arith.constant 4 : i32
      %mul3A_92 = arith.muli %scan3A_90, %mul3A_91 : i32
      %iota3A = tpu.iota {dimensions = array<i32: 0>} : vector<16xi32>
      %add3A_93 = arith.constant 0 : i32
      %add3A_94 = vector.broadcast %add3A_93 : i32 to vector<16xi32>
      %add3A_95 = arith.addi %iota3A, %add3A_94 : vector<16xi32>
      %jit3A = arith.constant 20 : i32
      %div3A = vector.broadcast %jit3A : i32 to vector<16xi32>
      %div3A_96 = arith.divsi %add3A_95, %div3A : vector<16xi32>
      %sign3A = arith.constant 0 : i32
      %sign3A_97 = vector.broadcast %sign3A : i32 to vector<16xi32>
      %sign3A_98 = arith.cmpi sgt, %add3A_95, %sign3A_97 : vector<16xi32>
      %sign3A_99 = arith.extui %sign3A_98 : vector<16xi1> to vector<16xi32>
      %sign3A_100 = arith.constant 0 : i32
      %sign3A_101 = vector.broadcast %sign3A_100 : i32 to vector<16xi32>
      %sign3A_102 = arith.cmpi slt, %add3A_95, %sign3A_101 : vector<16xi32>
      %sign3A_103 = arith.extui %sign3A_102 : vector<16xi1> to vector<16xi32>
      %sign3A_104 = arith.subi %sign3A_99, %sign3A_103 : vector<16xi32>
      %sign3A_105 = arith.constant 0 : i32
      %sign3A_106 = arith.cmpi sgt, %jit3A, %sign3A_105 : i32
      %sign3A_107 = arith.extui %sign3A_106 : i1 to i32
      %sign3A_108 = arith.constant 0 : i32
      %sign3A_109 = arith.cmpi slt, %jit3A, %sign3A_108 : i32
      %sign3A_110 = arith.extui %sign3A_109 : i1 to i32
      %sign3A_111 = arith.subi %sign3A_107, %sign3A_110 : i32
      %ne3A = vector.broadcast %sign3A_111 : i32 to vector<16xi32>
      %ne3A_112 = arith.cmpi ne, %sign3A_104, %ne3A : vector<16xi32>
      %rem3A = vector.broadcast %jit3A : i32 to vector<16xi32>
      %rem3A_113 = arith.remsi %add3A_95, %rem3A : vector<16xi32>
      %ne3A_114 = arith.constant 0 : i32
      %ne3A_115 = vector.broadcast %ne3A_114 : i32 to vector<16xi32>
      %ne3A_116 = arith.cmpi ne, %rem3A_113, %ne3A_115 : vector<16xi32>
      %and3A = arith.andi %ne3A_112, %ne3A_116 : vector<16xi1>
      %sub3A = arith.constant 1 : i32
      %sub3A_117 = vector.broadcast %sub3A : i32 to vector<16xi32>
      %sub3A_118 = arith.subi %div3A_96, %sub3A_117 : vector<16xi32>
      %select_n3A = arith.select %and3A, %sub3A_118, %div3A_96 : vector<16xi1>, vector<16xi32>
      %mul3A_119 = arith.constant 20 : i32
      %mul3A_120 = vector.broadcast %mul3A_119 : i32 to vector<16xi32>
      %mul3A_121 = arith.muli %select_n3A, %mul3A_120 : vector<16xi32>
      %sub3A_122 = arith.subi %add3A_95, %mul3A_121 : vector<16xi32>
      %add3A_123 = vector.broadcast %mul3A_92 : i32 to vector<16xi32>
      %add3A_124 = arith.addi %add3A_123, %select_n3A : vector<16xi32>
      %gather3A = tpu.vector_load_idx %arg9[%add3A_124, %sub3A_122] : memref<512x20xi32, #tpu.memory_space<vmem>>[vector<16xi32>, vector<16xi32>], vector<16xi32>,
      %swap3A = arith.index_cast %scan3A_90 : i32 to index
      %swap3A_125 = arith.constant 0 : index
      %swap3A_126 = tpu.vector_load %arg11[%swap3A, %swap3A_125] {strides = array<i32>} : memref<128x80xi32, #tpu.memory_space<vmem>>, vector<16xi32>,
      tpu.vector_store %arg11[%swap3A, %swap3A_125], %gather3A {strides = array<i32>} : memref<128x80xi32, #tpu.memory_space<vmem>>, vector<16xi32>,
      %iota3A_127 = tpu.iota {dimensions = array<i32: 0>} : vector<16xi32>
      %add3A_128 = arith.constant 16 : i32
      %add3A_129 = vector.broadcast %add3A_128 : i32 to vector<16xi32>
      %add3A_130 = arith.addi %iota3A_127, %add3A_129 : vector<16xi32>
      %jit3A_131 = arith.constant 20 : i32
      %div3A_132 = vector.broadcast %jit3A_131 : i32 to vector<16xi32>
      %div3A_133 = arith.divsi %add3A_130, %div3A_132 : vector<16xi32>
      %sign3A_134 = arith.constant 0 : i32
      %sign3A_135 = vector.broadcast %sign3A_134 : i32 to vector<16xi32>
      %sign3A_136 = arith.cmpi sgt, %add3A_130, %sign3A_135 : vector<16xi32>
      %sign3A_137 = arith.extui %sign3A_136 : vector<16xi1> to vector<16xi32>
      %sign3A_138 = arith.constant 0 : i32
      %sign3A_139 = vector.broadcast %sign3A_138 : i32 to vector<16xi32>
      %sign3A_140 = arith.cmpi slt, %add3A_130, %sign3A_139 : vector<16xi32>
      %sign3A_141 = arith.extui %sign3A_140 : vector<16xi1> to vector<16xi32>
      %sign3A_142 = arith.subi %sign3A_137, %sign3A_141 : vector<16xi32>
      %sign3A_143 = arith.constant 0 : i32
      %sign3A_144 = arith.cmpi sgt, %jit3A_131, %sign3A_143 : i32
      %sign3A_145 = arith.extui %sign3A_144 : i1 to i32
      %sign3A_146 = arith.constant 0 : i32
      %sign3A_147 = arith.cmpi slt, %jit3A_131, %sign3A_146 : i32
      %sign3A_148 = arith.extui %sign3A_147 : i1 to i32
      %sign3A_149 = arith.subi %sign3A_145, %sign3A_148 : i32
      %ne3A_150 = vector.broadcast %sign3A_149 : i32 to vector<16xi32>
      %ne3A_151 = arith.cmpi ne, %sign3A_142, %ne3A_150 : vector<16xi32>
      %rem3A_152 = vector.broadcast %jit3A_131 : i32 to vector<16xi32>
      %rem3A_153 = arith.remsi %add3A_130, %rem3A_152 : vector<16xi32>
      %ne3A_154 = arith.constant 0 : i32
      %ne3A_155 = vector.broadcast %ne3A_154 : i32 to vector<16xi32>
      %ne3A_156 = arith.cmpi ne, %rem3A_153, %ne3A_155 : vector<16xi32>
      %and3A_157 = arith.andi %ne3A_151, %ne3A_156 : vector<16xi1>
      %sub3A_158 = arith.constant 1 : i32
      %sub3A_159 = vector.broadcast %sub3A_158 : i32 to vector<16xi32>
      %sub3A_160 = arith.subi %div3A_133, %sub3A_159 : vector<16xi32>
      %select_n3A_161 = arith.select %and3A_157, %sub3A_160, %div3A_133 : vector<16xi1>, vector<16xi32>
      %mul3A_162 = arith.constant 20 : i32
      %mul3A_163 = vector.broadcast %mul3A_162 : i32 to vector<16xi32>
      %mul3A_164 = arith.muli %select_n3A_161, %mul3A_163 : vector<16xi32>
      %sub3A_165 = arith.subi %add3A_130, %mul3A_164 : vector<16xi32>
      %add3A_166 = vector.broadcast %mul3A_92 : i32 to vector<16xi32>
      %add3A_167 = arith.addi %add3A_166, %select_n3A_161 : vector<16xi32>
      %gather3A_168 = tpu.vector_load_idx %arg9[%add3A_167, %sub3A_165] : memref<512x20xi32, #tpu.memory_space<vmem>>[vector<16xi32>, vector<16xi32>], vector<16xi32>,
      %swap3A_169 = arith.index_cast %scan3A_90 : i32 to index
      %swap3A_170 = arith.constant 16 : index
      %swap3A_171 = tpu.vector_load %arg11[%swap3A_169, %swap3A_170] {strides = array<i32>} : memref<128x80xi32, #tpu.memory_space<vmem>>, vector<16xi32>,
      tpu.vector_store %arg11[%swap3A_169, %swap3A_170], %gather3A_168 {strides = array<i32>} : memref<128x80xi32, #tpu.memory_space<vmem>>, vector<16xi32>,
      %iota3A_172 = tpu.iota {dimensions = array<i32: 0>} : vector<16xi32>
      %add3A_173 = arith.constant 32 : i32
      %add3A_174 = vector.broadcast %add3A_173 : i32 to vector<16xi32>
      %add3A_175 = arith.addi %iota3A_172, %add3A_174 : vector<16xi32>
      %jit3A_176 = arith.constant 20 : i32
      %div3A_177 = vector.broadcast %jit3A_176 : i32 to vector<16xi32>
      %div3A_178 = arith.divsi %add3A_175, %div3A_177 : vector<16xi32>
      %sign3A_179 = arith.constant 0 : i32
      %sign3A_180 = vector.broadcast %sign3A_179 : i32 to vector<16xi32>
      %sign3A_181 = arith.cmpi sgt, %add3A_175, %sign3A_180 : vector<16xi32>
      %sign3A_182 = arith.extui %sign3A_181 : vector<16xi1> to vector<16xi32>
      %sign3A_183 = arith.constant 0 : i32
      %sign3A_184 = vector.broadcast %sign3A_183 : i32 to vector<16xi32>
      %sign3A_185 = arith.cmpi slt, %add3A_175, %sign3A_184 : vector<16xi32>
      %sign3A_186 = arith.extui %sign3A_185 : vector<16xi1> to vector<16xi32>
      %sign3A_187 = arith.subi %sign3A_182, %sign3A_186 : vector<16xi32>
      %sign3A_188 = arith.constant 0 : i32
      %sign3A_189 = arith.cmpi sgt, %jit3A_176, %sign3A_188 : i32
      %sign3A_190 = arith.extui %sign3A_189 : i1 to i32
      %sign3A_191 = arith.constant 0 : i32
      %sign3A_192 = arith.cmpi slt, %jit3A_176, %sign3A_191 : i32
      %sign3A_193 = arith.extui %sign3A_192 : i1 to i32
      %sign3A_194 = arith.subi %sign3A_190, %sign3A_193 : i32
      %ne3A_195 = vector.broadcast %sign3A_194 : i32 to vector<16xi32>
      %ne3A_196 = arith.cmpi ne, %sign3A_187, %ne3A_195 : vector<16xi32>
      %rem3A_197 = vector.broadcast %jit3A_176 : i32 to vector<16xi32>
      %rem3A_198 = arith.remsi %add3A_175, %rem3A_197 : vector<16xi32>
      %ne3A_199 = arith.constant 0 : i32
      %ne3A_200 = vector.broadcast %ne3A_199 : i32 to vector<16xi32>
      %ne3A_201 = arith.cmpi ne, %rem3A_198, %ne3A_200 : vector<16xi32>
      %and3A_202 = arith.andi %ne3A_196, %ne3A_201 : vector<16xi1>
      %sub3A_203 = arith.constant 1 : i32
      %sub3A_204 = vector.broadcast %sub3A_203 : i32 to vector<16xi32>
      %sub3A_205 = arith.subi %div3A_178, %sub3A_204 : vector<16xi32>
      %select_n3A_206 = arith.select %and3A_202, %sub3A_205, %div3A_178 : vector<16xi1>, vector<16xi32>
      %mul3A_207 = arith.constant 20 : i32
      %mul3A_208 = vector.broadcast %mul3A_207 : i32 to vector<16xi32>
      %mul3A_209 = arith.muli %select_n3A_206, %mul3A_208 : vector<16xi32>
      %sub3A_210 = arith.subi %add3A_175, %mul3A_209 : vector<16xi32>
      %add3A_211 = vector.broadcast %mul3A_92 : i32 to vector<16xi32>
      %add3A_212 = arith.addi %add3A_211, %select_n3A_206 : vector<16xi32>
      %gather3A_213 = tpu.vector_load_idx %arg9[%add3A_212, %sub3A_210] : memref<512x20xi32, #tpu.memory_space<vmem>>[vector<16xi32>, vector<16xi32>], vector<16xi32>,
      %swap3A_214 = arith.index_cast %scan3A_90 : i32 to index
      %swap3A_215 = arith.constant 32 : index
      %swap3A_216 = tpu.vector_load %arg11[%swap3A_214, %swap3A_215] {strides = array<i32>} : memref<128x80xi32, #tpu.memory_space<vmem>>, vector<16xi32>,
      tpu.vector_store %arg11[%swap3A_214, %swap3A_215], %gather3A_213 {strides = array<i32>} : memref<128x80xi32, #tpu.memory_space<vmem>>, vector<16xi32>,
      %iota3A_217 = tpu.iota {dimensions = array<i32: 0>} : vector<16xi32>
      %add3A_218 = arith.constant 48 : i32
      %add3A_219 = vector.broadcast %add3A_218 : i32 to vector<16xi32>
      %add3A_220 = arith.addi %iota3A_217, %add3A_219 : vector<16xi32>
      %jit3A_221 = arith.constant 20 : i32
      %div3A_222 = vector.broadcast %jit3A_221 : i32 to vector<16xi32>
      %div3A_223 = arith.divsi %add3A_220, %div3A_222 : vector<16xi32>
      %sign3A_224 = arith.constant 0 : i32
      %sign3A_225 = vector.broadcast %sign3A_224 : i32 to vector<16xi32>
      %sign3A_226 = arith.cmpi sgt, %add3A_220, %sign3A_225 : vector<16xi32>
      %sign3A_227 = arith.extui %sign3A_226 : vector<16xi1> to vector<16xi32>
      %sign3A_228 = arith.constant 0 : i32
      %sign3A_229 = vector.broadcast %sign3A_228 : i32 to vector<16xi32>
      %sign3A_230 = arith.cmpi slt, %add3A_220, %sign3A_229 : vector<16xi32>
      %sign3A_231 = arith.extui %sign3A_230 : vector<16xi1> to vector<16xi32>
      %sign3A_232 = arith.subi %sign3A_227, %sign3A_231 : vector<16xi32>
      %sign3A_233 = arith.constant 0 : i32
      %sign3A_234 = arith.cmpi sgt, %jit3A_221, %sign3A_233 : i32
      %sign3A_235 = arith.extui %sign3A_234 : i1 to i32
      %sign3A_236 = arith.constant 0 : i32
      %sign3A_237 = arith.cmpi slt, %jit3A_221, %sign3A_236 : i32
      %sign3A_238 = arith.extui %sign3A_237 : i1 to i32
      %sign3A_239 = arith.subi %sign3A_235, %sign3A_238 : i32
      %ne3A_240 = vector.broadcast %sign3A_239 : i32 to vector<16xi32>
      %ne3A_241 = arith.cmpi ne, %sign3A_232, %ne3A_240 : vector<16xi32>
      %rem3A_242 = vector.broadcast %jit3A_221 : i32 to vector<16xi32>
      %rem3A_243 = arith.remsi %add3A_220, %rem3A_242 : vector<16xi32>
      %ne3A_244 = arith.constant 0 : i32
      %ne3A_245 = vector.broadcast %ne3A_244 : i32 to vector<16xi32>
      %ne3A_246 = arith.cmpi ne, %rem3A_243, %ne3A_245 : vector<16xi32>
      %and3A_247 = arith.andi %ne3A_241, %ne3A_246 : vector<16xi1>
      %sub3A_248 = arith.constant 1 : i32
      %sub3A_249 = vector.broadcast %sub3A_248 : i32 to vector<16xi32>
      %sub3A_250 = arith.subi %div3A_223, %sub3A_249 : vector<16xi32>
      %select_n3A_251 = arith.select %and3A_247, %sub3A_250, %div3A_223 : vector<16xi1>, vector<16xi32>
      %mul3A_252 = arith.constant 20 : i32
      %mul3A_253 = vector.broadcast %mul3A_252 : i32 to vector<16xi32>
      %mul3A_254 = arith.muli %select_n3A_251, %mul3A_253 : vector<16xi32>
      %sub3A_255 = arith.subi %add3A_220, %mul3A_254 : vector<16xi32>
      %add3A_256 = vector.broadcast %mul3A_92 : i32 to vector<16xi32>
      %add3A_257 = arith.addi %add3A_256, %select_n3A_251 : vector<16xi32>
      %gather3A_258 = tpu.vector_load_idx %arg9[%add3A_257, %sub3A_255] : memref<512x20xi32, #tpu.memory_space<vmem>>[vector<16xi32>, vector<16xi32>], vector<16xi32>,
      %swap3A_259 = arith.index_cast %scan3A_90 : i32 to index
      %swap3A_260 = arith.constant 48 : index
      %swap3A_261 = tpu.vector_load %arg11[%swap3A_259, %swap3A_260] {strides = array<i32>} : memref<128x80xi32, #tpu.memory_space<vmem>>, vector<16xi32>,
      tpu.vector_store %arg11[%swap3A_259, %swap3A_260], %gather3A_258 {strides = array<i32>} : memref<128x80xi32, #tpu.memory_space<vmem>>, vector<16xi32>,
      %iota3A_262 = tpu.iota {dimensions = array<i32: 0>} : vector<16xi32>
      %add3A_263 = arith.constant 64 : i32
      %add3A_264 = vector.broadcast %add3A_263 : i32 to vector<16xi32>
      %add3A_265 = arith.addi %iota3A_262, %add3A_264 : vector<16xi32>
      %jit3A_266 = arith.constant 20 : i32
      %div3A_267 = vector.broadcast %jit3A_266 : i32 to vector<16xi32>
      %div3A_268 = arith.divsi %add3A_265, %div3A_267 : vector<16xi32>
      %sign3A_269 = arith.constant 0 : i32
      %sign3A_270 = vector.broadcast %sign3A_269 : i32 to vector<16xi32>
      %sign3A_271 = arith.cmpi sgt, %add3A_265, %sign3A_270 : vector<16xi32>
      %sign3A_272 = arith.extui %sign3A_271 : vector<16xi1> to vector<16xi32>
      %sign3A_273 = arith.constant 0 : i32
      %sign3A_274 = vector.broadcast %sign3A_273 : i32 to vector<16xi32>
      %sign3A_275 = arith.cmpi slt, %add3A_265, %sign3A_274 : vector<16xi32>
      %sign3A_276 = arith.extui %sign3A_275 : vector<16xi1> to vector<16xi32>
      %sign3A_277 = arith.subi %sign3A_272, %sign3A_276 : vector<16xi32>
      %sign3A_278 = arith.constant 0 : i32
      %sign3A_279 = arith.cmpi sgt, %jit3A_266, %sign3A_278 : i32
      %sign3A_280 = arith.extui %sign3A_279 : i1 to i32
      %sign3A_281 = arith.constant 0 : i32
      %sign3A_282 = arith.cmpi slt, %jit3A_266, %sign3A_281 : i32
      %sign3A_283 = arith.extui %sign3A_282 : i1 to i32
      %sign3A_284 = arith.subi %sign3A_280, %sign3A_283 : i32
      %ne3A_285 = vector.broadcast %sign3A_284 : i32 to vector<16xi32>
      %ne3A_286 = arith.cmpi ne, %sign3A_277, %ne3A_285 : vector<16xi32>
      %rem3A_287 = vector.broadcast %jit3A_266 : i32 to vector<16xi32>
      %rem3A_288 = arith.remsi %add3A_265, %rem3A_287 : vector<16xi32>
      %ne3A_289 = arith.constant 0 : i32
      %ne3A_290 = vector.broadcast %ne3A_289 : i32 to vector<16xi32>
      %ne3A_291 = arith.cmpi ne, %rem3A_288, %ne3A_290 : vector<16xi32>
      %and3A_292 = arith.andi %ne3A_286, %ne3A_291 : vector<16xi1>
      %sub3A_293 = arith.constant 1 : i32
      %sub3A_294 = vector.broadcast %sub3A_293 : i32 to vector<16xi32>
      %sub3A_295 = arith.subi %div3A_268, %sub3A_294 : vector<16xi32>
      %select_n3A_296 = arith.select %and3A_292, %sub3A_295, %div3A_268 : vector<16xi1>, vector<16xi32>
      %mul3A_297 = arith.constant 20 : i32
      %mul3A_298 = vector.broadcast %mul3A_297 : i32 to vector<16xi32>
      %mul3A_299 = arith.muli %select_n3A_296, %mul3A_298 : vector<16xi32>
      %sub3A_300 = arith.subi %add3A_265, %mul3A_299 : vector<16xi32>
      %add3A_301 = vector.broadcast %mul3A_92 : i32 to vector<16xi32>
      %add3A_302 = arith.addi %add3A_301, %select_n3A_296 : vector<16xi32>
      %gather3A_303 = tpu.vector_load_idx %arg9[%add3A_302, %sub3A_300] : memref<512x20xi32, #tpu.memory_space<vmem>>[vector<16xi32>, vector<16xi32>], vector<16xi32>,
      %swap3A_304 = arith.index_cast %scan3A_90 : i32 to index
      %swap3A_305 = arith.constant 64 : index
      %swap3A_306 = tpu.vector_load %arg11[%swap3A_304, %swap3A_305] {strides = array<i32>} : memref<128x80xi32, #tpu.memory_space<vmem>>, vector<16xi32>,
      tpu.vector_store %arg11[%swap3A_304, %swap3A_305], %gather3A_303 {strides = array<i32>} : memref<128x80xi32, #tpu.memory_space<vmem>>, vector<16xi32>,
    }
    %scan3A_13 = arith.constant 128 : i32
    %add3A_14 = arith.constant 0 : i32
    %add3A_15 = arith.addi %mul3A_2, %add3A_14 : i32
    %dma_start3A = arith.constant 0 : i32
    %dma_start3A_16 = arith.constant 0 : i32
    %dma_start3A_17 = tpu.memref_slice %arg2[%add3A_15, %dma_start3A, %dma_start3A_16] : memref<16384x20x64xf32, #tpu.memory_space<hbm>> -> memref<4x20x64xf32, #tpu.memory_space<hbm>>
    %dma_start3A_18 = arith.constant 0 : i32
    %dma_start3A_19 = arith.constant 0 : i32
    %dma_start3A_20 = tpu.memref_slice %arg2[%add3A_15, %dma_start3A_18, %dma_start3A_19] : memref<16384x20x64xf32, #tpu.memory_space<hbm>> -> memref<4x20x64xf32, #tpu.memory_space<hbm>>
    tpu.enqueue_dma source(%dma_start3A_20 : memref<4x20x64xf32, #tpu.memory_space<hbm>>) target(%arg13 : memref<4x20x64xf32, #tpu.memory_space<vmem>>) target_semaphore(%arg16 : memref<!tpu.dma_semaphore, #tpu.memory_space<semaphore_mem>>)
    %dma_start3A_21 = arith.constant 0 : i32
    %dma_start3A_22 = arith.constant 0 : i32
    %dma_start3A_23 = tpu.memref_slice %arg11[%dma_start3A_21, %dma_start3A_22] : memref<128x80xi32, #tpu.memory_space<vmem>> -> memref<1x80xi32, #tpu.memory_space<vmem>>
    %dma_start3A_24 = tpu.memref_squeeze %dma_start3A_23 : memref<1x80xi32, #tpu.memory_space<vmem>> -> memref<80xi32, #tpu.memory_space<vmem>>
    %dma_start3A_25 = arith.constant 0 : i32
    %dma_start3A_26 = arith.constant 0 : i32
    %dma_start3A_27 = tpu.memref_slice %arg6[%dma_start3A_25, %dma_start3A_26] : memref<1000000x128xf32, #tpu.memory_space<hbm>> -> memref<1000000x128xf32, #tpu.memory_space<hbm>>
    tpu.enqueue_indirect_dma source(%dma_start3A_27 : memref<1000000x128xf32, #tpu.memory_space<hbm>>) target(%arg14 : memref<80x128xf32, #tpu.memory_space<vmem>>) offsets(%dma_start3A_24 : memref<80xi32, #tpu.memory_space<vmem>>) semaphore(%arg16 : memref<!tpu.dma_semaphore, #tpu.memory_space<semaphore_mem>>)
    %dma_start3A_28 = arith.constant 0 : i32
    %dma_start3A_29 = arith.constant 0 : i32
    %dma_start3A_30 = tpu.memref_slice %arg12[%dma_start3A_28, %dma_start3A_29] : memref<128x80xi32, #tpu.memory_space<vmem>> -> memref<1x80xi32, #tpu.memory_space<vmem>>
    %dma_start3A_31 = tpu.memref_squeeze %dma_start3A_30 : memref<1x80xi32, #tpu.memory_space<vmem>> -> memref<80xi32, #tpu.memory_space<vmem>>
    %dma_start3A_32 = arith.constant 0 : i32
    %dma_start3A_33 = arith.constant 0 : i32
    %dma_start3A_34 = tpu.memref_slice %arg7[%dma_start3A_32, %dma_start3A_33] : memref<15360x64xf32, #tpu.memory_space<hbm>> -> memref<15360x64xf32, #tpu.memory_space<hbm>>
    tpu.enqueue_indirect_dma source(%dma_start3A_34 : memref<15360x64xf32, #tpu.memory_space<hbm>>) target(%arg15 : memref<80x64xf32, #tpu.memory_space<vmem>>) offsets(%dma_start3A_31 : memref<80xi32, #tpu.memory_space<vmem>>) semaphore(%arg16 : memref<!tpu.dma_semaphore, #tpu.memory_space<semaphore_mem>>)
    %add3A_35 = arith.constant 4 : i32
    %add3A_36 = arith.addi %mul3A_2, %add3A_35 : i32
    %dma_start3A_37 = arith.constant 0 : i32
    %dma_start3A_38 = arith.constant 0 : i32
    %dma_start3A_39 = tpu.memref_slice %arg2[%add3A_36, %dma_start3A_37, %dma_start3A_38] : memref<16384x20x64xf32, #tpu.memory_space<hbm>> -> memref<4x20x64xf32, #tpu.memory_space<hbm>>
    %dma_start3A_40 = arith.constant 0 : i32
    %dma_start3A_41 = arith.constant 0 : i32
    %dma_start3A_42 = tpu.memref_slice %arg2[%add3A_36, %dma_start3A_40, %dma_start3A_41] : memref<16384x20x64xf32, #tpu.memory_space<hbm>> -> memref<4x20x64xf32, #tpu.memory_space<hbm>>
    tpu.enqueue_dma source(%dma_start3A_42 : memref<4x20x64xf32, #tpu.memory_space<hbm>>) target(%arg18 : memref<4x20x64xf32, #tpu.memory_space<vmem>>) target_semaphore(%arg21 : memref<!tpu.dma_semaphore, #tpu.memory_space<semaphore_mem>>)
    %dma_start3A_43 = arith.constant 1 : i32
    %dma_start3A_44 = arith.constant 0 : i32
    %dma_start3A_45 = tpu.memref_slice %arg11[%dma_start3A_43, %dma_start3A_44] : memref<128x80xi32, #tpu.memory_space<vmem>> -> memref<1x80xi32, #tpu.memory_space<vmem>>
    %dma_start3A_46 = tpu.memref_squeeze %dma_start3A_45 : memref<1x80xi32, #tpu.memory_space<vmem>> -> memref<80xi32, #tpu.memory_space<vmem>>
    %dma_start3A_47 = arith.constant 0 : i32
    %dma_start3A_48 = arith.constant 0 : i32
    %dma_start3A_49 = tpu.memref_slice %arg6[%dma_start3A_47, %dma_start3A_48] : memref<1000000x128xf32, #tpu.memory_space<hbm>> -> memref<1000000x128xf32, #tpu.memory_space<hbm>>
    tpu.enqueue_indirect_dma source(%dma_start3A_49 : memref<1000000x128xf32, #tpu.memory_space<hbm>>) target(%arg19 : memref<80x128xf32, #tpu.memory_space<vmem>>) offsets(%dma_start3A_46 : memref<80xi32, #tpu.memory_space<vmem>>) semaphore(%arg21 : memref<!tpu.dma_semaphore, #tpu.memory_space<semaphore_mem>>)
    %dma_start3A_50 = arith.constant 1 : i32
    %dma_start3A_51 = arith.constant 0 : i32
    %dma_start3A_52 = tpu.memref_slice %arg12[%dma_start3A_50, %dma_start3A_51] : memref<128x80xi32, #tpu.memory_space<vmem>> -> memref<1x80xi32, #tpu.memory_space<vmem>>
    %dma_start3A_53 = tpu.memref_squeeze %dma_start3A_52 : memref<1x80xi32, #tpu.memory_space<vmem>> -> memref<80xi32, #tpu.memory_space<vmem>>
    %dma_start3A_54 = arith.constant 0 : i32
    %dma_start3A_55 = arith.constant 0 : i32
    %dma_start3A_56 = tpu.memref_slice %arg7[%dma_start3A_54, %dma_start3A_55] : memref<15360x64xf32, #tpu.memory_space<hbm>> -> memref<15360x64xf32, #tpu.memory_space<hbm>>
    tpu.enqueue_indirect_dma source(%dma_start3A_56 : memref<15360x64xf32, #tpu.memory_space<hbm>>) target(%arg20 : memref<80x64xf32, #tpu.memory_space<vmem>>) offsets(%dma_start3A_53 : memref<80xi32, #tpu.memory_space<vmem>>) semaphore(%arg21 : memref<!tpu.dma_semaphore, #tpu.memory_space<semaphore_mem>>)
    %add3A_57 = arith.constant 8 : i32
    %add3A_58 = arith.addi %mul3A_2, %add3A_57 : i32
    %dma_start3A_59 = arith.constant 0 : i32
    %dma_start3A_60 = arith.constant 0 : i32
    %dma_start3A_61 = tpu.memref_slice %arg2[%add3A_58, %dma_start3A_59, %dma_start3A_60] : memref<16384x20x64xf32, #tpu.memory_space<hbm>> -> memref<4x20x64xf32, #tpu.memory_space<hbm>>
    %dma_start3A_62 = arith.constant 0 : i32
    %dma_start3A_63 = arith.constant 0 : i32
    %dma_start3A_64 = tpu.memref_slice %arg2[%add3A_58, %dma_start3A_62, %dma_start3A_63] : memref<16384x20x64xf32, #tpu.memory_space<hbm>> -> memref<4x20x64xf32, #tpu.memory_space<hbm>>
    tpu.enqueue_dma source(%dma_start3A_64 : memref<4x20x64xf32, #tpu.memory_space<hbm>>) target(%arg23 : memref<4x20x64xf32, #tpu.memory_space<vmem>>) target_semaphore(%arg26 : memref<!tpu.dma_semaphore, #tpu.memory_space<semaphore_mem>>)
    %dma_start3A_65 = arith.constant 2 : i32
    %dma_start3A_66 = arith.constant 0 : i32
    %dma_start3A_67 = tpu.memref_slice %arg11[%dma_start3A_65, %dma_start3A_66] : memref<128x80xi32, #tpu.memory_space<vmem>> -> memref<1x80xi32, #tpu.memory_space<vmem>>
    %dma_start3A_68 = tpu.memref_squeeze %dma_start3A_67 : memref<1x80xi32, #tpu.memory_space<vmem>> -> memref<80xi32, #tpu.memory_space<vmem>>
    %dma_start3A_69 = arith.constant 0 : i32
    %dma_start3A_70 = arith.constant 0 : i32
    %dma_start3A_71 = tpu.memref_slice %arg6[%dma_start3A_69, %dma_start3A_70] : memref<1000000x128xf32, #tpu.memory_space<hbm>> -> memref<1000000x128xf32, #tpu.memory_space<hbm>>
    tpu.enqueue_indirect_dma source(%dma_start3A_71 : memref<1000000x128xf32, #tpu.memory_space<hbm>>) target(%arg24 : memref<80x128xf32, #tpu.memory_space<vmem>>) offsets(%dma_start3A_68 : memref<80xi32, #tpu.memory_space<vmem>>) semaphore(%arg26 : memref<!tpu.dma_semaphore, #tpu.memory_space<semaphore_mem>>)
    %dma_start3A_72 = arith.constant 2 : i32
    %dma_start3A_73 = arith.constant 0 : i32
    %dma_start3A_74 = tpu.memref_slice %arg12[%dma_start3A_72, %dma_start3A_73] : memref<128x80xi32, #tpu.memory_space<vmem>> -> memref<1x80xi32, #tpu.memory_space<vmem>>
    %dma_start3A_75 = tpu.memref_squeeze %dma_start3A_74 : memref<1x80xi32, #tpu.memory_space<vmem>> -> memref<80xi32, #tpu.memory_space<vmem>>
    %dma_start3A_76 = arith.constant 0 : i32
    %dma_start3A_77 = arith.constant 0 : i32
    %dma_start3A_78 = tpu.memref_slice %arg7[%dma_start3A_76, %dma_start3A_77] : memref<15360x64xf32, #tpu.memory_space<hbm>> -> memref<15360x64xf32, #tpu.memory_space<hbm>>
    tpu.enqueue_indirect_dma source(%dma_start3A_78 : memref<15360x64xf32, #tpu.memory_space<hbm>>) target(%arg25 : memref<80x64xf32, #tpu.memory_space<vmem>>) offsets(%dma_start3A_75 : memref<80xi32, #tpu.memory_space<vmem>>) semaphore(%arg26 : memref<!tpu.dma_semaphore, #tpu.memory_space<semaphore_mem>>)
    %scan3A_79 = arith.constant 0 : i32
    %scan3A_80 = arith.constant 0 : i32
    %scan3A_81 = arith.constant 32 : i32
    %scan3A_82 = arith.addi %scan3A_80, %scan3A_81 : i32
    %scan3A_83 = arith.constant 1 : i32
    scf.for %scan3A_90 = %scan3A_80 to %scan3A_82 step %scan3A_83  : i32 {
      %mul3A_91 = arith.constant 4 : i32
      %mul3A_92 = arith.muli %mul3A_91, %scan3A_90 : i32
      %add3A_93 = arith.constant 0 : i32
      %add3A_94 = arith.addi %mul3A_92, %add3A_93 : i32
      %mul3A_95 = arith.constant 4 : i32
      %mul3A_96 = arith.muli %add3A_94, %mul3A_95 : i32
      %add3A_97 = arith.addi %mul3A_2, %mul3A_96 : i32
      %dma_wait3A_98 = arith.constant 0 : i32
      %dma_wait3A_99 = arith.constant 0 : i32
      %dma_wait3A_100 = tpu.memref_slice %arg2[%add3A_97, %dma_wait3A_98, %dma_wait3A_99] : memref<16384x20x64xf32, #tpu.memory_space<hbm>> -> memref<4x20x64xf32, #tpu.memory_space<hbm>>
      %dma_wait3A_101 = arith.constant 0 : i32
      %dma_wait3A_102 = arith.constant 0 : i32
      %dma_wait3A_103 = tpu.memref_slice %arg2[%add3A_97, %dma_wait3A_101, %dma_wait3A_102] : memref<16384x20x64xf32, #tpu.memory_space<hbm>> -> memref<4x20x64xf32, #tpu.memory_space<hbm>>
      tpu.wait_dma2 semaphore(%arg16 : memref<!tpu.dma_semaphore, #tpu.memory_space<semaphore_mem>>) src(%dma_wait3A_103 : memref<4x20x64xf32, #tpu.memory_space<hbm>>) dst(%arg13 : memref<4x20x64xf32, #tpu.memory_space<vmem>>)
      %dma_wait3A_104 = arith.constant 0 : i32
      %dma_wait3A_105 = tpu.memref_slice %arg11[%add3A_94, %dma_wait3A_104] : memref<128x80xi32, #tpu.memory_space<vmem>> -> memref<1x80xi32, #tpu.memory_space<vmem>>
      %dma_wait3A_106 = tpu.memref_squeeze %dma_wait3A_105 : memref<1x80xi32, #tpu.memory_space<vmem>> -> memref<80xi32, #tpu.memory_space<vmem>>
      %dma_wait3A_107 = arith.constant 0 : i32
      %dma_wait3A_108 = arith.constant 0 : i32
      %dma_wait3A_109 = tpu.memref_slice %arg6[%dma_wait3A_107, %dma_wait3A_108] : memref<1000000x128xf32, #tpu.memory_space<hbm>> -> memref<1000000x128xf32, #tpu.memory_space<hbm>>
      tpu.wait_indirect_dma semaphore(%arg16 : memref<!tpu.dma_semaphore, #tpu.memory_space<semaphore_mem>>) src(%dma_wait3A_109 : memref<1000000x128xf32, #tpu.memory_space<hbm>>) dst(%arg14 : memref<80x128xf32, #tpu.memory_space<vmem>>)
      %dma_wait3A_110 = arith.constant 0 : i32
      %dma_wait3A_111 = tpu.memref_slice %arg12[%add3A_94, %dma_wait3A_110] : memref<128x80xi32, #tpu.memory_space<vmem>> -> memref<1x80xi32, #tpu.memory_space<vmem>>
      %dma_wait3A_112 = tpu.memref_squeeze %dma_wait3A_111 : memref<1x80xi32, #tpu.memory_space<vmem>> -> memref<80xi32, #tpu.memory_space<vmem>>
      %dma_wait3A_113 = arith.constant 0 : i32
      %dma_wait3A_114 = arith.constant 0 : i32
      %dma_wait3A_115 = tpu.memref_slice %arg7[%dma_wait3A_113, %dma_wait3A_114] : memref<15360x64xf32, #tpu.memory_space<hbm>> -> memref<15360x64xf32, #tpu.memory_space<hbm>>
      tpu.wait_indirect_dma semaphore(%arg16 : memref<!tpu.dma_semaphore, #tpu.memory_space<semaphore_mem>>) src(%dma_wait3A_115 : memref<15360x64xf32, #tpu.memory_space<hbm>>) dst(%arg15 : memref<80x64xf32, #tpu.memory_space<vmem>>)
      %scan3A_116 = arith.constant 0 : i32
      %scan3A_117 = arith.constant 0 : i32
      %scan3A_118 = arith.constant 20 : i32
      %scan3A_119 = arith.addi %scan3A_117, %scan3A_118 : i32
      %scan3A_120 = arith.constant 1 : i32
      scf.for %scan3A_302 = %scan3A_117 to %scan3A_119 step %scan3A_120  : i32 {
        %add3A_303 = arith.constant 0 : i32
        %add3A_304 = arith.addi %add3A_303, %scan3A_302 : i32
        %get3A = arith.index_cast %add3A_304 : i32 to index
        %get3A_305 = arith.constant 0 : index
        %get3A_306 = tpu.vector_load %arg14[%get3A, %get3A_305] {strides = array<i32>} : memref<80x128xf32, #tpu.memory_space<vmem>>, vector<16xf32>,
        %swap3A = arith.constant 0 : i32
        %swap3A_307 = arith.index_cast %swap3A : i32 to index
        %swap3A_308 = arith.index_cast %scan3A_302 : i32 to index
        %swap3A_309 = arith.constant 0 : index
        %swap3A_310 = tpu.vector_load %arg13[%swap3A_307, %swap3A_308, %swap3A_309] {strides = array<i32>} : memref<4x20x64xf32, #tpu.memory_space<vmem>>, vector<16xf32>,
        tpu.vector_store %arg13[%swap3A_307, %swap3A_308, %swap3A_309], %get3A_306 {add = true, strides = array<i32>} : memref<4x20x64xf32, #tpu.memory_space<vmem>>, vector<16xf32>,
        %get3A_311 = arith.index_cast %add3A_304 : i32 to index
        %get3A_312 = arith.constant 0 : index
        %get3A_313 = tpu.vector_load %arg15[%get3A_311, %get3A_312] {strides = array<i32>} : memref<80x64xf32, #tpu.memory_space<vmem>>, vector<16xf32>,
        %swap3A_314 = arith.constant 0 : i32
        %swap3A_315 = arith.index_cast %swap3A_314 : i32 to index
        %swap3A_316 = arith.index_cast %scan3A_302 : i32 to index
        %swap3A_317 = arith.constant 0 : index
        %swap3A_318 = tpu.vector_load %arg13[%swap3A_315, %swap3A_316, %swap3A_317] {strides = array<i32>} : memref<4x20x64xf32, #tpu.memory_space<vmem>>, vector<16xf32>,
        tpu.vector_store %arg13[%swap3A_315, %swap3A_316, %swap3A_317], %get3A_313 {add = true, strides = array<i32>} : memref<4x20x64xf32, #tpu.memory_space<vmem>>, vector<16xf32>,
        %get3A_319 = arith.index_cast %add3A_304 : i32 to index
        %get3A_320 = arith.constant 16 : index
        %get3A_321 = tpu.vector_load %arg14[%get3A_319, %get3A_320] {strides = array<i32>} : memref<80x128xf32, #tpu.memory_space<vmem>>, vector<16xf32>,
        %swap3A_322 = arith.constant 0 : i32
        %swap3A_323 = arith.index_cast %swap3A_322 : i32 to index
        %swap3A_324 = arith.index_cast %scan3A_302 : i32 to index
        %swap3A_325 = arith.constant 16 : index
        %swap3A_326 = tpu.vector_load %arg13[%swap3A_323, %swap3A_324, %swap3A_325] {strides = array<i32>} : memref<4x20x64xf32, #tpu.memory_space<vmem>>, vector<16xf32>,
        tpu.vector_store %arg13[%swap3A_323, %swap3A_324, %swap3A_325], %get3A_321 {add = true, strides = array<i32>} : memref<4x20x64xf32, #tpu.memory_space<vmem>>, vector<16xf32>,
        %get3A_327 = arith.index_cast %add3A_304 : i32 to index
        %get3A_328 = arith.constant 16 : index
        %get3A_329 = tpu.vector_load %arg15[%get3A_327, %get3A_328] {strides = array<i32>} : memref<80x64xf32, #tpu.memory_space<vmem>>, vector<16xf32>,
        %swap3A_330 = arith.constant 0 : i32
        %swap3A_331 = arith.index_cast %swap3A_330 : i32 to index
        %swap3A_332 = arith.index_cast %scan3A_302 : i32 to index
        %swap3A_333 = arith.constant 16 : index
        %swap3A_334 = tpu.vector_load %arg13[%swap3A_331, %swap3A_332, %swap3A_333] {strides = array<i32>} : memref<4x20x64xf32, #tpu.memory_space<vmem>>, vector<16xf32>,
        tpu.vector_store %arg13[%swap3A_331, %swap3A_332, %swap3A_333], %get3A_329 {add = true, strides = array<i32>} : memref<4x20x64xf32, #tpu.memory_space<vmem>>, vector<16xf32>,
        %get3A_335 = arith.index_cast %add3A_304 : i32 to index
        %get3A_336 = arith.constant 32 : index
        %get3A_337 = tpu.vector_load %arg14[%get3A_335, %get3A_336] {strides = array<i32>} : memref<80x128xf32, #tpu.memory_space<vmem>>, vector<16xf32>,
        %swap3A_338 = arith.constant 0 : i32
        %swap3A_339 = arith.index_cast %swap3A_338 : i32 to index
        %swap3A_340 = arith.index_cast %scan3A_302 : i32 to index
        %swap3A_341 = arith.constant 32 : index
        %swap3A_342 = tpu.vector_load %arg13[%swap3A_339, %swap3A_340, %swap3A_341] {strides = array<i32>} : memref<4x20x64xf32, #tpu.memory_space<vmem>>, vector<16xf32>,
        tpu.vector_store %arg13[%swap3A_339, %swap3A_340, %swap3A_341], %get3A_337 {add = true, strides = array<i32>} : memref<4x20x64xf32, #tpu.memory_space<vmem>>, vector<16xf32>,
        %get3A_343 = arith.index_cast %add3A_304 : i32 to index
        %get3A_344 = arith.constant 32 : index
        %get3A_345 = tpu.vector_load %arg15[%get3A_343, %get3A_344] {strides = array<i32>} : memref<80x64xf32, #tpu.memory_space<vmem>>, vector<16xf32>,
        %swap3A_346 = arith.constant 0 : i32
        %swap3A_347 = arith.index_cast %swap3A_346 : i32 to index
        %swap3A_348 = arith.index_cast %scan3A_302 : i32 to index
        %swap3A_349 = arith.constant 32 : index
        %swap3A_350 = tpu.vector_load %arg13[%swap3A_347, %swap3A_348, %swap3A_349] {strides = array<i32>} : memref<4x20x64xf32, #tpu.memory_space<vmem>>, vector<16xf32>,
        tpu.vector_store %arg13[%swap3A_347, %swap3A_348, %swap3A_349], %get3A_345 {add = true, strides = array<i32>} : memref<4x20x64xf32, #tpu.memory_space<vmem>>, vector<16xf32>,
        %get3A_351 = arith.index_cast %add3A_304 : i32 to index
        %get3A_352 = arith.constant 48 : index
        %get3A_353 = tpu.vector_load %arg14[%get3A_351, %get3A_352] {strides = array<i32>} : memref<80x128xf32, #tpu.memory_space<vmem>>, vector<16xf32>,
        %swap3A_354 = arith.constant 0 : i32
        %swap3A_355 = arith.index_cast %swap3A_354 : i32 to index
        %swap3A_356 = arith.index_cast %scan3A_302 : i32 to index
        %swap3A_357 = arith.constant 48 : index
        %swap3A_358 = tpu.vector_load %arg13[%swap3A_355, %swap3A_356, %swap3A_357] {strides = array<i32>} : memref<4x20x64xf32, #tpu.memory_space<vmem>>, vector<16xf32>,
        tpu.vector_store %arg13[%swap3A_355, %swap3A_356, %swap3A_357], %get3A_353 {add = true, strides = array<i32>} : memref<4x20x64xf32, #tpu.memory_space<vmem>>, vector<16xf32>,
        %get3A_359 = arith.index_cast %add3A_304 : i32 to index
        %get3A_360 = arith.constant 48 : index
        %get3A_361 = tpu.vector_load %arg15[%get3A_359, %get3A_360] {strides = array<i32>} : memref<80x64xf32, #tpu.memory_space<vmem>>, vector<16xf32>,
        %swap3A_362 = arith.constant 0 : i32
        %swap3A_363 = arith.index_cast %swap3A_362 : i32 to index
        %swap3A_364 = arith.index_cast %scan3A_302 : i32 to index
        %swap3A_365 = arith.constant 48 : index
        %swap3A_366 = tpu.vector_load %arg13[%swap3A_363, %swap3A_364, %swap3A_365] {strides = array<i32>} : memref<4x20x64xf32, #tpu.memory_space<vmem>>, vector<16xf32>,
        tpu.vector_store %arg13[%swap3A_363, %swap3A_364, %swap3A_365], %get3A_361 {add = true, strides = array<i32>} : memref<4x20x64xf32, #tpu.memory_space<vmem>>, vector<16xf32>,
        %add3A_367 = arith.constant 20 : i32
        %add3A_368 = arith.addi %add3A_367, %scan3A_302 : i32
        %get3A_369 = arith.index_cast %add3A_368 : i32 to index
        %get3A_370 = arith.constant 0 : index
        %get3A_371 = tpu.vector_load %arg14[%get3A_369, %get3A_370] {strides = array<i32>} : memref<80x128xf32, #tpu.memory_space<vmem>>, vector<16xf32>,
        %swap3A_372 = arith.constant 1 : i32
        %swap3A_373 = arith.index_cast %swap3A_372 : i32 to index
        %swap3A_374 = arith.index_cast %scan3A_302 : i32 to index
        %swap3A_375 = arith.constant 0 : index
        %swap3A_376 = tpu.vector_load %arg13[%swap3A_373, %swap3A_374, %swap3A_375] {strides = array<i32>} : memref<4x20x64xf32, #tpu.memory_space<vmem>>, vector<16xf32>,
        tpu.vector_store %arg13[%swap3A_373, %swap3A_374, %swap3A_375], %get3A_371 {add = true, strides = array<i32>} : memref<4x20x64xf32, #tpu.memory_space<vmem>>, vector<16xf32>,
        %get3A_377 = arith.index_cast %add3A_368 : i32 to index
        %get3A_378 = arith.constant 0 : index
        %get3A_379 = tpu.vector_load %arg15[%get3A_377, %get3A_378] {strides = array<i32>} : memref<80x64xf32, #tpu.memory_space<vmem>>, vector<16xf32>,
        %swap3A_380 = arith.constant 1 : i32
        %swap3A_381 = arith.index_cast %swap3A_380 : i32 to index
        %swap3A_382 = arith.index_cast %scan3A_302 : i32 to index
        %swap3A_383 = arith.constant 0 : index
        %swap3A_384 = tpu.vector_load %arg13[%swap3A_381, %swap3A_382, %swap3A_383] {strides = array<i32>} : memref<4x20x64xf32, #tpu.memory_space<vmem>>, vector<16xf32>,
        tpu.vector_store %arg13[%swap3A_381, %swap3A_382, %swap3A_383], %get3A_379 {add = true, strides = array<i32>} : memref<4x20x64xf32, #tpu.memory_space<vmem>>, vector<16xf32>,
        %get3A_385 = arith.index_cast %add3A_368 : i32 to index
        %get3A_386 = arith.constant 16 : index
        %get3A_387 = tpu.vector_load %arg14[%get3A_385, %get3A_386] {strides = array<i32>} : memref<80x128xf32, #tpu.memory_space<vmem>>, vector<16xf32>,
        %swap3A_388 = arith.constant 1 : i32
        %swap3A_389 = arith.index_cast %swap3A_388 : i32 to index
        %swap3A_390 = arith.index_cast %scan3A_302 : i32 to index
        %swap3A_391 = arith.constant 16 : index
        %swap3A_392 = tpu.vector_load %arg13[%swap3A_389, %swap3A_390, %swap3A_391] {strides = array<i32>} : memref<4x20x64xf32, #tpu.memory_space<vmem>>, vector<16xf32>,
        tpu.vector_store %arg13[%swap3A_389, %swap3A_390, %swap3A_391], %get3A_387 {add = true, strides = array<i32>} : memref<4x20x64xf32, #tpu.memory_space<vmem>>, vector<16xf32>,
        %get3A_393 = arith.index_cast %add3A_368 : i32 to index
        %get3A_394 = arith.constant 16 : index
        %get3A_395 = tpu.vector_load %arg15[%get3A_393, %get3A_394] {strides = array<i32>} : memref<80x64xf32, #tpu.memory_space<vmem>>, vector<16xf32>,
        %swap3A_396 = arith.constant 1 : i32
        %swap3A_397 = arith.index_cast %swap3A_396 : i32 to index
        %swap3A_398 = arith.index_cast %scan3A_302 : i32 to index
        %swap3A_399 = arith.constant 16 : index
        %swap3A_400 = tpu.vector_load %arg13[%swap3A_397, %swap3A_398, %swap3A_399] {strides = array<i32>} : memref<4x20x64xf32, #tpu.memory_space<vmem>>, vector<16xf32>,
        tpu.vector_store %arg13[%swap3A_397, %swap3A_398, %swap3A_399], %get3A_395 {add = true, strides = array<i32>} : memref<4x20x64xf32, #tpu.memory_space<vmem>>, vector<16xf32>,
        %get3A_401 = arith.index_cast %add3A_368 : i32 to index
        %get3A_402 = arith.constant 32 : index
        %get3A_403 = tpu.vector_load %arg14[%get3A_401, %get3A_402] {strides = array<i32>} : memref<80x128xf32, #tpu.memory_space<vmem>>, vector<16xf32>,
        %swap3A_404 = arith.constant 1 : i32
        %swap3A_405 = arith.index_cast %swap3A_404 : i32 to index
        %swap3A_406 = arith.index_cast %scan3A_302 : i32 to index
        %swap3A_407 = arith.constant 32 : index
        %swap3A_408 = tpu.vector_load %arg13[%swap3A_405, %swap3A_406, %swap3A_407] {strides = array<i32>} : memref<4x20x64xf32, #tpu.memory_space<vmem>>, vector<16xf32>,
        tpu.vector_store %arg13[%swap3A_405, %swap3A_406, %swap3A_407], %get3A_403 {add = true, strides = array<i32>} : memref<4x20x64xf32, #tpu.memory_space<vmem>>, vector<16xf32>,
        %get3A_409 = arith.index_cast %add3A_368 : i32 to index
        %get3A_410 = arith.constant 32 : index
        %get3A_411 = tpu.vector_load %arg15[%get3A_409, %get3A_410] {strides = array<i32>} : memref<80x64xf32, #tpu.memory_space<vmem>>, vector<16xf32>,
        %swap3A_412 = arith.constant 1 : i32
        %swap3A_413 = arith.index_cast %swap3A_412 : i32 to index
        %swap3A_414 = arith.index_cast %scan3A_302 : i32 to index
        %swap3A_415 = arith.constant 32 : index
        %swap3A_416 = tpu.vector_load %arg13[%swap3A_413, %swap3A_414, %swap3A_415] {strides = array<i32>} : memref<4x20x64xf32, #tpu.memory_space<vmem>>, vector<16xf32>,
        tpu.vector_store %arg13[%swap3A_413, %swap3A_414, %swap3A_415], %get3A_411 {add = true, strides = array<i32>} : memref<4x20x64xf32, #tpu.memory_space<vmem>>, vector<16xf32>,
        %get3A_417 = arith.index_cast %add3A_368 : i32 to index
        %get3A_418 = arith.constant 48 : index
        %get3A_419 = tpu.vector_load %arg14[%get3A_417, %get3A_418] {strides = array<i32>} : memref<80x128xf32, #tpu.memory_space<vmem>>, vector<16xf32>,
        %swap3A_420 = arith.constant 1 : i32
        %swap3A_421 = arith.index_cast %swap3A_420 : i32 to index
        %swap3A_422 = arith.index_cast %scan3A_302 : i32 to index
        %swap3A_423 = arith.constant 48 : index
        %swap3A_424 = tpu.vector_load %arg13[%swap3A_421, %swap3A_422, %swap3A_423] {strides = array<i32>} : memref<4x20x64xf32, #tpu.memory_space<vmem>>, vector<16xf32>,
        tpu.vector_store %arg13[%swap3A_421, %swap3A_422, %swap3A_423], %get3A_419 {add = true, strides = array<i32>} : memref<4x20x64xf32, #tpu.memory_space<vmem>>, vector<16xf32>,
        %get3A_425 = arith.index_cast %add3A_368 : i32 to index
        %get3A_426 = arith.constant 48 : index
        %get3A_427 = tpu.vector_load %arg15[%get3A_425, %get3A_426] {strides = array<i32>} : memref<80x64xf32, #tpu.memory_space<vmem>>, vector<16xf32>,
        %swap3A_428 = arith.constant 1 : i32
        %swap3A_429 = arith.index_cast %swap3A_428 : i32 to index
        %swap3A_430 = arith.index_cast %scan3A_302 : i32 to index
        %swap3A_431 = arith.constant 48 : index
        %swap3A_432 = tpu.vector_load %arg13[%swap3A_429, %swap3A_430, %swap3A_431] {strides = array<i32>} : memref<4x20x64xf32, #tpu.memory_space<vmem>>, vector<16xf32>,
        tpu.vector_store %arg13[%swap3A_429, %swap3A_430, %swap3A_431], %get3A_427 {add = true, strides = array<i32>} : memref<4x20x64xf32, #tpu.memory_space<vmem>>, vector<16xf32>,
        %add3A_433 = arith.constant 40 : i32
        %add3A_434 = arith.addi %add3A_433, %scan3A_302 : i32
        %get3A_435 = arith.index_cast %add3A_434 : i32 to index
        %get3A_436 = arith.constant 0 : index
        %get3A_437 = tpu.vector_load %arg14[%get3A_435, %get3A_436] {strides = array<i32>} : memref<80x128xf32, #tpu.memory_space<vmem>>, vector<16xf32>,
        %swap3A_438 = arith.constant 2 : i32
        %swap3A_439 = arith.index_cast %swap3A_438 : i32 to index
        %swap3A_440 = arith.index_cast %scan3A_302 : i32 to index
        %swap3A_441 = arith.constant 0 : index
        %swap3A_442 = tpu.vector_load %arg13[%swap3A_439, %swap3A_440, %swap3A_441] {strides = array<i32>} : memref<4x20x64xf32, #tpu.memory_space<vmem>>, vector<16xf32>,
        tpu.vector_store %arg13[%swap3A_439, %swap3A_440, %swap3A_441], %get3A_437 {add = true, strides = array<i32>} : memref<4x20x64xf32, #tpu.memory_space<vmem>>, vector<16xf32>,
        %get3A_443 = arith.index_cast %add3A_434 : i32 to index
        %get3A_444 = arith.constant 0 : index
        %get3A_445 = tpu.vector_load %arg15[%get3A_443, %get3A_444] {strides = array<i32>} : memref<80x64xf32, #tpu.memory_space<vmem>>, vector<16xf32>,
        %swap3A_446 = arith.constant 2 : i32
        %swap3A_447 = arith.index_cast %swap3A_446 : i32 to index
        %swap3A_448 = arith.index_cast %scan3A_302 : i32 to index
        %swap3A_449 = arith.constant 0 : index
        %swap3A_450 = tpu.vector_load %arg13[%swap3A_447, %swap3A_448, %swap3A_449] {strides = array<i32>} : memref<4x20x64xf32, #tpu.memory_space<vmem>>, vector<16xf32>,
        tpu.vector_store %arg13[%swap3A_447, %swap3A_448, %swap3A_449], %get3A_445 {add = true, strides = array<i32>} : memref<4x20x64xf32, #tpu.memory_space<vmem>>, vector<16xf32>,
        %get3A_451 = arith.index_cast %add3A_434 : i32 to index
        %get3A_452 = arith.constant 16 : index
        %get3A_453 = tpu.vector_load %arg14[%get3A_451, %get3A_452] {strides = array<i32>} : memref<80x128xf32, #tpu.memory_space<vmem>>, vector<16xf32>,
        %swap3A_454 = arith.constant 2 : i32
        %swap3A_455 = arith.index_cast %swap3A_454 : i32 to index
        %swap3A_456 = arith.index_cast %scan3A_302 : i32 to index
        %swap3A_457 = arith.constant 16 : index
        %swap3A_458 = tpu.vector_load %arg13[%swap3A_455, %swap3A_456, %swap3A_457] {strides = array<i32>} : memref<4x20x64xf32, #tpu.memory_space<vmem>>, vector<16xf32>,
        tpu.vector_store %arg13[%swap3A_455, %swap3A_456, %swap3A_457], %get3A_453 {add = true, strides = array<i32>} : memref<4x20x64xf32, #tpu.memory_space<vmem>>, vector<16xf32>,
        %get3A_459 = arith.index_cast %add3A_434 : i32 to index
        %get3A_460 = arith.constant 16 : index
        %get3A_461 = tpu.vector_load %arg15[%get3A_459, %get3A_460] {strides = array<i32>} : memref<80x64xf32, #tpu.memory_space<vmem>>, vector<16xf32>,
        %swap3A_462 = arith.constant 2 : i32
        %swap3A_463 = arith.index_cast %swap3A_462 : i32 to index
        %swap3A_464 = arith.index_cast %scan3A_302 : i32 to index
        %swap3A_465 = arith.constant 16 : index
        %swap3A_466 = tpu.vector_load %arg13[%swap3A_463, %swap3A_464, %swap3A_465] {strides = array<i32>} : memref<4x20x64xf32, #tpu.memory_space<vmem>>, vector<16xf32>,
        tpu.vector_store %arg13[%swap3A_463, %swap3A_464, %swap3A_465], %get3A_461 {add = true, strides = array<i32>} : memref<4x20x64xf32, #tpu.memory_space<vmem>>, vector<16xf32>,
        %get3A_467 = arith.index_cast %add3A_434 : i32 to index
        %get3A_468 = arith.constant 32 : index
        %get3A_469 = tpu.vector_load %arg14[%get3A_467, %get3A_468] {strides = array<i32>} : memref<80x128xf32, #tpu.memory_space<vmem>>, vector<16xf32>,
        %swap3A_470 = arith.constant 2 : i32
        %swap3A_471 = arith.index_cast %swap3A_470 : i32 to index
        %swap3A_472 = arith.index_cast %scan3A_302 : i32 to index
        %swap3A_473 = arith.constant 32 : index
        %swap3A_474 = tpu.vector_load %arg13[%swap3A_471, %swap3A_472, %swap3A_473] {strides = array<i32>} : memref<4x20x64xf32, #tpu.memory_space<vmem>>, vector<16xf32>,
        tpu.vector_store %arg13[%swap3A_471, %swap3A_472, %swap3A_473], %get3A_469 {add = true, strides = array<i32>} : memref<4x20x64xf32, #tpu.memory_space<vmem>>, vector<16xf32>,
        %get3A_475 = arith.index_cast %add3A_434 : i32 to index
        %get3A_476 = arith.constant 32 : index
        %get3A_477 = tpu.vector_load %arg15[%get3A_475, %get3A_476] {strides = array<i32>} : memref<80x64xf32, #tpu.memory_space<vmem>>, vector<16xf32>,
        %swap3A_478 = arith.constant 2 : i32
        %swap3A_479 = arith.index_cast %swap3A_478 : i32 to index
        %swap3A_480 = arith.index_cast %scan3A_302 : i32 to index
        %swap3A_481 = arith.constant 32 : index
        %swap3A_482 = tpu.vector_load %arg13[%swap3A_479, %swap3A_480, %swap3A_481] {strides = array<i32>} : memref<4x20x64xf32, #tpu.memory_space<vmem>>, vector<16xf32>,
        tpu.vector_store %arg13[%swap3A_479, %swap3A_480, %swap3A_481], %get3A_477 {add = true, strides = array<i32>} : memref<4x20x64xf32, #tpu.memory_space<vmem>>, vector<16xf32>,
        %get3A_483 = arith.index_cast %add3A_434 : i32 to index
        %get3A_484 = arith.constant 48 : index
        %get3A_485 = tpu.vector_load %arg14[%get3A_483, %get3A_484] {strides = array<i32>} : memref<80x128xf32, #tpu.memory_space<vmem>>, vector<16xf32>,
        %swap3A_486 = arith.constant 2 : i32
        %swap3A_487 = arith.index_cast %swap3A_486 : i32 to index
        %swap3A_488 = arith.index_cast %scan3A_302 : i32 to index
        %swap3A_489 = arith.constant 48 : index
        %swap3A_490 = tpu.vector_load %arg13[%swap3A_487, %swap3A_488, %swap3A_489] {strides = array<i32>} : memref<4x20x64xf32, #tpu.memory_space<vmem>>, vector<16xf32>,
        tpu.vector_store %arg13[%swap3A_487, %swap3A_488, %swap3A_489], %get3A_485 {add = true, strides = array<i32>} : memref<4x20x64xf32, #tpu.memory_space<vmem>>, vector<16xf32>,
        %get3A_491 = arith.index_cast %add3A_434 : i32 to index
        %get3A_492 = arith.constant 48 : index
        %get3A_493 = tpu.vector_load %arg15[%get3A_491, %get3A_492] {strides = array<i32>} : memref<80x64xf32, #tpu.memory_space<vmem>>, vector<16xf32>,
        %swap3A_494 = arith.constant 2 : i32
        %swap3A_495 = arith.index_cast %swap3A_494 : i32 to index
        %swap3A_496 = arith.index_cast %scan3A_302 : i32 to index
        %swap3A_497 = arith.constant 48 : index
        %swap3A_498 = tpu.vector_load %arg13[%swap3A_495, %swap3A_496, %swap3A_497] {strides = array<i32>} : memref<4x20x64xf32, #tpu.memory_space<vmem>>, vector<16xf32>,
        tpu.vector_store %arg13[%swap3A_495, %swap3A_496, %swap3A_497], %get3A_493 {add = true, strides = array<i32>} : memref<4x20x64xf32, #tpu.memory_space<vmem>>, vector<16xf32>,
        %add3A_499 = arith.constant 60 : i32
        %add3A_500 = arith.addi %add3A_499, %scan3A_302 : i32
        %get3A_501 = arith.index_cast %add3A_500 : i32 to index
        %get3A_502 = arith.constant 0 : index
        %get3A_503 = tpu.vector_load %arg14[%get3A_501, %get3A_502] {strides = array<i32>} : memref<80x128xf32, #tpu.memory_space<vmem>>, vector<16xf32>,
        %swap3A_504 = arith.constant 3 : i32
        %swap3A_505 = arith.index_cast %swap3A_504 : i32 to index
        %swap3A_506 = arith.index_cast %scan3A_302 : i32 to index
        %swap3A_507 = arith.constant 0 : index
        %swap3A_508 = tpu.vector_load %arg13[%swap3A_505, %swap3A_506, %swap3A_507] {strides = array<i32>} : memref<4x20x64xf32, #tpu.memory_space<vmem>>, vector<16xf32>,
        tpu.vector_store %arg13[%swap3A_505, %swap3A_506, %swap3A_507], %get3A_503 {add = true, strides = array<i32>} : memref<4x20x64xf32, #tpu.memory_space<vmem>>, vector<16xf32>,
        %get3A_509 = arith.index_cast %add3A_500 : i32 to index
        %get3A_510 = arith.constant 0 : index
        %get3A_511 = tpu.vector_load %arg15[%get3A_509, %get3A_510] {strides = array<i32>} : memref<80x64xf32, #tpu.memory_space<vmem>>, vector<16xf32>,
        %swap3A_512 = arith.constant 3 : i32
        %swap3A_513 = arith.index_cast %swap3A_512 : i32 to index
        %swap3A_514 = arith.index_cast %scan3A_302 : i32 to index
        %swap3A_515 = arith.constant 0 : index
        %swap3A_516 = tpu.vector_load %arg13[%swap3A_513, %swap3A_514, %swap3A_515] {strides = array<i32>} : memref<4x20x64xf32, #tpu.memory_space<vmem>>, vector<16xf32>,
        tpu.vector_store %arg13[%swap3A_513, %swap3A_514, %swap3A_515], %get3A_511 {add = true, strides = array<i32>} : memref<4x20x64xf32, #tpu.memory_space<vmem>>, vector<16xf32>,
        %get3A_517 = arith.index_cast %add3A_500 : i32 to index
        %get3A_518 = arith.constant 16 : index
        %get3A_519 = tpu.vector_load %arg14[%get3A_517, %get3A_518] {strides = array<i32>} : memref<80x128xf32, #tpu.memory_space<vmem>>, vector<16xf32>,
        %swap3A_520 = arith.constant 3 : i32
        %swap3A_521 = arith.index_cast %swap3A_520 : i32 to index
        %swap3A_522 = arith.index_cast %scan3A_302 : i32 to index
        %swap3A_523 = arith.constant 16 : index
        %swap3A_524 = tpu.vector_load %arg13[%swap3A_521, %swap3A_522, %swap3A_523] {strides = array<i32>} : memref<4x20x64xf32, #tpu.memory_space<vmem>>, vector<16xf32>,
        tpu.vector_store %arg13[%swap3A_521, %swap3A_522, %swap3A_523], %get3A_519 {add = true, strides = array<i32>} : memref<4x20x64xf32, #tpu.memory_space<vmem>>, vector<16xf32>,
        %get3A_525 = arith.index_cast %add3A_500 : i32 to index
        %get3A_526 = arith.constant 16 : index
        %get3A_527 = tpu.vector_load %arg15[%get3A_525, %get3A_526] {strides = array<i32>} : memref<80x64xf32, #tpu.memory_space<vmem>>, vector<16xf32>,
        %swap3A_528 = arith.constant 3 : i32
        %swap3A_529 = arith.index_cast %swap3A_528 : i32 to index
        %swap3A_530 = arith.index_cast %scan3A_302 : i32 to index
        %swap3A_531 = arith.constant 16 : index
        %swap3A_532 = tpu.vector_load %arg13[%swap3A_529, %swap3A_530, %swap3A_531] {strides = array<i32>} : memref<4x20x64xf32, #tpu.memory_space<vmem>>, vector<16xf32>,
        tpu.vector_store %arg13[%swap3A_529, %swap3A_530, %swap3A_531], %get3A_527 {add = true, strides = array<i32>} : memref<4x20x64xf32, #tpu.memory_space<vmem>>, vector<16xf32>,
        %get3A_533 = arith.index_cast %add3A_500 : i32 to index
        %get3A_534 = arith.constant 32 : index
        %get3A_535 = tpu.vector_load %arg14[%get3A_533, %get3A_534] {strides = array<i32>} : memref<80x128xf32, #tpu.memory_space<vmem>>, vector<16xf32>,
        %swap3A_536 = arith.constant 3 : i32
        %swap3A_537 = arith.index_cast %swap3A_536 : i32 to index
        %swap3A_538 = arith.index_cast %scan3A_302 : i32 to index
        %swap3A_539 = arith.constant 32 : index
        %swap3A_540 = tpu.vector_load %arg13[%swap3A_537, %swap3A_538, %swap3A_539] {strides = array<i32>} : memref<4x20x64xf32, #tpu.memory_space<vmem>>, vector<16xf32>,
        tpu.vector_store %arg13[%swap3A_537, %swap3A_538, %swap3A_539], %get3A_535 {add = true, strides = array<i32>} : memref<4x20x64xf32, #tpu.memory_space<vmem>>, vector<16xf32>,
        %get3A_541 = arith.index_cast %add3A_500 : i32 to index
        %get3A_542 = arith.constant 32 : index
        %get3A_543 = tpu.vector_load %arg15[%get3A_541, %get3A_542] {strides = array<i32>} : memref<80x64xf32, #tpu.memory_space<vmem>>, vector<16xf32>,
        %swap3A_544 = arith.constant 3 : i32
        %swap3A_545 = arith.index_cast %swap3A_544 : i32 to index
        %swap3A_546 = arith.index_cast %scan3A_302 : i32 to index
        %swap3A_547 = arith.constant 32 : index
        %swap3A_548 = tpu.vector_load %arg13[%swap3A_545, %swap3A_546, %swap3A_547] {strides = array<i32>} : memref<4x20x64xf32, #tpu.memory_space<vmem>>, vector<16xf32>,
        tpu.vector_store %arg13[%swap3A_545, %swap3A_546, %swap3A_547], %get3A_543 {add = true, strides = array<i32>} : memref<4x20x64xf32, #tpu.memory_space<vmem>>, vector<16xf32>,
        %get3A_549 = arith.index_cast %add3A_500 : i32 to index
        %get3A_550 = arith.constant 48 : index
        %get3A_551 = tpu.vector_load %arg14[%get3A_549, %get3A_550] {strides = array<i32>} : memref<80x128xf32, #tpu.memory_space<vmem>>, vector<16xf32>,
        %swap3A_552 = arith.constant 3 : i32
        %swap3A_553 = arith.index_cast %swap3A_552 : i32 to index
        %swap3A_554 = arith.index_cast %scan3A_302 : i32 to index
        %swap3A_555 = arith.constant 48 : index
        %swap3A_556 = tpu.vector_load %arg13[%swap3A_553, %swap3A_554, %swap3A_555] {strides = array<i32>} : memref<4x20x64xf32, #tpu.memory_space<vmem>>, vector<16xf32>,
        tpu.vector_store %arg13[%swap3A_553, %swap3A_554, %swap3A_555], %get3A_551 {add = true, strides = array<i32>} : memref<4x20x64xf32, #tpu.memory_space<vmem>>, vector<16xf32>,
        %get3A_557 = arith.index_cast %add3A_500 : i32 to index
        %get3A_558 = arith.constant 48 : index
        %get3A_559 = tpu.vector_load %arg15[%get3A_557, %get3A_558] {strides = array<i32>} : memref<80x64xf32, #tpu.memory_space<vmem>>, vector<16xf32>,
        %swap3A_560 = arith.constant 3 : i32
        %swap3A_561 = arith.index_cast %swap3A_560 : i32 to index
        %swap3A_562 = arith.index_cast %scan3A_302 : i32 to index
        %swap3A_563 = arith.constant 48 : index
        %swap3A_564 = tpu.vector_load %arg13[%swap3A_561, %swap3A_562, %swap3A_563] {strides = array<i32>} : memref<4x20x64xf32, #tpu.memory_space<vmem>>, vector<16xf32>,
        tpu.vector_store %arg13[%swap3A_561, %swap3A_562, %swap3A_563], %get3A_559 {add = true, strides = array<i32>} : memref<4x20x64xf32, #tpu.memory_space<vmem>>, vector<16xf32>,
      }
      %scan3A_121 = arith.constant 20 : i32
      %mul3A_122 = arith.constant 4 : i32
      %mul3A_123 = arith.muli %add3A_94, %mul3A_122 : i32
      %add3A_124 = arith.addi %mul3A_2, %mul3A_123 : i32
      %dma_start3A_125 = arith.constant 0 : i32
      %dma_start3A_126 = arith.constant 0 : i32
      %dma_start3A_127 = tpu.memref_slice %arg8[%add3A_124, %dma_start3A_125, %dma_start3A_126] : memref<16384x20x64xf32, #tpu.memory_space<hbm>> -> memref<4x20x64xf32, #tpu.memory_space<hbm>>
      %dma_start3A_128 = arith.constant 0 : i32
      %dma_start3A_129 = arith.constant 0 : i32
      %dma_start3A_130 = tpu.memref_slice %arg8[%add3A_124, %dma_start3A_128, %dma_start3A_129] : memref<16384x20x64xf32, #tpu.memory_space<hbm>> -> memref<4x20x64xf32, #tpu.memory_space<hbm>>
      tpu.enqueue_dma source(%arg13 : memref<4x20x64xf32, #tpu.memory_space<vmem>>) target(%dma_start3A_130 : memref<4x20x64xf32, #tpu.memory_space<hbm>>) target_semaphore(%arg17 : memref<!tpu.dma_semaphore, #tpu.memory_space<semaphore_mem>>)
      %add3A_131 = arith.constant 4 : i32
      %add3A_132 = arith.addi %add3A_94, %add3A_131 : i32
      %sub3A = arith.constant 1 : i32
      %sub3A_133 = arith.subi %add3A_132, %sub3A : i32
      %ge3A = arith.constant 1 : i32
      %ge3A_134 = arith.cmpi sge, %add3A_94, %ge3A : i32
      %convert_element_type3A = arith.extui %ge3A_134 : i1 to i32
      %cond3A = arith.constant 0 : i32
      %cond3A_135 = arith.cmpi ne, %convert_element_type3A, %cond3A : i32
      scf.if %cond3A_135 {
        %dma_wait3A_302 = arith.constant 0 : i32
        %dma_wait3A_303 = arith.constant 0 : i32
        %dma_wait3A_304 = tpu.memref_slice %arg8[%mul3A_2, %dma_wait3A_302, %dma_wait3A_303] : memref<16384x20x64xf32, #tpu.memory_space<hbm>> -> memref<4x20x64xf32, #tpu.memory_space<hbm>>
        %dma_wait3A_305 = arith.constant 0 : i32
        %dma_wait3A_306 = arith.constant 0 : i32
        %dma_wait3A_307 = tpu.memref_slice %arg8[%mul3A_2, %dma_wait3A_305, %dma_wait3A_306] : memref<16384x20x64xf32, #tpu.memory_space<hbm>> -> memref<4x20x64xf32, #tpu.memory_space<hbm>>
        tpu.wait_dma2 semaphore(%arg32 : memref<!tpu.dma_semaphore, #tpu.memory_space<semaphore_mem>>) src(%arg28 : memref<4x20x64xf32, #tpu.memory_space<vmem>>) dst(%dma_wait3A_307 : memref<4x20x64xf32, #tpu.memory_space<hbm>>)
      } else {
      }
      %lt3A = arith.constant 128 : i32
      %lt3A_136 = arith.cmpi slt, %sub3A_133, %lt3A : i32
      %convert_element_type3A_137 = arith.extui %lt3A_136 : i1 to i32
      %cond3A_138 = arith.constant 0 : i32
      %cond3A_139 = arith.cmpi ne, %convert_element_type3A_137, %cond3A_138 : i32
      scf.if %cond3A_139 {
        %mul3A_302 = arith.constant 4 : i32
        %mul3A_303 = arith.muli %sub3A_133, %mul3A_302 : i32
        %add3A_304 = arith.addi %mul3A_2, %mul3A_303 : i32
        %dma_start3A_305 = arith.constant 0 : i32
        %dma_start3A_306 = arith.constant 0 : i32
        %dma_start3A_307 = tpu.memref_slice %arg2[%add3A_304, %dma_start3A_305, %dma_start3A_306] : memref<16384x20x64xf32, #tpu.memory_space<hbm>> -> memref<4x20x64xf32, #tpu.memory_space<hbm>>
        %dma_start3A_308 = arith.constant 0 : i32
        %dma_start3A_309 = arith.constant 0 : i32
        %dma_start3A_310 = tpu.memref_slice %arg2[%add3A_304, %dma_start3A_308, %dma_start3A_309] : memref<16384x20x64xf32, #tpu.memory_space<hbm>> -> memref<4x20x64xf32, #tpu.memory_space<hbm>>
        tpu.enqueue_dma source(%dma_start3A_310 : memref<4x20x64xf32, #tpu.memory_space<hbm>>) target(%arg28 : memref<4x20x64xf32, #tpu.memory_space<vmem>>) target_semaphore(%arg31 : memref<!tpu.dma_semaphore, #tpu.memory_space<semaphore_mem>>)
        %dma_start3A_311 = arith.constant 0 : i32
        %dma_start3A_312 = tpu.memref_slice %arg11[%sub3A_133, %dma_start3A_311] : memref<128x80xi32, #tpu.memory_space<vmem>> -> memref<1x80xi32, #tpu.memory_space<vmem>>
        %dma_start3A_313 = tpu.memref_squeeze %dma_start3A_312 : memref<1x80xi32, #tpu.memory_space<vmem>> -> memref<80xi32, #tpu.memory_space<vmem>>
        %dma_start3A_314 = arith.constant 0 : i32
        %dma_start3A_315 = arith.constant 0 : i32
        %dma_start3A_316 = tpu.memref_slice %arg6[%dma_start3A_314, %dma_start3A_315] : memref<1000000x128xf32, #tpu.memory_space<hbm>> -> memref<1000000x128xf32, #tpu.memory_space<hbm>>
        tpu.enqueue_indirect_dma source(%dma_start3A_316 : memref<1000000x128xf32, #tpu.memory_space<hbm>>) target(%arg29 : memref<80x128xf32, #tpu.memory_space<vmem>>) offsets(%dma_start3A_313 : memref<80xi32, #tpu.memory_space<vmem>>) semaphore(%arg31 : memref<!tpu.dma_semaphore, #tpu.memory_space<semaphore_mem>>)
        %dma_start3A_317 = arith.constant 0 : i32
        %dma_start3A_318 = tpu.memref_slice %arg12[%sub3A_133, %dma_start3A_317] : memref<128x80xi32, #tpu.memory_space<vmem>> -> memref<1x80xi32, #tpu.memory_space<vmem>>
        %dma_start3A_319 = tpu.memref_squeeze %dma_start3A_318 : memref<1x80xi32, #tpu.memory_space<vmem>> -> memref<80xi32, #tpu.memory_space<vmem>>
        %dma_start3A_320 = arith.constant 0 : i32
        %dma_start3A_321 = arith.constant 0 : i32
        %dma_start3A_322 = tpu.memref_slice %arg7[%dma_start3A_320, %dma_start3A_321] : memref<15360x64xf32, #tpu.memory_space<hbm>> -> memref<15360x64xf32, #tpu.memory_space<hbm>>
        tpu.enqueue_indirect_dma source(%dma_start3A_322 : memref<15360x64xf32, #tpu.memory_space<hbm>>) target(%arg30 : memref<80x64xf32, #tpu.memory_space<vmem>>) offsets(%dma_start3A_319 : memref<80xi32, #tpu.memory_space<vmem>>) semaphore(%arg31 : memref<!tpu.dma_semaphore, #tpu.memory_space<semaphore_mem>>)
      } else {
      }
      %mul3A_140 = arith.constant 4 : i32
      %mul3A_141 = arith.muli %mul3A_140, %scan3A_90 : i32
      %add3A_142 = arith.constant 1 : i32
      %add3A_143 = arith.addi %mul3A_141, %add3A_142 : i32
      %mul3A_144 = arith.constant 4 : i32
      %mul3A_145 = arith.muli %add3A_143, %mul3A_144 : i32
      %add3A_146 = arith.addi %mul3A_2, %mul3A_145 : i32
      %dma_wait3A_147 = arith.constant 0 : i32
      %dma_wait3A_148 = arith.constant 0 : i32
      %dma_wait3A_149 = tpu.memref_slice %arg2[%add3A_146, %dma_wait3A_147, %dma_wait3A_148] : memref<16384x20x64xf32, #tpu.memory_space<hbm>> -> memref<4x20x64xf32, #tpu.memory_space<hbm>>
      %dma_wait3A_150 = arith.constant 0 : i32
      %dma_wait3A_151 = arith.constant 0 : i32
      %dma_wait3A_152 = tpu.memref_slice %arg2[%add3A_146, %dma_wait3A_150, %dma_wait3A_151] : memref<16384x20x64xf32, #tpu.memory_space<hbm>> -> memref<4x20x64xf32, #tpu.memory_space<hbm>>
      tpu.wait_dma2 semaphore(%arg21 : memref<!tpu.dma_semaphore, #tpu.memory_space<semaphore_mem>>) src(%dma_wait3A_152 : memref<4x20x64xf32, #tpu.memory_space<hbm>>) dst(%arg18 : memref<4x20x64xf32, #tpu.memory_space<vmem>>)
      %dma_wait3A_153 = arith.constant 0 : i32
      %dma_wait3A_154 = tpu.memref_slice %arg11[%add3A_143, %dma_wait3A_153] : memref<128x80xi32, #tpu.memory_space<vmem>> -> memref<1x80xi32, #tpu.memory_space<vmem>>
      %dma_wait3A_155 = tpu.memref_squeeze %dma_wait3A_154 : memref<1x80xi32, #tpu.memory_space<vmem>> -> memref<80xi32, #tpu.memory_space<vmem>>
      %dma_wait3A_156 = arith.constant 0 : i32
      %dma_wait3A_157 = arith.constant 0 : i32
      %dma_wait3A_158 = tpu.memref_slice %arg6[%dma_wait3A_156, %dma_wait3A_157] : memref<1000000x128xf32, #tpu.memory_space<hbm>> -> memref<1000000x128xf32, #tpu.memory_space<hbm>>
      tpu.wait_indirect_dma semaphore(%arg21 : memref<!tpu.dma_semaphore, #tpu.memory_space<semaphore_mem>>) src(%dma_wait3A_158 : memref<1000000x128xf32, #tpu.memory_space<hbm>>) dst(%arg19 : memref<80x128xf32, #tpu.memory_space<vmem>>)
      %dma_wait3A_159 = arith.constant 0 : i32
      %dma_wait3A_160 = tpu.memref_slice %arg12[%add3A_143, %dma_wait3A_159] : memref<128x80xi32, #tpu.memory_space<vmem>> -> memref<1x80xi32, #tpu.memory_space<vmem>>
      %dma_wait3A_161 = tpu.memref_squeeze %dma_wait3A_160 : memref<1x80xi32, #tpu.memory_space<vmem>> -> memref<80xi32, #tpu.memory_space<vmem>>
      %dma_wait3A_162 = arith.constant 0 : i32
      %dma_wait3A_163 = arith.constant 0 : i32
      %dma_wait3A_164 = tpu.memref_slice %arg7[%dma_wait3A_162, %dma_wait3A_163] : memref<15360x64xf32, #tpu.memory_space<hbm>> -> memref<15360x64xf32, #tpu.memory_space<hbm>>
      tpu.wait_indirect_dma semaphore(%arg21 : memref<!tpu.dma_semaphore, #tpu.memory_space<semaphore_mem>>) src(%dma_wait3A_164 : memref<15360x64xf32, #tpu.memory_space<hbm>>) dst(%arg20 : memref<80x64xf32, #tpu.memory_space<vmem>>)
      %scan3A_165 = arith.constant 0 : i32
      %scan3A_166 = arith.constant 0 : i32
      %scan3A_167 = arith.constant 20 : i32
      %scan3A_168 = arith.addi %scan3A_166, %scan3A_167 : i32
      %scan3A_169 = arith.constant 1 : i32
      scf.for %scan3A_302 = %scan3A_166 to %scan3A_168 step %scan3A_169  : i32 {
        %add3A_303 = arith.constant 0 : i32
        %add3A_304 = arith.addi %add3A_303, %scan3A_302 : i32
        %get3A = arith.index_cast %add3A_304 : i32 to index
        %get3A_305 = arith.constant 0 : index
        %get3A_306 = tpu.vector_load %arg19[%get3A, %get3A_305] {strides = array<i32>} : memref<80x128xf32, #tpu.memory_space<vmem>>, vector<16xf32>,
        %swap3A = arith.constant 0 : i32
        %swap3A_307 = arith.index_cast %swap3A : i32 to index
        %swap3A_308 = arith.index_cast %scan3A_302 : i32 to index
        %swap3A_309 = arith.constant 0 : index
        %swap3A_310 = tpu.vector_load %arg18[%swap3A_307, %swap3A_308, %swap3A_309] {strides = array<i32>} : memref<4x20x64xf32, #tpu.memory_space<vmem>>, vector<16xf32>,
        tpu.vector_store %arg18[%swap3A_307, %swap3A_308, %swap3A_309], %get3A_306 {add = true, strides = array<i32>} : memref<4x20x64xf32, #tpu.memory_space<vmem>>, vector<16xf32>,
        %get3A_311 = arith.index_cast %add3A_304 : i32 to index
        %get3A_312 = arith.constant 0 : index
        %get3A_313 = tpu.vector_load %arg20[%get3A_311, %get3A_312] {strides = array<i32>} : memref<80x64xf32, #tpu.memory_space<vmem>>, vector<16xf32>,
        %swap3A_314 = arith.constant 0 : i32
        %swap3A_315 = arith.index_cast %swap3A_314 : i32 to index
        %swap3A_316 = arith.index_cast %scan3A_302 : i32 to index
        %swap3A_317 = arith.constant 0 : index
        %swap3A_318 = tpu.vector_load %arg18[%swap3A_315, %swap3A_316, %swap3A_317] {strides = array<i32>} : memref<4x20x64xf32, #tpu.memory_space<vmem>>, vector<16xf32>,
        tpu.vector_store %arg18[%swap3A_315, %swap3A_316, %swap3A_317], %get3A_313 {add = true, strides = array<i32>} : memref<4x20x64xf32, #tpu.memory_space<vmem>>, vector<16xf32>,
        %get3A_319 = arith.index_cast %add3A_304 : i32 to index
        %get3A_320 = arith.constant 16 : index
        %get3A_321 = tpu.vector_load %arg19[%get3A_319, %get3A_320] {strides = array<i32>} : memref<80x128xf32, #tpu.memory_space<vmem>>, vector<16xf32>,
        %swap3A_322 = arith.constant 0 : i32
        %swap3A_323 = arith.index_cast %swap3A_322 : i32 to index
        %swap3A_324 = arith.index_cast %scan3A_302 : i32 to index
        %swap3A_325 = arith.constant 16 : index
        %swap3A_326 = tpu.vector_load %arg18[%swap3A_323, %swap3A_324, %swap3A_325] {strides = array<i32>} : memref<4x20x64xf32, #tpu.memory_space<vmem>>, vector<16xf32>,
        tpu.vector_store %arg18[%swap3A_323, %swap3A_324, %swap3A_325], %get3A_321 {add = true, strides = array<i32>} : memref<4x20x64xf32, #tpu.memory_space<vmem>>, vector<16xf32>,
        %get3A_327 = arith.index_cast %add3A_304 : i32 to index
        %get3A_328 = arith.constant 16 : index
        %get3A_329 = tpu.vector_load %arg20[%get3A_327, %get3A_328] {strides = array<i32>} : memref<80x64xf32, #tpu.memory_space<vmem>>, vector<16xf32>,
        %swap3A_330 = arith.constant 0 : i32
        %swap3A_331 = arith.index_cast %swap3A_330 : i32 to index
        %swap3A_332 = arith.index_cast %scan3A_302 : i32 to index
        %swap3A_333 = arith.constant 16 : index
        %swap3A_334 = tpu.vector_load %arg18[%swap3A_331, %swap3A_332, %swap3A_333] {strides = array<i32>} : memref<4x20x64xf32, #tpu.memory_space<vmem>>, vector<16xf32>,
        tpu.vector_store %arg18[%swap3A_331, %swap3A_332, %swap3A_333], %get3A_329 {add = true, strides = array<i32>} : memref<4x20x64xf32, #tpu.memory_space<vmem>>, vector<16xf32>,
        %get3A_335 = arith.index_cast %add3A_304 : i32 to index
        %get3A_336 = arith.constant 32 : index
        %get3A_337 = tpu.vector_load %arg19[%get3A_335, %get3A_336] {strides = array<i32>} : memref<80x128xf32, #tpu.memory_space<vmem>>, vector<16xf32>,
        %swap3A_338 = arith.constant 0 : i32
        %swap3A_339 = arith.index_cast %swap3A_338 : i32 to index
        %swap3A_340 = arith.index_cast %scan3A_302 : i32 to index
        %swap3A_341 = arith.constant 32 : index
        %swap3A_342 = tpu.vector_load %arg18[%swap3A_339, %swap3A_340, %swap3A_341] {strides = array<i32>} : memref<4x20x64xf32, #tpu.memory_space<vmem>>, vector<16xf32>,
        tpu.vector_store %arg18[%swap3A_339, %swap3A_340, %swap3A_341], %get3A_337 {add = true, strides = array<i32>} : memref<4x20x64xf32, #tpu.memory_space<vmem>>, vector<16xf32>,
        %get3A_343 = arith.index_cast %add3A_304 : i32 to index
        %get3A_344 = arith.constant 32 : index
        %get3A_345 = tpu.vector_load %arg20[%get3A_343, %get3A_344] {strides = array<i32>} : memref<80x64xf32, #tpu.memory_space<vmem>>, vector<16xf32>,
        %swap3A_346 = arith.constant 0 : i32
        %swap3A_347 = arith.index_cast %swap3A_346 : i32 to index
        %swap3A_348 = arith.index_cast %scan3A_302 : i32 to index
        %swap3A_349 = arith.constant 32 : index
        %swap3A_350 = tpu.vector_load %arg18[%swap3A_347, %swap3A_348, %swap3A_349] {strides = array<i32>} : memref<4x20x64xf32, #tpu.memory_space<vmem>>, vector<16xf32>,
        tpu.vector_store %arg18[%swap3A_347, %swap3A_348, %swap3A_349], %get3A_345 {add = true, strides = array<i32>} : memref<4x20x64xf32, #tpu.memory_space<vmem>>, vector<16xf32>,
        %get3A_351 = arith.index_cast %add3A_304 : i32 to index
        %get3A_352 = arith.constant 48 : index
        %get3A_353 = tpu.vector_load %arg19[%get3A_351, %get3A_352] {strides = array<i32>} : memref<80x128xf32, #tpu.memory_space<vmem>>, vector<16xf32>,
        %swap3A_354 = arith.constant 0 : i32
        %swap3A_355 = arith.index_cast %swap3A_354 : i32 to index
        %swap3A_356 = arith.index_cast %scan3A_302 : i32 to index
        %swap3A_357 = arith.constant 48 : index
        %swap3A_358 = tpu.vector_load %arg18[%swap3A_355, %swap3A_356, %swap3A_357] {strides = array<i32>} : memref<4x20x64xf32, #tpu.memory_space<vmem>>, vector<16xf32>,
        tpu.vector_store %arg18[%swap3A_355, %swap3A_356, %swap3A_357], %get3A_353 {add = true, strides = array<i32>} : memref<4x20x64xf32, #tpu.memory_space<vmem>>, vector<16xf32>,
        %get3A_359 = arith.index_cast %add3A_304 : i32 to index
        %get3A_360 = arith.constant 48 : index
        %get3A_361 = tpu.vector_load %arg20[%get3A_359, %get3A_360] {strides = array<i32>} : memref<80x64xf32, #tpu.memory_space<vmem>>, vector<16xf32>,
        %swap3A_362 = arith.constant 0 : i32
        %swap3A_363 = arith.index_cast %swap3A_362 : i32 to index
        %swap3A_364 = arith.index_cast %scan3A_302 : i32 to index
        %swap3A_365 = arith.constant 48 : index
        %swap3A_366 = tpu.vector_load %arg18[%swap3A_363, %swap3A_364, %swap3A_365] {strides = array<i32>} : memref<4x20x64xf32, #tpu.memory_space<vmem>>, vector<16xf32>,
        tpu.vector_store %arg18[%swap3A_363, %swap3A_364, %swap3A_365], %get3A_361 {add = true, strides = array<i32>} : memref<4x20x64xf32, #tpu.memory_space<vmem>>, vector<16xf32>,
        %add3A_367 = arith.constant 20 : i32
        %add3A_368 = arith.addi %add3A_367, %scan3A_302 : i32
        %get3A_369 = arith.index_cast %add3A_368 : i32 to index
        %get3A_370 = arith.constant 0 : index
        %get3A_371 = tpu.vector_load %arg19[%get3A_369, %get3A_370] {strides = array<i32>} : memref<80x128xf32, #tpu.memory_space<vmem>>, vector<16xf32>,
        %swap3A_372 = arith.constant 1 : i32
        %swap3A_373 = arith.index_cast %swap3A_372 : i32 to index
        %swap3A_374 = arith.index_cast %scan3A_302 : i32 to index
        %swap3A_375 = arith.constant 0 : index
        %swap3A_376 = tpu.vector_load %arg18[%swap3A_373, %swap3A_374, %swap3A_375] {strides = array<i32>} : memref<4x20x64xf32, #tpu.memory_space<vmem>>, vector<16xf32>,
        tpu.vector_store %arg18[%swap3A_373, %swap3A_374, %swap3A_375], %get3A_371 {add = true, strides = array<i32>} : memref<4x20x64xf32, #tpu.memory_space<vmem>>, vector<16xf32>,
        %get3A_377 = arith.index_cast %add3A_368 : i32 to index
        %get3A_378 = arith.constant 0 : index
        %get3A_379 = tpu.vector_load %arg20[%get3A_377, %get3A_378] {strides = array<i32>} : memref<80x64xf32, #tpu.memory_space<vmem>>, vector<16xf32>,
        %swap3A_380 = arith.constant 1 : i32
        %swap3A_381 = arith.index_cast %swap3A_380 : i32 to index
        %swap3A_382 = arith.index_cast %scan3A_302 : i32 to index
        %swap3A_383 = arith.constant 0 : index
        %swap3A_384 = tpu.vector_load %arg18[%swap3A_381, %swap3A_382, %swap3A_383] {strides = array<i32>} : memref<4x20x64xf32, #tpu.memory_space<vmem>>, vector<16xf32>,
        tpu.vector_store %arg18[%swap3A_381, %swap3A_382, %swap3A_383], %get3A_379 {add = true, strides = array<i32>} : memref<4x20x64xf32, #tpu.memory_space<vmem>>, vector<16xf32>,
        %get3A_385 = arith.index_cast %add3A_368 : i32 to index
        %get3A_386 = arith.constant 16 : index
        %get3A_387 = tpu.vector_load %arg19[%get3A_385, %get3A_386] {strides = array<i32>} : memref<80x128xf32, #tpu.memory_space<vmem>>, vector<16xf32>,
        %swap3A_388 = arith.constant 1 : i32
        %swap3A_389 = arith.index_cast %swap3A_388 : i32 to index
        %swap3A_390 = arith.index_cast %scan3A_302 : i32 to index
        %swap3A_391 = arith.constant 16 : index
        %swap3A_392 = tpu.vector_load %arg18[%swap3A_389, %swap3A_390, %swap3A_391] {strides = array<i32>} : memref<4x20x64xf32, #tpu.memory_space<vmem>>, vector<16xf32>,
        tpu.vector_store %arg18[%swap3A_389, %swap3A_390, %swap3A_391], %get3A_387 {add = true, strides = array<i32>} : memref<4x20x64xf32, #tpu.memory_space<vmem>>, vector<16xf32>,
        %get3A_393 = arith.index_cast %add3A_368 : i32 to index
        %get3A_394 = arith.constant 16 : index
        %get3A_395 = tpu.vector_load %arg20[%get3A_393, %get3A_394] {strides = array<i32>} : memref<80x64xf32, #tpu.memory_space<vmem>>, vector<16xf32>,
        %swap3A_396 = arith.constant 1 : i32
        %swap3A_397 = arith.index_cast %swap3A_396 : i32 to index
        %swap3A_398 = arith.index_cast %scan3A_302 : i32 to index
        %swap3A_399 = arith.constant 16 : index
        %swap3A_400 = tpu.vector_load %arg18[%swap3A_397, %swap3A_398, %swap3A_399] {strides = array<i32>} : memref<4x20x64xf32, #tpu.memory_space<vmem>>, vector<16xf32>,
        tpu.vector_store %arg18[%swap3A_397, %swap3A_398, %swap3A_399], %get3A_395 {add = true, strides = array<i32>} : memref<4x20x64xf32, #tpu.memory_space<vmem>>, vector<16xf32>,
        %get3A_401 = arith.index_cast %add3A_368 : i32 to index
        %get3A_402 = arith.constant 32 : index
        %get3A_403 = tpu.vector_load %arg19[%get3A_401, %get3A_402] {strides = array<i32>} : memref<80x128xf32, #tpu.memory_space<vmem>>, vector<16xf32>,
        %swap3A_404 = arith.constant 1 : i32
        %swap3A_405 = arith.index_cast %swap3A_404 : i32 to index
        %swap3A_406 = arith.index_cast %scan3A_302 : i32 to index
        %swap3A_407 = arith.constant 32 : index
        %swap3A_408 = tpu.vector_load %arg18[%swap3A_405, %swap3A_406, %swap3A_407] {strides = array<i32>} : memref<4x20x64xf32, #tpu.memory_space<vmem>>, vector<16xf32>,
        tpu.vector_store %arg18[%swap3A_405, %swap3A_406, %swap3A_407], %get3A_403 {add = true, strides = array<i32>} : memref<4x20x64xf32, #tpu.memory_space<vmem>>, vector<16xf32>,
        %get3A_409 = arith.index_cast %add3A_368 : i32 to index
        %get3A_410 = arith.constant 32 : index
        %get3A_411 = tpu.vector_load %arg20[%get3A_409, %get3A_410] {strides = array<i32>} : memref<80x64xf32, #tpu.memory_space<vmem>>, vector<16xf32>,
        %swap3A_412 = arith.constant 1 : i32
        %swap3A_413 = arith.index_cast %swap3A_412 : i32 to index
        %swap3A_414 = arith.index_cast %scan3A_302 : i32 to index
        %swap3A_415 = arith.constant 32 : index
        %swap3A_416 = tpu.vector_load %arg18[%swap3A_413, %swap3A_414, %swap3A_415] {strides = array<i32>} : memref<4x20x64xf32, #tpu.memory_space<vmem>>, vector<16xf32>,
        tpu.vector_store %arg18[%swap3A_413, %swap3A_414, %swap3A_415], %get3A_411 {add = true, strides = array<i32>} : memref<4x20x64xf32, #tpu.memory_space<vmem>>, vector<16xf32>,
        %get3A_417 = arith.index_cast %add3A_368 : i32 to index
        %get3A_418 = arith.constant 48 : index
        %get3A_419 = tpu.vector_load %arg19[%get3A_417, %get3A_418] {strides = array<i32>} : memref<80x128xf32, #tpu.memory_space<vmem>>, vector<16xf32>,
        %swap3A_420 = arith.constant 1 : i32
        %swap3A_421 = arith.index_cast %swap3A_420 : i32 to index
        %swap3A_422 = arith.index_cast %scan3A_302 : i32 to index
        %swap3A_423 = arith.constant 48 : index
        %swap3A_424 = tpu.vector_load %arg18[%swap3A_421, %swap3A_422, %swap3A_423] {strides = array<i32>} : memref<4x20x64xf32, #tpu.memory_space<vmem>>, vector<16xf32>,
        tpu.vector_store %arg18[%swap3A_421, %swap3A_422, %swap3A_423], %get3A_419 {add = true, strides = array<i32>} : memref<4x20x64xf32, #tpu.memory_space<vmem>>, vector<16xf32>,
        %get3A_425 = arith.index_cast %add3A_368 : i32 to index
        %get3A_426 = arith.constant 48 : index
        %get3A_427 = tpu.vector_load %arg20[%get3A_425, %get3A_426] {strides = array<i32>} : memref<80x64xf32, #tpu.memory_space<vmem>>, vector<16xf32>,
        %swap3A_428 = arith.constant 1 : i32
        %swap3A_429 = arith.index_cast %swap3A_428 : i32 to index
        %swap3A_430 = arith.index_cast %scan3A_302 : i32 to index
        %swap3A_431 = arith.constant 48 : index
        %swap3A_432 = tpu.vector_load %arg18[%swap3A_429, %swap3A_430, %swap3A_431] {strides = array<i32>} : memref<4x20x64xf32, #tpu.memory_space<vmem>>, vector<16xf32>,
        tpu.vector_store %arg18[%swap3A_429, %swap3A_430, %swap3A_431], %get3A_427 {add = true, strides = array<i32>} : memref<4x20x64xf32, #tpu.memory_space<vmem>>, vector<16xf32>,
        %add3A_433 = arith.constant 40 : i32
        %add3A_434 = arith.addi %add3A_433, %scan3A_302 : i32
        %get3A_435 = arith.index_cast %add3A_434 : i32 to index
        %get3A_436 = arith.constant 0 : index
        %get3A_437 = tpu.vector_load %arg19[%get3A_435, %get3A_436] {strides = array<i32>} : memref<80x128xf32, #tpu.memory_space<vmem>>, vector<16xf32>,
        %swap3A_438 = arith.constant 2 : i32
        %swap3A_439 = arith.index_cast %swap3A_438 : i32 to index
        %swap3A_440 = arith.index_cast %scan3A_302 : i32 to index
        %swap3A_441 = arith.constant 0 : index
        %swap3A_442 = tpu.vector_load %arg18[%swap3A_439, %swap3A_440, %swap3A_441] {strides = array<i32>} : memref<4x20x64xf32, #tpu.memory_space<vmem>>, vector<16xf32>,
        tpu.vector_store %arg18[%swap3A_439, %swap3A_440, %swap3A_441], %get3A_437 {add = true, strides = array<i32>} : memref<4x20x64xf32, #tpu.memory_space<vmem>>, vector<16xf32>,
        %get3A_443 = arith.index_cast %add3A_434 : i32 to index
        %get3A_444 = arith.constant 0 : index
        %get3A_445 = tpu.vector_load %arg20[%get3A_443, %get3A_444] {strides = array<i32>} : memref<80x64xf32, #tpu.memory_space<vmem>>, vector<16xf32>,
        %swap3A_446 = arith.constant 2 : i32
        %swap3A_447 = arith.index_cast %swap3A_446 : i32 to index
        %swap3A_448 = arith.index_cast %scan3A_302 : i32 to index
        %swap3A_449 = arith.constant 0 : index
        %swap3A_450 = tpu.vector_load %arg18[%swap3A_447, %swap3A_448, %swap3A_449] {strides = array<i32>} : memref<4x20x64xf32, #tpu.memory_space<vmem>>, vector<16xf32>,
        tpu.vector_store %arg18[%swap3A_447, %swap3A_448, %swap3A_449], %get3A_445 {add = true, strides = array<i32>} : memref<4x20x64xf32, #tpu.memory_space<vmem>>, vector<16xf32>,
        %get3A_451 = arith.index_cast %add3A_434 : i32 to index
        %get3A_452 = arith.constant 16 : index
        %get3A_453 = tpu.vector_load %arg19[%get3A_451, %get3A_452] {strides = array<i32>} : memref<80x128xf32, #tpu.memory_space<vmem>>, vector<16xf32>,
        %swap3A_454 = arith.constant 2 : i32
        %swap3A_455 = arith.index_cast %swap3A_454 : i32 to index
        %swap3A_456 = arith.index_cast %scan3A_302 : i32 to index
        %swap3A_457 = arith.constant 16 : index
        %swap3A_458 = tpu.vector_load %arg18[%swap3A_455, %swap3A_456, %swap3A_457] {strides = array<i32>} : memref<4x20x64xf32, #tpu.memory_space<vmem>>, vector<16xf32>,
        tpu.vector_store %arg18[%swap3A_455, %swap3A_456, %swap3A_457], %get3A_453 {add = true, strides = array<i32>} : memref<4x20x64xf32, #tpu.memory_space<vmem>>, vector<16xf32>,
        %get3A_459 = arith.index_cast %add3A_434 : i32 to index
        %get3A_460 = arith.constant 16 : index
        %get3A_461 = tpu.vector_load %arg20[%get3A_459, %get3A_460] {strides = array<i32>} : memref<80x64xf32, #tpu.memory_space<vmem>>, vector<16xf32>,
        %swap3A_462 = arith.constant 2 : i32
        %swap3A_463 = arith.index_cast %swap3A_462 : i32 to index
        %swap3A_464 = arith.index_cast %scan3A_302 : i32 to index
        %swap3A_465 = arith.constant 16 : index
        %swap3A_466 = tpu.vector_load %arg18[%swap3A_463, %swap3A_464, %swap3A_465] {strides = array<i32>} : memref<4x20x64xf32, #tpu.memory_space<vmem>>, vector<16xf32>,
        tpu.vector_store %arg18[%swap3A_463, %swap3A_464, %swap3A_465], %get3A_461 {add = true, strides = array<i32>} : memref<4x20x64xf32, #tpu.memory_space<vmem>>, vector<16xf32>,
        %get3A_467 = arith.index_cast %add3A_434 : i32 to index
        %get3A_468 = arith.constant 32 : index
        %get3A_469 = tpu.vector_load %arg19[%get3A_467, %get3A_468] {strides = array<i32>} : memref<80x128xf32, #tpu.memory_space<vmem>>, vector<16xf32>,
        %swap3A_470 = arith.constant 2 : i32
        %swap3A_471 = arith.index_cast %swap3A_470 : i32 to index
        %swap3A_472 = arith.index_cast %scan3A_302 : i32 to index
        %swap3A_473 = arith.constant 32 : index
        %swap3A_474 = tpu.vector_load %arg18[%swap3A_471, %swap3A_472, %swap3A_473] {strides = array<i32>} : memref<4x20x64xf32, #tpu.memory_space<vmem>>, vector<16xf32>,
        tpu.vector_store %arg18[%swap3A_471, %swap3A_472, %swap3A_473], %get3A_469 {add = true, strides = array<i32>} : memref<4x20x64xf32, #tpu.memory_space<vmem>>, vector<16xf32>,
        %get3A_475 = arith.index_cast %add3A_434 : i32 to index
        %get3A_476 = arith.constant 32 : index
        %get3A_477 = tpu.vector_load %arg20[%get3A_475, %get3A_476] {strides = array<i32>} : memref<80x64xf32, #tpu.memory_space<vmem>>, vector<16xf32>,
        %swap3A_478 = arith.constant 2 : i32
        %swap3A_479 = arith.index_cast %swap3A_478 : i32 to index
        %swap3A_480 = arith.index_cast %scan3A_302 : i32 to index
        %swap3A_481 = arith.constant 32 : index
        %swap3A_482 = tpu.vector_load %arg18[%swap3A_479, %swap3A_480, %swap3A_481] {strides = array<i32>} : memref<4x20x64xf32, #tpu.memory_space<vmem>>, vector<16xf32>,
        tpu.vector_store %arg18[%swap3A_479, %swap3A_480, %swap3A_481], %get3A_477 {add = true, strides = array<i32>} : memref<4x20x64xf32, #tpu.memory_space<vmem>>, vector<16xf32>,
        %get3A_483 = arith.index_cast %add3A_434 : i32 to index
        %get3A_484 = arith.constant 48 : index
        %get3A_485 = tpu.vector_load %arg19[%get3A_483, %get3A_484] {strides = array<i32>} : memref<80x128xf32, #tpu.memory_space<vmem>>, vector<16xf32>,
        %swap3A_486 = arith.constant 2 : i32
        %swap3A_487 = arith.index_cast %swap3A_486 : i32 to index
        %swap3A_488 = arith.index_cast %scan3A_302 : i32 to index
        %swap3A_489 = arith.constant 48 : index
        %swap3A_490 = tpu.vector_load %arg18[%swap3A_487, %swap3A_488, %swap3A_489] {strides = array<i32>} : memref<4x20x64xf32, #tpu.memory_space<vmem>>, vector<16xf32>,
        tpu.vector_store %arg18[%swap3A_487, %swap3A_488, %swap3A_489], %get3A_485 {add = true, strides = array<i32>} : memref<4x20x64xf32, #tpu.memory_space<vmem>>, vector<16xf32>,
        %get3A_491 = arith.index_cast %add3A_434 : i32 to index
        %get3A_492 = arith.constant 48 : index
        %get3A_493 = tpu.vector_load %arg20[%get3A_491, %get3A_492] {strides = array<i32>} : memref<80x64xf32, #tpu.memory_space<vmem>>, vector<16xf32>,
        %swap3A_494 = arith.constant 2 : i32
        %swap3A_495 = arith.index_cast %swap3A_494 : i32 to index
        %swap3A_496 = arith.index_cast %scan3A_302 : i32 to index
        %swap3A_497 = arith.constant 48 : index
        %swap3A_498 = tpu.vector_load %arg18[%swap3A_495, %swap3A_496, %swap3A_497] {strides = array<i32>} : memref<4x20x64xf32, #tpu.memory_space<vmem>>, vector<16xf32>,
        tpu.vector_store %arg18[%swap3A_495, %swap3A_496, %swap3A_497], %get3A_493 {add = true, strides = array<i32>} : memref<4x20x64xf32, #tpu.memory_space<vmem>>, vector<16xf32>,
        %add3A_499 = arith.constant 60 : i32
        %add3A_500 = arith.addi %add3A_499, %scan3A_302 : i32
        %get3A_501 = arith.index_cast %add3A_500 : i32 to index
        %get3A_502 = arith.constant 0 : index
        %get3A_503 = tpu.vector_load %arg19[%get3A_501, %get3A_502] {strides = array<i32>} : memref<80x128xf32, #tpu.memory_space<vmem>>, vector<16xf32>,
        %swap3A_504 = arith.constant 3 : i32
        %swap3A_505 = arith.index_cast %swap3A_504 : i32 to index
        %swap3A_506 = arith.index_cast %scan3A_302 : i32 to index
        %swap3A_507 = arith.constant 0 : index
        %swap3A_508 = tpu.vector_load %arg18[%swap3A_505, %swap3A_506, %swap3A_507] {strides = array<i32>} : memref<4x20x64xf32, #tpu.memory_space<vmem>>, vector<16xf32>,
        tpu.vector_store %arg18[%swap3A_505, %swap3A_506, %swap3A_507], %get3A_503 {add = true, strides = array<i32>} : memref<4x20x64xf32, #tpu.memory_space<vmem>>, vector<16xf32>,
        %get3A_509 = arith.index_cast %add3A_500 : i32 to index
        %get3A_510 = arith.constant 0 : index
        %get3A_511 = tpu.vector_load %arg20[%get3A_509, %get3A_510] {strides = array<i32>} : memref<80x64xf32, #tpu.memory_space<vmem>>, vector<16xf32>,
        %swap3A_512 = arith.constant 3 : i32
        %swap3A_513 = arith.index_cast %swap3A_512 : i32 to index
        %swap3A_514 = arith.index_cast %scan3A_302 : i32 to index
        %swap3A_515 = arith.constant 0 : index
        %swap3A_516 = tpu.vector_load %arg18[%swap3A_513, %swap3A_514, %swap3A_515] {strides = array<i32>} : memref<4x20x64xf32, #tpu.memory_space<vmem>>, vector<16xf32>,
        tpu.vector_store %arg18[%swap3A_513, %swap3A_514, %swap3A_515], %get3A_511 {add = true, strides = array<i32>} : memref<4x20x64xf32, #tpu.memory_space<vmem>>, vector<16xf32>,
        %get3A_517 = arith.index_cast %add3A_500 : i32 to index
        %get3A_518 = arith.constant 16 : index
        %get3A_519 = tpu.vector_load %arg19[%get3A_517, %get3A_518] {strides = array<i32>} : memref<80x128xf32, #tpu.memory_space<vmem>>, vector<16xf32>,
        %swap3A_520 = arith.constant 3 : i32
        %swap3A_521 = arith.index_cast %swap3A_520 : i32 to index
        %swap3A_522 = arith.index_cast %scan3A_302 : i32 to index
        %swap3A_523 = arith.constant 16 : index
        %swap3A_524 = tpu.vector_load %arg18[%swap3A_521, %swap3A_522, %swap3A_523] {strides = array<i32>} : memref<4x20x64xf32, #tpu.memory_space<vmem>>, vector<16xf32>,
        tpu.vector_store %arg18[%swap3A_521, %swap3A_522, %swap3A_523], %get3A_519 {add = true, strides = array<i32>} : memref<4x20x64xf32, #tpu.memory_space<vmem>>, vector<16xf32>,
        %get3A_525 = arith.index_cast %add3A_500 : i32 to index
        %get3A_526 = arith.constant 16 : index
        %get3A_527 = tpu.vector_load %arg20[%get3A_525, %get3A_526] {strides = array<i32>} : memref<80x64xf32, #tpu.memory_space<vmem>>, vector<16xf32>,
        %swap3A_528 = arith.constant 3 : i32
        %swap3A_529 = arith.index_cast %swap3A_528 : i32 to index
        %swap3A_530 = arith.index_cast %scan3A_302 : i32 to index
        %swap3A_531 = arith.constant 16 : index
        %swap3A_532 = tpu.vector_load %arg18[%swap3A_529, %swap3A_530, %swap3A_531] {strides = array<i32>} : memref<4x20x64xf32, #tpu.memory_space<vmem>>, vector<16xf32>,
        tpu.vector_store %arg18[%swap3A_529, %swap3A_530, %swap3A_531], %get3A_527 {add = true, strides = array<i32>} : memref<4x20x64xf32, #tpu.memory_space<vmem>>, vector<16xf32>,
        %get3A_533 = arith.index_cast %add3A_500 : i32 to index
        %get3A_534 = arith.constant 32 : index
        %get3A_535 = tpu.vector_load %arg19[%get3A_533, %get3A_534] {strides = array<i32>} : memref<80x128xf32, #tpu.memory_space<vmem>>, vector<16xf32>,
        %swap3A_536 = arith.constant 3 : i32
        %swap3A_537 = arith.index_cast %swap3A_536 : i32 to index
        %swap3A_538 = arith.index_cast %scan3A_302 : i32 to index
        %swap3A_539 = arith.constant 32 : index
        %swap3A_540 = tpu.vector_load %arg18[%swap3A_537, %swap3A_538, %swap3A_539] {strides = array<i32>} : memref<4x20x64xf32, #tpu.memory_space<vmem>>, vector<16xf32>,
        tpu.vector_store %arg18[%swap3A_537, %swap3A_538, %swap3A_539], %get3A_535 {add = true, strides = array<i32>} : memref<4x20x64xf32, #tpu.memory_space<vmem>>, vector<16xf32>,
        %get3A_541 = arith.index_cast %add3A_500 : i32 to index
        %get3A_542 = arith.constant 32 : index
        %get3A_543 = tpu.vector_load %arg20[%get3A_541, %get3A_542] {strides = array<i32>} : memref<80x64xf32, #tpu.memory_space<vmem>>, vector<16xf32>,
        %swap3A_544 = arith.constant 3 : i32
        %swap3A_545 = arith.index_cast %swap3A_544 : i32 to index
        %swap3A_546 = arith.index_cast %scan3A_302 : i32 to index
        %swap3A_547 = arith.constant 32 : index
        %swap3A_548 = tpu.vector_load %arg18[%swap3A_545, %swap3A_546, %swap3A_547] {strides = array<i32>} : memref<4x20x64xf32, #tpu.memory_space<vmem>>, vector<16xf32>,
        tpu.vector_store %arg18[%swap3A_545, %swap3A_546, %swap3A_547], %get3A_543 {add = true, strides = array<i32>} : memref<4x20x64xf32, #tpu.memory_space<vmem>>, vector<16xf32>,
        %get3A_549 = arith.index_cast %add3A_500 : i32 to index
        %get3A_550 = arith.constant 48 : index
        %get3A_551 = tpu.vector_load %arg19[%get3A_549, %get3A_550] {strides = array<i32>} : memref<80x128xf32, #tpu.memory_space<vmem>>, vector<16xf32>,
        %swap3A_552 = arith.constant 3 : i32
        %swap3A_553 = arith.index_cast %swap3A_552 : i32 to index
        %swap3A_554 = arith.index_cast %scan3A_302 : i32 to index
        %swap3A_555 = arith.constant 48 : index
        %swap3A_556 = tpu.vector_load %arg18[%swap3A_553, %swap3A_554, %swap3A_555] {strides = array<i32>} : memref<4x20x64xf32, #tpu.memory_space<vmem>>, vector<16xf32>,
        tpu.vector_store %arg18[%swap3A_553, %swap3A_554, %swap3A_555], %get3A_551 {add = true, strides = array<i32>} : memref<4x20x64xf32, #tpu.memory_space<vmem>>, vector<16xf32>,
        %get3A_557 = arith.index_cast %add3A_500 : i32 to index
        %get3A_558 = arith.constant 48 : index
        %get3A_559 = tpu.vector_load %arg20[%get3A_557, %get3A_558] {strides = array<i32>} : memref<80x64xf32, #tpu.memory_space<vmem>>, vector<16xf32>,
        %swap3A_560 = arith.constant 3 : i32
        %swap3A_561 = arith.index_cast %swap3A_560 : i32 to index
        %swap3A_562 = arith.index_cast %scan3A_302 : i32 to index
        %swap3A_563 = arith.constant 48 : index
        %swap3A_564 = tpu.vector_load %arg18[%swap3A_561, %swap3A_562, %swap3A_563] {strides = array<i32>} : memref<4x20x64xf32, #tpu.memory_space<vmem>>, vector<16xf32>,
        tpu.vector_store %arg18[%swap3A_561, %swap3A_562, %swap3A_563], %get3A_559 {add = true, strides = array<i32>} : memref<4x20x64xf32, #tpu.memory_space<vmem>>, vector<16xf32>,
      }
      %scan3A_170 = arith.constant 20 : i32
      %mul3A_171 = arith.constant 4 : i32
      %mul3A_172 = arith.muli %add3A_143, %mul3A_171 : i32
      %add3A_173 = arith.addi %mul3A_2, %mul3A_172 : i32
      %dma_start3A_174 = arith.constant 0 : i32
      %dma_start3A_175 = arith.constant 0 : i32
      %dma_start3A_176 = tpu.memref_slice %arg8[%add3A_173, %dma_start3A_174, %dma_start3A_175] : memref<16384x20x64xf32, #tpu.memory_space<hbm>> -> memref<4x20x64xf32, #tpu.memory_space<hbm>>
      %dma_start3A_177 = arith.constant 0 : i32
      %dma_start3A_178 = arith.constant 0 : i32
      %dma_start3A_179 = tpu.memref_slice %arg8[%add3A_173, %dma_start3A_177, %dma_start3A_178] : memref<16384x20x64xf32, #tpu.memory_space<hbm>> -> memref<4x20x64xf32, #tpu.memory_space<hbm>>
      tpu.enqueue_dma source(%arg18 : memref<4x20x64xf32, #tpu.memory_space<vmem>>) target(%dma_start3A_179 : memref<4x20x64xf32, #tpu.memory_space<hbm>>) target_semaphore(%arg22 : memref<!tpu.dma_semaphore, #tpu.memory_space<semaphore_mem>>)
      %add3A_180 = arith.constant 4 : i32
      %add3A_181 = arith.addi %add3A_143, %add3A_180 : i32
      %sub3A_182 = arith.constant 1 : i32
      %sub3A_183 = arith.subi %add3A_181, %sub3A_182 : i32
      %ge3A_184 = arith.constant 1 : i32
      %ge3A_185 = arith.cmpi sge, %add3A_143, %ge3A_184 : i32
      %convert_element_type3A_186 = arith.extui %ge3A_185 : i1 to i32
      %cond3A_187 = arith.constant 0 : i32
      %cond3A_188 = arith.cmpi ne, %convert_element_type3A_186, %cond3A_187 : i32
      scf.if %cond3A_188 {
        %dma_wait3A_302 = arith.constant 0 : i32
        %dma_wait3A_303 = arith.constant 0 : i32
        %dma_wait3A_304 = tpu.memref_slice %arg8[%mul3A_2, %dma_wait3A_302, %dma_wait3A_303] : memref<16384x20x64xf32, #tpu.memory_space<hbm>> -> memref<4x20x64xf32, #tpu.memory_space<hbm>>
        %dma_wait3A_305 = arith.constant 0 : i32
        %dma_wait3A_306 = arith.constant 0 : i32
        %dma_wait3A_307 = tpu.memref_slice %arg8[%mul3A_2, %dma_wait3A_305, %dma_wait3A_306] : memref<16384x20x64xf32, #tpu.memory_space<hbm>> -> memref<4x20x64xf32, #tpu.memory_space<hbm>>
        tpu.wait_dma2 semaphore(%arg17 : memref<!tpu.dma_semaphore, #tpu.memory_space<semaphore_mem>>) src(%arg13 : memref<4x20x64xf32, #tpu.memory_space<vmem>>) dst(%dma_wait3A_307 : memref<4x20x64xf32, #tpu.memory_space<hbm>>)
      } else {
      }
      %lt3A_189 = arith.constant 128 : i32
      %lt3A_190 = arith.cmpi slt, %sub3A_183, %lt3A_189 : i32
      %convert_element_type3A_191 = arith.extui %lt3A_190 : i1 to i32
      %cond3A_192 = arith.constant 0 : i32
      %cond3A_193 = arith.cmpi ne, %convert_element_type3A_191, %cond3A_192 : i32
      scf.if %cond3A_193 {
        %mul3A_302 = arith.constant 4 : i32
        %mul3A_303 = arith.muli %sub3A_183, %mul3A_302 : i32
        %add3A_304 = arith.addi %mul3A_2, %mul3A_303 : i32
        %dma_start3A_305 = arith.constant 0 : i32
        %dma_start3A_306 = arith.constant 0 : i32
        %dma_start3A_307 = tpu.memref_slice %arg2[%add3A_304, %dma_start3A_305, %dma_start3A_306] : memref<16384x20x64xf32, #tpu.memory_space<hbm>> -> memref<4x20x64xf32, #tpu.memory_space<hbm>>
        %dma_start3A_308 = arith.constant 0 : i32
        %dma_start3A_309 = arith.constant 0 : i32
        %dma_start3A_310 = tpu.memref_slice %arg2[%add3A_304, %dma_start3A_308, %dma_start3A_309] : memref<16384x20x64xf32, #tpu.memory_space<hbm>> -> memref<4x20x64xf32, #tpu.memory_space<hbm>>
        tpu.enqueue_dma source(%dma_start3A_310 : memref<4x20x64xf32, #tpu.memory_space<hbm>>) target(%arg13 : memref<4x20x64xf32, #tpu.memory_space<vmem>>) target_semaphore(%arg16 : memref<!tpu.dma_semaphore, #tpu.memory_space<semaphore_mem>>)
        %dma_start3A_311 = arith.constant 0 : i32
        %dma_start3A_312 = tpu.memref_slice %arg11[%sub3A_183, %dma_start3A_311] : memref<128x80xi32, #tpu.memory_space<vmem>> -> memref<1x80xi32, #tpu.memory_space<vmem>>
        %dma_start3A_313 = tpu.memref_squeeze %dma_start3A_312 : memref<1x80xi32, #tpu.memory_space<vmem>> -> memref<80xi32, #tpu.memory_space<vmem>>
        %dma_start3A_314 = arith.constant 0 : i32
        %dma_start3A_315 = arith.constant 0 : i32
        %dma_start3A_316 = tpu.memref_slice %arg6[%dma_start3A_314, %dma_start3A_315] : memref<1000000x128xf32, #tpu.memory_space<hbm>> -> memref<1000000x128xf32, #tpu.memory_space<hbm>>
        tpu.enqueue_indirect_dma source(%dma_start3A_316 : memref<1000000x128xf32, #tpu.memory_space<hbm>>) target(%arg14 : memref<80x128xf32, #tpu.memory_space<vmem>>) offsets(%dma_start3A_313 : memref<80xi32, #tpu.memory_space<vmem>>) semaphore(%arg16 : memref<!tpu.dma_semaphore, #tpu.memory_space<semaphore_mem>>)
        %dma_start3A_317 = arith.constant 0 : i32
        %dma_start3A_318 = tpu.memref_slice %arg12[%sub3A_183, %dma_start3A_317] : memref<128x80xi32, #tpu.memory_space<vmem>> -> memref<1x80xi32, #tpu.memory_space<vmem>>
        %dma_start3A_319 = tpu.memref_squeeze %dma_start3A_318 : memref<1x80xi32, #tpu.memory_space<vmem>> -> memref<80xi32, #tpu.memory_space<vmem>>
        %dma_start3A_320 = arith.constant 0 : i32
        %dma_start3A_321 = arith.constant 0 : i32
        %dma_start3A_322 = tpu.memref_slice %arg7[%dma_start3A_320, %dma_start3A_321] : memref<15360x64xf32, #tpu.memory_space<hbm>> -> memref<15360x64xf32, #tpu.memory_space<hbm>>
        tpu.enqueue_indirect_dma source(%dma_start3A_322 : memref<15360x64xf32, #tpu.memory_space<hbm>>) target(%arg15 : memref<80x64xf32, #tpu.memory_space<vmem>>) offsets(%dma_start3A_319 : memref<80xi32, #tpu.memory_space<vmem>>) semaphore(%arg16 : memref<!tpu.dma_semaphore, #tpu.memory_space<semaphore_mem>>)
      } else {
      }
      %mul3A_194 = arith.constant 4 : i32
      %mul3A_195 = arith.muli %mul3A_194, %scan3A_90 : i32
      %add3A_196 = arith.constant 2 : i32
      %add3A_197 = arith.addi %mul3A_195, %add3A_196 : i32
      %mul3A_198 = arith.constant 4 : i32
      %mul3A_199 = arith.muli %add3A_197, %mul3A_198 : i32
      %add3A_200 = arith.addi %mul3A_2, %mul3A_199 : i32
      %dma_wait3A_201 = arith.constant 0 : i32
      %dma_wait3A_202 = arith.constant 0 : i32
      %dma_wait3A_203 = tpu.memref_slice %arg2[%add3A_200, %dma_wait3A_201, %dma_wait3A_202] : memref<16384x20x64xf32, #tpu.memory_space<hbm>> -> memref<4x20x64xf32, #tpu.memory_space<hbm>>
      %dma_wait3A_204 = arith.constant 0 : i32
      %dma_wait3A_205 = arith.constant 0 : i32
      %dma_wait3A_206 = tpu.memref_slice %arg2[%add3A_200, %dma_wait3A_204, %dma_wait3A_205] : memref<16384x20x64xf32, #tpu.memory_space<hbm>> -> memref<4x20x64xf32, #tpu.memory_space<hbm>>
      tpu.wait_dma2 semaphore(%arg26 : memref<!tpu.dma_semaphore, #tpu.memory_space<semaphore_mem>>) src(%dma_wait3A_206 : memref<4x20x64xf32, #tpu.memory_space<hbm>>) dst(%arg23 : memref<4x20x64xf32, #tpu.memory_space<vmem>>)
      %dma_wait3A_207 = arith.constant 0 : i32
      %dma_wait3A_208 = tpu.memref_slice %arg11[%add3A_197, %dma_wait3A_207] : memref<128x80xi32, #tpu.memory_space<vmem>> -> memref<1x80xi32, #tpu.memory_space<vmem>>
      %dma_wait3A_209 = tpu.memref_squeeze %dma_wait3A_208 : memref<1x80xi32, #tpu.memory_space<vmem>> -> memref<80xi32, #tpu.memory_space<vmem>>
      %dma_wait3A_210 = arith.constant 0 : i32
      %dma_wait3A_211 = arith.constant 0 : i32
      %dma_wait3A_212 = tpu.memref_slice %arg6[%dma_wait3A_210, %dma_wait3A_211] : memref<1000000x128xf32, #tpu.memory_space<hbm>> -> memref<1000000x128xf32, #tpu.memory_space<hbm>>
      tpu.wait_indirect_dma semaphore(%arg26 : memref<!tpu.dma_semaphore, #tpu.memory_space<semaphore_mem>>) src(%dma_wait3A_212 : memref<1000000x128xf32, #tpu.memory_space<hbm>>) dst(%arg24 : memref<80x128xf32, #tpu.memory_space<vmem>>)
      %dma_wait3A_213 = arith.constant 0 : i32
      %dma_wait3A_214 = tpu.memref_slice %arg12[%add3A_197, %dma_wait3A_213] : memref<128x80xi32, #tpu.memory_space<vmem>> -> memref<1x80xi32, #tpu.memory_space<vmem>>
      %dma_wait3A_215 = tpu.memref_squeeze %dma_wait3A_214 : memref<1x80xi32, #tpu.memory_space<vmem>> -> memref<80xi32, #tpu.memory_space<vmem>>
      %dma_wait3A_216 = arith.constant 0 : i32
      %dma_wait3A_217 = arith.constant 0 : i32
      %dma_wait3A_218 = tpu.memref_slice %arg7[%dma_wait3A_216, %dma_wait3A_217] : memref<15360x64xf32, #tpu.memory_space<hbm>> -> memref<15360x64xf32, #tpu.memory_space<hbm>>
      tpu.wait_indirect_dma semaphore(%arg26 : memref<!tpu.dma_semaphore, #tpu.memory_space<semaphore_mem>>) src(%dma_wait3A_218 : memref<15360x64xf32, #tpu.memory_space<hbm>>) dst(%arg25 : memref<80x64xf32, #tpu.memory_space<vmem>>)
      %scan3A_219 = arith.constant 0 : i32
      %scan3A_220 = arith.constant 0 : i32
      %scan3A_221 = arith.constant 20 : i32
      %scan3A_222 = arith.addi %scan3A_220, %scan3A_221 : i32
      %scan3A_223 = arith.constant 1 : i32
      scf.for %scan3A_302 = %scan3A_220 to %scan3A_222 step %scan3A_223  : i32 {
        %add3A_303 = arith.constant 0 : i32
        %add3A_304 = arith.addi %add3A_303, %scan3A_302 : i32
        %get3A = arith.index_cast %add3A_304 : i32 to index
        %get3A_305 = arith.constant 0 : index
        %get3A_306 = tpu.vector_load %arg24[%get3A, %get3A_305] {strides = array<i32>} : memref<80x128xf32, #tpu.memory_space<vmem>>, vector<16xf32>,
        %swap3A = arith.constant 0 : i32
        %swap3A_307 = arith.index_cast %swap3A : i32 to index
        %swap3A_308 = arith.index_cast %scan3A_302 : i32 to index
        %swap3A_309 = arith.constant 0 : index
        %swap3A_310 = tpu.vector_load %arg23[%swap3A_307, %swap3A_308, %swap3A_309] {strides = array<i32>} : memref<4x20x64xf32, #tpu.memory_space<vmem>>, vector<16xf32>,
        tpu.vector_store %arg23[%swap3A_307, %swap3A_308, %swap3A_309], %get3A_306 {add = true, strides = array<i32>} : memref<4x20x64xf32, #tpu.memory_space<vmem>>, vector<16xf32>,
        %get3A_311 = arith.index_cast %add3A_304 : i32 to index
        %get3A_312 = arith.constant 0 : index
        %get3A_313 = tpu.vector_load %arg25[%get3A_311, %get3A_312] {strides = array<i32>} : memref<80x64xf32, #tpu.memory_space<vmem>>, vector<16xf32>,
        %swap3A_314 = arith.constant 0 : i32
        %swap3A_315 = arith.index_cast %swap3A_314 : i32 to index
        %swap3A_316 = arith.index_cast %scan3A_302 : i32 to index
        %swap3A_317 = arith.constant 0 : index
        %swap3A_318 = tpu.vector_load %arg23[%swap3A_315, %swap3A_316, %swap3A_317] {strides = array<i32>} : memref<4x20x64xf32, #tpu.memory_space<vmem>>, vector<16xf32>,
        tpu.vector_store %arg23[%swap3A_315, %swap3A_316, %swap3A_317], %get3A_313 {add = true, strides = array<i32>} : memref<4x20x64xf32, #tpu.memory_space<vmem>>, vector<16xf32>,
        %get3A_319 = arith.index_cast %add3A_304 : i32 to index
        %get3A_320 = arith.constant 16 : index
        %get3A_321 = tpu.vector_load %arg24[%get3A_319, %get3A_320] {strides = array<i32>} : memref<80x128xf32, #tpu.memory_space<vmem>>, vector<16xf32>,
        %swap3A_322 = arith.constant 0 : i32
        %swap3A_323 = arith.index_cast %swap3A_322 : i32 to index
        %swap3A_324 = arith.index_cast %scan3A_302 : i32 to index
        %swap3A_325 = arith.constant 16 : index
        %swap3A_326 = tpu.vector_load %arg23[%swap3A_323, %swap3A_324, %swap3A_325] {strides = array<i32>} : memref<4x20x64xf32, #tpu.memory_space<vmem>>, vector<16xf32>,
        tpu.vector_store %arg23[%swap3A_323, %swap3A_324, %swap3A_325], %get3A_321 {add = true, strides = array<i32>} : memref<4x20x64xf32, #tpu.memory_space<vmem>>, vector<16xf32>,
        %get3A_327 = arith.index_cast %add3A_304 : i32 to index
        %get3A_328 = arith.constant 16 : index
        %get3A_329 = tpu.vector_load %arg25[%get3A_327, %get3A_328] {strides = array<i32>} : memref<80x64xf32, #tpu.memory_space<vmem>>, vector<16xf32>,
        %swap3A_330 = arith.constant 0 : i32
        %swap3A_331 = arith.index_cast %swap3A_330 : i32 to index
        %swap3A_332 = arith.index_cast %scan3A_302 : i32 to index
        %swap3A_333 = arith.constant 16 : index
        %swap3A_334 = tpu.vector_load %arg23[%swap3A_331, %swap3A_332, %swap3A_333] {strides = array<i32>} : memref<4x20x64xf32, #tpu.memory_space<vmem>>, vector<16xf32>,
        tpu.vector_store %arg23[%swap3A_331, %swap3A_332, %swap3A_333], %get3A_329 {add = true, strides = array<i32>} : memref<4x20x64xf32, #tpu.memory_space<vmem>>, vector<16xf32>,
        %get3A_335 = arith.index_cast %add3A_304 : i32 to index
        %get3A_336 = arith.constant 32 : index
        %get3A_337 = tpu.vector_load %arg24[%get3A_335, %get3A_336] {strides = array<i32>} : memref<80x128xf32, #tpu.memory_space<vmem>>, vector<16xf32>,
        %swap3A_338 = arith.constant 0 : i32
        %swap3A_339 = arith.index_cast %swap3A_338 : i32 to index
        %swap3A_340 = arith.index_cast %scan3A_302 : i32 to index
        %swap3A_341 = arith.constant 32 : index
        %swap3A_342 = tpu.vector_load %arg23[%swap3A_339, %swap3A_340, %swap3A_341] {strides = array<i32>} : memref<4x20x64xf32, #tpu.memory_space<vmem>>, vector<16xf32>,
        tpu.vector_store %arg23[%swap3A_339, %swap3A_340, %swap3A_341], %get3A_337 {add = true, strides = array<i32>} : memref<4x20x64xf32, #tpu.memory_space<vmem>>, vector<16xf32>,
        %get3A_343 = arith.index_cast %add3A_304 : i32 to index
        %get3A_344 = arith.constant 32 : index
        %get3A_345 = tpu.vector_load %arg25[%get3A_343, %get3A_344] {strides = array<i32>} : memref<80x64xf32, #tpu.memory_space<vmem>>, vector<16xf32>,
        %swap3A_346 = arith.constant 0 : i32
        %swap3A_347 = arith.index_cast %swap3A_346 : i32 to index
        %swap3A_348 = arith.index_cast %scan3A_302 : i32 to index
        %swap3A_349 = arith.constant 32 : index
        %swap3A_350 = tpu.vector_load %arg23[%swap3A_347, %swap3A_348, %swap3A_349] {strides = array<i32>} : memref<4x20x64xf32, #tpu.memory_space<vmem>>, vector<16xf32>,
        tpu.vector_store %arg23[%swap3A_347, %swap3A_348, %swap3A_349], %get3A_345 {add = true, strides = array<i32>} : memref<4x20x64xf32, #tpu.memory_space<vmem>>, vector<16xf32>,
        %get3A_351 = arith.index_cast %add3A_304 : i32 to index
        %get3A_352 = arith.constant 48 : index
        %get3A_353 = tpu.vector_load %arg24[%get3A_351, %get3A_352] {strides = array<i32>} : memref<80x128xf32, #tpu.memory_space<vmem>>, vector<16xf32>,
        %swap3A_354 = arith.constant 0 : i32
        %swap3A_355 = arith.index_cast %swap3A_354 : i32 to index
        %swap3A_356 = arith.index_cast %scan3A_302 : i32 to index
        %swap3A_357 = arith.constant 48 : index
        %swap3A_358 = tpu.vector_load %arg23[%swap3A_355, %swap3A_356, %swap3A_357] {strides = array<i32>} : memref<4x20x64xf32, #tpu.memory_space<vmem>>, vector<16xf32>,
        tpu.vector_store %arg23[%swap3A_355, %swap3A_356, %swap3A_357], %get3A_353 {add = true, strides = array<i32>} : memref<4x20x64xf32, #tpu.memory_space<vmem>>, vector<16xf32>,
        %get3A_359 = arith.index_cast %add3A_304 : i32 to index
        %get3A_360 = arith.constant 48 : index
        %get3A_361 = tpu.vector_load %arg25[%get3A_359, %get3A_360] {strides = array<i32>} : memref<80x64xf32, #tpu.memory_space<vmem>>, vector<16xf32>,
        %swap3A_362 = arith.constant 0 : i32
        %swap3A_363 = arith.index_cast %swap3A_362 : i32 to index
        %swap3A_364 = arith.index_cast %scan3A_302 : i32 to index
        %swap3A_365 = arith.constant 48 : index
        %swap3A_366 = tpu.vector_load %arg23[%swap3A_363, %swap3A_364, %swap3A_365] {strides = array<i32>} : memref<4x20x64xf32, #tpu.memory_space<vmem>>, vector<16xf32>,
        tpu.vector_store %arg23[%swap3A_363, %swap3A_364, %swap3A_365], %get3A_361 {add = true, strides = array<i32>} : memref<4x20x64xf32, #tpu.memory_space<vmem>>, vector<16xf32>,
        %add3A_367 = arith.constant 20 : i32
        %add3A_368 = arith.addi %add3A_367, %scan3A_302 : i32
        %get3A_369 = arith.index_cast %add3A_368 : i32 to index
        %get3A_370 = arith.constant 0 : index
        %get3A_371 = tpu.vector_load %arg24[%get3A_369, %get3A_370] {strides = array<i32>} : memref<80x128xf32, #tpu.memory_space<vmem>>, vector<16xf32>,
        %swap3A_372 = arith.constant 1 : i32
        %swap3A_373 = arith.index_cast %swap3A_372 : i32 to index
        %swap3A_374 = arith.index_cast %scan3A_302 : i32 to index
        %swap3A_375 = arith.constant 0 : index
        %swap3A_376 = tpu.vector_load %arg23[%swap3A_373, %swap3A_374, %swap3A_375] {strides = array<i32>} : memref<4x20x64xf32, #tpu.memory_space<vmem>>, vector<16xf32>,
        tpu.vector_store %arg23[%swap3A_373, %swap3A_374, %swap3A_375], %get3A_371 {add = true, strides = array<i32>} : memref<4x20x64xf32, #tpu.memory_space<vmem>>, vector<16xf32>,
        %get3A_377 = arith.index_cast %add3A_368 : i32 to index
        %get3A_378 = arith.constant 0 : index
        %get3A_379 = tpu.vector_load %arg25[%get3A_377, %get3A_378] {strides = array<i32>} : memref<80x64xf32, #tpu.memory_space<vmem>>, vector<16xf32>,
        %swap3A_380 = arith.constant 1 : i32
        %swap3A_381 = arith.index_cast %swap3A_380 : i32 to index
        %swap3A_382 = arith.index_cast %scan3A_302 : i32 to index
        %swap3A_383 = arith.constant 0 : index
        %swap3A_384 = tpu.vector_load %arg23[%swap3A_381, %swap3A_382, %swap3A_383] {strides = array<i32>} : memref<4x20x64xf32, #tpu.memory_space<vmem>>, vector<16xf32>,
        tpu.vector_store %arg23[%swap3A_381, %swap3A_382, %swap3A_383], %get3A_379 {add = true, strides = array<i32>} : memref<4x20x64xf32, #tpu.memory_space<vmem>>, vector<16xf32>,
        %get3A_385 = arith.index_cast %add3A_368 : i32 to index
        %get3A_386 = arith.constant 16 : index
        %get3A_387 = tpu.vector_load %arg24[%get3A_385, %get3A_386] {strides = array<i32>} : memref<80x128xf32, #tpu.memory_space<vmem>>, vector<16xf32>,
        %swap3A_388 = arith.constant 1 : i32
        %swap3A_389 = arith.index_cast %swap3A_388 : i32 to index
        %swap3A_390 = arith.index_cast %scan3A_302 : i32 to index
        %swap3A_391 = arith.constant 16 : index
        %swap3A_392 = tpu.vector_load %arg23[%swap3A_389, %swap3A_390, %swap3A_391] {strides = array<i32>} : memref<4x20x64xf32, #tpu.memory_space<vmem>>, vector<16xf32>,
        tpu.vector_store %arg23[%swap3A_389, %swap3A_390, %swap3A_391], %get3A_387 {add = true, strides = array<i32>} : memref<4x20x64xf32, #tpu.memory_space<vmem>>, vector<16xf32>,
        %get3A_393 = arith.index_cast %add3A_368 : i32 to index
        %get3A_394 = arith.constant 16 : index
        %get3A_395 = tpu.vector_load %arg25[%get3A_393, %get3A_394] {strides = array<i32>} : memref<80x64xf32, #tpu.memory_space<vmem>>, vector<16xf32>,
        %swap3A_396 = arith.constant 1 : i32
        %swap3A_397 = arith.index_cast %swap3A_396 : i32 to index
        %swap3A_398 = arith.index_cast %scan3A_302 : i32 to index
        %swap3A_399 = arith.constant 16 : index
        %swap3A_400 = tpu.vector_load %arg23[%swap3A_397, %swap3A_398, %swap3A_399] {strides = array<i32>} : memref<4x20x64xf32, #tpu.memory_space<vmem>>, vector<16xf32>,
        tpu.vector_store %arg23[%swap3A_397, %swap3A_398, %swap3A_399], %get3A_395 {add = true, strides = array<i32>} : memref<4x20x64xf32, #tpu.memory_space<vmem>>, vector<16xf32>,
        %get3A_401 = arith.index_cast %add3A_368 : i32 to index
        %get3A_402 = arith.constant 32 : index
        %get3A_403 = tpu.vector_load %arg24[%get3A_401, %get3A_402] {strides = array<i32>} : memref<80x128xf32, #tpu.memory_space<vmem>>, vector<16xf32>,
        %swap3A_404 = arith.constant 1 : i32
        %swap3A_405 = arith.index_cast %swap3A_404 : i32 to index
        %swap3A_406 = arith.index_cast %scan3A_302 : i32 to index
        %swap3A_407 = arith.constant 32 : index
        %swap3A_408 = tpu.vector_load %arg23[%swap3A_405, %swap3A_406, %swap3A_407] {strides = array<i32>} : memref<4x20x64xf32, #tpu.memory_space<vmem>>, vector<16xf32>,
        tpu.vector_store %arg23[%swap3A_405, %swap3A_406, %swap3A_407], %get3A_403 {add = true, strides = array<i32>} : memref<4x20x64xf32, #tpu.memory_space<vmem>>, vector<16xf32>,
        %get3A_409 = arith.index_cast %add3A_368 : i32 to index
        %get3A_410 = arith.constant 32 : index
        %get3A_411 = tpu.vector_load %arg25[%get3A_409, %get3A_410] {strides = array<i32>} : memref<80x64xf32, #tpu.memory_space<vmem>>, vector<16xf32>,
        %swap3A_412 = arith.constant 1 : i32
        %swap3A_413 = arith.index_cast %swap3A_412 : i32 to index
        %swap3A_414 = arith.index_cast %scan3A_302 : i32 to index
        %swap3A_415 = arith.constant 32 : index
        %swap3A_416 = tpu.vector_load %arg23[%swap3A_413, %swap3A_414, %swap3A_415] {strides = array<i32>} : memref<4x20x64xf32, #tpu.memory_space<vmem>>, vector<16xf32>,
        tpu.vector_store %arg23[%swap3A_413, %swap3A_414, %swap3A_415], %get3A_411 {add = true, strides = array<i32>} : memref<4x20x64xf32, #tpu.memory_space<vmem>>, vector<16xf32>,
        %get3A_417 = arith.index_cast %add3A_368 : i32 to index
        %get3A_418 = arith.constant 48 : index
        %get3A_419 = tpu.vector_load %arg24[%get3A_417, %get3A_418] {strides = array<i32>} : memref<80x128xf32, #tpu.memory_space<vmem>>, vector<16xf32>,
        %swap3A_420 = arith.constant 1 : i32
        %swap3A_421 = arith.index_cast %swap3A_420 : i32 to index
        %swap3A_422 = arith.index_cast %scan3A_302 : i32 to index
        %swap3A_423 = arith.constant 48 : index
        %swap3A_424 = tpu.vector_load %arg23[%swap3A_421, %swap3A_422, %swap3A_423] {strides = array<i32>} : memref<4x20x64xf32, #tpu.memory_space<vmem>>, vector<16xf32>,
        tpu.vector_store %arg23[%swap3A_421, %swap3A_422, %swap3A_423], %get3A_419 {add = true, strides = array<i32>} : memref<4x20x64xf32, #tpu.memory_space<vmem>>, vector<16xf32>,
        %get3A_425 = arith.index_cast %add3A_368 : i32 to index
        %get3A_426 = arith.constant 48 : index
        %get3A_427 = tpu.vector_load %arg25[%get3A_425, %get3A_426] {strides = array<i32>} : memref<80x64xf32, #tpu.memory_space<vmem>>, vector<16xf32>,
        %swap3A_428 = arith.constant 1 : i32
        %swap3A_429 = arith.index_cast %swap3A_428 : i32 to index
        %swap3A_430 = arith.index_cast %scan3A_302 : i32 to index
        %swap3A_431 = arith.constant 48 : index
        %swap3A_432 = tpu.vector_load %arg23[%swap3A_429, %swap3A_430, %swap3A_431] {strides = array<i32>} : memref<4x20x64xf32, #tpu.memory_space<vmem>>, vector<16xf32>,
        tpu.vector_store %arg23[%swap3A_429, %swap3A_430, %swap3A_431], %get3A_427 {add = true, strides = array<i32>} : memref<4x20x64xf32, #tpu.memory_space<vmem>>, vector<16xf32>,
        %add3A_433 = arith.constant 40 : i32
        %add3A_434 = arith.addi %add3A_433, %scan3A_302 : i32
        %get3A_435 = arith.index_cast %add3A_434 : i32 to index
        %get3A_436 = arith.constant 0 : index
        %get3A_437 = tpu.vector_load %arg24[%get3A_435, %get3A_436] {strides = array<i32>} : memref<80x128xf32, #tpu.memory_space<vmem>>, vector<16xf32>,
        %swap3A_438 = arith.constant 2 : i32
        %swap3A_439 = arith.index_cast %swap3A_438 : i32 to index
        %swap3A_440 = arith.index_cast %scan3A_302 : i32 to index
        %swap3A_441 = arith.constant 0 : index
        %swap3A_442 = tpu.vector_load %arg23[%swap3A_439, %swap3A_440, %swap3A_441] {strides = array<i32>} : memref<4x20x64xf32, #tpu.memory_space<vmem>>, vector<16xf32>,
        tpu.vector_store %arg23[%swap3A_439, %swap3A_440, %swap3A_441], %get3A_437 {add = true, strides = array<i32>} : memref<4x20x64xf32, #tpu.memory_space<vmem>>, vector<16xf32>,
        %get3A_443 = arith.index_cast %add3A_434 : i32 to index
        %get3A_444 = arith.constant 0 : index
        %get3A_445 = tpu.vector_load %arg25[%get3A_443, %get3A_444] {strides = array<i32>} : memref<80x64xf32, #tpu.memory_space<vmem>>, vector<16xf32>,
        %swap3A_446 = arith.constant 2 : i32
        %swap3A_447 = arith.index_cast %swap3A_446 : i32 to index
        %swap3A_448 = arith.index_cast %scan3A_302 : i32 to index
        %swap3A_449 = arith.constant 0 : index
        %swap3A_450 = tpu.vector_load %arg23[%swap3A_447, %swap3A_448, %swap3A_449] {strides = array<i32>} : memref<4x20x64xf32, #tpu.memory_space<vmem>>, vector<16xf32>,
        tpu.vector_store %arg23[%swap3A_447, %swap3A_448, %swap3A_449], %get3A_445 {add = true, strides = array<i32>} : memref<4x20x64xf32, #tpu.memory_space<vmem>>, vector<16xf32>,
        %get3A_451 = arith.index_cast %add3A_434 : i32 to index
        %get3A_452 = arith.constant 16 : index
        %get3A_453 = tpu.vector_load %arg24[%get3A_451, %get3A_452] {strides = array<i32>} : memref<80x128xf32, #tpu.memory_space<vmem>>, vector<16xf32>,
        %swap3A_454 = arith.constant 2 : i32
        %swap3A_455 = arith.index_cast %swap3A_454 : i32 to index
        %swap3A_456 = arith.index_cast %scan3A_302 : i32 to index
        %swap3A_457 = arith.constant 16 : index
        %swap3A_458 = tpu.vector_load %arg23[%swap3A_455, %swap3A_456, %swap3A_457] {strides = array<i32>} : memref<4x20x64xf32, #tpu.memory_space<vmem>>, vector<16xf32>,
        tpu.vector_store %arg23[%swap3A_455, %swap3A_456, %swap3A_457], %get3A_453 {add = true, strides = array<i32>} : memref<4x20x64xf32, #tpu.memory_space<vmem>>, vector<16xf32>,
        %get3A_459 = arith.index_cast %add3A_434 : i32 to index
        %get3A_460 = arith.constant 16 : index
        %get3A_461 = tpu.vector_load %arg25[%get3A_459, %get3A_460] {strides = array<i32>} : memref<80x64xf32, #tpu.memory_space<vmem>>, vector<16xf32>,
        %swap3A_462 = arith.constant 2 : i32
        %swap3A_463 = arith.index_cast %swap3A_462 : i32 to index
        %swap3A_464 = arith.index_cast %scan3A_302 : i32 to index
        %swap3A_465 = arith.constant 16 : index
        %swap3A_466 = tpu.vector_load %arg23[%swap3A_463, %swap3A_464, %swap3A_465] {strides = array<i32>} : memref<4x20x64xf32, #tpu.memory_space<vmem>>, vector<16xf32>,
        tpu.vector_store %arg23[%swap3A_463, %swap3A_464, %swap3A_465], %get3A_461 {add = true, strides = array<i32>} : memref<4x20x64xf32, #tpu.memory_space<vmem>>, vector<16xf32>,
        %get3A_467 = arith.index_cast %add3A_434 : i32 to index
        %get3A_468 = arith.constant 32 : index
        %get3A_469 = tpu.vector_load %arg24[%get3A_467, %get3A_468] {strides = array<i32>} : memref<80x128xf32, #tpu.memory_space<vmem>>, vector<16xf32>,
        %swap3A_470 = arith.constant 2 : i32
        %swap3A_471 = arith.index_cast %swap3A_470 : i32 to index
        %swap3A_472 = arith.index_cast %scan3A_302 : i32 to index
        %swap3A_473 = arith.constant 32 : index
        %swap3A_474 = tpu.vector_load %arg23[%swap3A_471, %swap3A_472, %swap3A_473] {strides = array<i32>} : memref<4x20x64xf32, #tpu.memory_space<vmem>>, vector<16xf32>,
        tpu.vector_store %arg23[%swap3A_471, %swap3A_472, %swap3A_473], %get3A_469 {add = true, strides = array<i32>} : memref<4x20x64xf32, #tpu.memory_space<vmem>>, vector<16xf32>,
        %get3A_475 = arith.index_cast %add3A_434 : i32 to index
        %get3A_476 = arith.constant 32 : index
        %get3A_477 = tpu.vector_load %arg25[%get3A_475, %get3A_476] {strides = array<i32>} : memref<80x64xf32, #tpu.memory_space<vmem>>, vector<16xf32>,
        %swap3A_478 = arith.constant 2 : i32
        %swap3A_479 = arith.index_cast %swap3A_478 : i32 to index
        %swap3A_480 = arith.index_cast %scan3A_302 : i32 to index
        %swap3A_481 = arith.constant 32 : index
        %swap3A_482 = tpu.vector_load %arg23[%swap3A_479, %swap3A_480, %swap3A_481] {strides = array<i32>} : memref<4x20x64xf32, #tpu.memory_space<vmem>>, vector<16xf32>,
        tpu.vector_store %arg23[%swap3A_479, %swap3A_480, %swap3A_481], %get3A_477 {add = true, strides = array<i32>} : memref<4x20x64xf32, #tpu.memory_space<vmem>>, vector<16xf32>,
        %get3A_483 = arith.index_cast %add3A_434 : i32 to index
        %get3A_484 = arith.constant 48 : index
        %get3A_485 = tpu.vector_load %arg24[%get3A_483, %get3A_484] {strides = array<i32>} : memref<80x128xf32, #tpu.memory_space<vmem>>, vector<16xf32>,
        %swap3A_486 = arith.constant 2 : i32
        %swap3A_487 = arith.index_cast %swap3A_486 : i32 to index
        %swap3A_488 = arith.index_cast %scan3A_302 : i32 to index
        %swap3A_489 = arith.constant 48 : index
        %swap3A_490 = tpu.vector_load %arg23[%swap3A_487, %swap3A_488, %swap3A_489] {strides = array<i32>} : memref<4x20x64xf32, #tpu.memory_space<vmem>>, vector<16xf32>,
        tpu.vector_store %arg23[%swap3A_487, %swap3A_488, %swap3A_489], %get3A_485 {add = true, strides = array<i32>} : memref<4x20x64xf32, #tpu.memory_space<vmem>>, vector<16xf32>,
        %get3A_491 = arith.index_cast %add3A_434 : i32 to index
        %get3A_492 = arith.constant 48 : index
        %get3A_493 = tpu.vector_load %arg25[%get3A_491, %get3A_492] {strides = array<i32>} : memref<80x64xf32, #tpu.memory_space<vmem>>, vector<16xf32>,
        %swap3A_494 = arith.constant 2 : i32
        %swap3A_495 = arith.index_cast %swap3A_494 : i32 to index
        %swap3A_496 = arith.index_cast %scan3A_302 : i32 to index
        %swap3A_497 = arith.constant 48 : index
        %swap3A_498 = tpu.vector_load %arg23[%swap3A_495, %swap3A_496, %swap3A_497] {strides = array<i32>} : memref<4x20x64xf32, #tpu.memory_space<vmem>>, vector<16xf32>,
        tpu.vector_store %arg23[%swap3A_495, %swap3A_496, %swap3A_497], %get3A_493 {add = true, strides = array<i32>} : memref<4x20x64xf32, #tpu.memory_space<vmem>>, vector<16xf32>,
        %add3A_499 = arith.constant 60 : i32
        %add3A_500 = arith.addi %add3A_499, %scan3A_302 : i32
        %get3A_501 = arith.index_cast %add3A_500 : i32 to index
        %get3A_502 = arith.constant 0 : index
        %get3A_503 = tpu.vector_load %arg24[%get3A_501, %get3A_502] {strides = array<i32>} : memref<80x128xf32, #tpu.memory_space<vmem>>, vector<16xf32>,
        %swap3A_504 = arith.constant 3 : i32
        %swap3A_505 = arith.index_cast %swap3A_504 : i32 to index
        %swap3A_506 = arith.index_cast %scan3A_302 : i32 to index
        %swap3A_507 = arith.constant 0 : index
        %swap3A_508 = tpu.vector_load %arg23[%swap3A_505, %swap3A_506, %swap3A_507] {strides = array<i32>} : memref<4x20x64xf32, #tpu.memory_space<vmem>>, vector<16xf32>,
        tpu.vector_store %arg23[%swap3A_505, %swap3A_506, %swap3A_507], %get3A_503 {add = true, strides = array<i32>} : memref<4x20x64xf32, #tpu.memory_space<vmem>>, vector<16xf32>,
        %get3A_509 = arith.index_cast %add3A_500 : i32 to index
        %get3A_510 = arith.constant 0 : index
        %get3A_511 = tpu.vector_load %arg25[%get3A_509, %get3A_510] {strides = array<i32>} : memref<80x64xf32, #tpu.memory_space<vmem>>, vector<16xf32>,
        %swap3A_512 = arith.constant 3 : i32
        %swap3A_513 = arith.index_cast %swap3A_512 : i32 to index
        %swap3A_514 = arith.index_cast %scan3A_302 : i32 to index
        %swap3A_515 = arith.constant 0 : index
        %swap3A_516 = tpu.vector_load %arg23[%swap3A_513, %swap3A_514, %swap3A_515] {strides = array<i32>} : memref<4x20x64xf32, #tpu.memory_space<vmem>>, vector<16xf32>,
        tpu.vector_store %arg23[%swap3A_513, %swap3A_514, %swap3A_515], %get3A_511 {add = true, strides = array<i32>} : memref<4x20x64xf32, #tpu.memory_space<vmem>>, vector<16xf32>,
        %get3A_517 = arith.index_cast %add3A_500 : i32 to index
        %get3A_518 = arith.constant 16 : index
        %get3A_519 = tpu.vector_load %arg24[%get3A_517, %get3A_518] {strides = array<i32>} : memref<80x128xf32, #tpu.memory_space<vmem>>, vector<16xf32>,
        %swap3A_520 = arith.constant 3 : i32
        %swap3A_521 = arith.index_cast %swap3A_520 : i32 to index
        %swap3A_522 = arith.index_cast %scan3A_302 : i32 to index
        %swap3A_523 = arith.constant 16 : index
        %swap3A_524 = tpu.vector_load %arg23[%swap3A_521, %swap3A_522, %swap3A_523] {strides = array<i32>} : memref<4x20x64xf32, #tpu.memory_space<vmem>>, vector<16xf32>,
        tpu.vector_store %arg23[%swap3A_521, %swap3A_522, %swap3A_523], %get3A_519 {add = true, strides = array<i32>} : memref<4x20x64xf32, #tpu.memory_space<vmem>>, vector<16xf32>,
        %get3A_525 = arith.index_cast %add3A_500 : i32 to index
        %get3A_526 = arith.constant 16 : index
        %get3A_527 = tpu.vector_load %arg25[%get3A_525, %get3A_526] {strides = array<i32>} : memref<80x64xf32, #tpu.memory_space<vmem>>, vector<16xf32>,
        %swap3A_528 = arith.constant 3 : i32
        %swap3A_529 = arith.index_cast %swap3A_528 : i32 to index
        %swap3A_530 = arith.index_cast %scan3A_302 : i32 to index
        %swap3A_531 = arith.constant 16 : index
        %swap3A_532 = tpu.vector_load %arg23[%swap3A_529, %swap3A_530, %swap3A_531] {strides = array<i32>} : memref<4x20x64xf32, #tpu.memory_space<vmem>>, vector<16xf32>,
        tpu.vector_store %arg23[%swap3A_529, %swap3A_530, %swap3A_531], %get3A_527 {add = true, strides = array<i32>} : memref<4x20x64xf32, #tpu.memory_space<vmem>>, vector<16xf32>,
        %get3A_533 = arith.index_cast %add3A_500 : i32 to index
        %get3A_534 = arith.constant 32 : index
        %get3A_535 = tpu.vector_load %arg24[%get3A_533, %get3A_534] {strides = array<i32>} : memref<80x128xf32, #tpu.memory_space<vmem>>, vector<16xf32>,
        %swap3A_536 = arith.constant 3 : i32
        %swap3A_537 = arith.index_cast %swap3A_536 : i32 to index
        %swap3A_538 = arith.index_cast %scan3A_302 : i32 to index
        %swap3A_539 = arith.constant 32 : index
        %swap3A_540 = tpu.vector_load %arg23[%swap3A_537, %swap3A_538, %swap3A_539] {strides = array<i32>} : memref<4x20x64xf32, #tpu.memory_space<vmem>>, vector<16xf32>,
        tpu.vector_store %arg23[%swap3A_537, %swap3A_538, %swap3A_539], %get3A_535 {add = true, strides = array<i32>} : memref<4x20x64xf32, #tpu.memory_space<vmem>>, vector<16xf32>,
        %get3A_541 = arith.index_cast %add3A_500 : i32 to index
        %get3A_542 = arith.constant 32 : index
        %get3A_543 = tpu.vector_load %arg25[%get3A_541, %get3A_542] {strides = array<i32>} : memref<80x64xf32, #tpu.memory_space<vmem>>, vector<16xf32>,
        %swap3A_544 = arith.constant 3 : i32
        %swap3A_545 = arith.index_cast %swap3A_544 : i32 to index
        %swap3A_546 = arith.index_cast %scan3A_302 : i32 to index
        %swap3A_547 = arith.constant 32 : index
        %swap3A_548 = tpu.vector_load %arg23[%swap3A_545, %swap3A_546, %swap3A_547] {strides = array<i32>} : memref<4x20x64xf32, #tpu.memory_space<vmem>>, vector<16xf32>,
        tpu.vector_store %arg23[%swap3A_545, %swap3A_546, %swap3A_547], %get3A_543 {add = true, strides = array<i32>} : memref<4x20x64xf32, #tpu.memory_space<vmem>>, vector<16xf32>,
        %get3A_549 = arith.index_cast %add3A_500 : i32 to index
        %get3A_550 = arith.constant 48 : index
        %get3A_551 = tpu.vector_load %arg24[%get3A_549, %get3A_550] {strides = array<i32>} : memref<80x128xf32, #tpu.memory_space<vmem>>, vector<16xf32>,
        %swap3A_552 = arith.constant 3 : i32
        %swap3A_553 = arith.index_cast %swap3A_552 : i32 to index
        %swap3A_554 = arith.index_cast %scan3A_302 : i32 to index
        %swap3A_555 = arith.constant 48 : index
        %swap3A_556 = tpu.vector_load %arg23[%swap3A_553, %swap3A_554, %swap3A_555] {strides = array<i32>} : memref<4x20x64xf32, #tpu.memory_space<vmem>>, vector<16xf32>,
        tpu.vector_store %arg23[%swap3A_553, %swap3A_554, %swap3A_555], %get3A_551 {add = true, strides = array<i32>} : memref<4x20x64xf32, #tpu.memory_space<vmem>>, vector<16xf32>,
        %get3A_557 = arith.index_cast %add3A_500 : i32 to index
        %get3A_558 = arith.constant 48 : index
        %get3A_559 = tpu.vector_load %arg25[%get3A_557, %get3A_558] {strides = array<i32>} : memref<80x64xf32, #tpu.memory_space<vmem>>, vector<16xf32>,
        %swap3A_560 = arith.constant 3 : i32
        %swap3A_561 = arith.index_cast %swap3A_560 : i32 to index
        %swap3A_562 = arith.index_cast %scan3A_302 : i32 to index
        %swap3A_563 = arith.constant 48 : index
        %swap3A_564 = tpu.vector_load %arg23[%swap3A_561, %swap3A_562, %swap3A_563] {strides = array<i32>} : memref<4x20x64xf32, #tpu.memory_space<vmem>>, vector<16xf32>,
        tpu.vector_store %arg23[%swap3A_561, %swap3A_562, %swap3A_563], %get3A_559 {add = true, strides = array<i32>} : memref<4x20x64xf32, #tpu.memory_space<vmem>>, vector<16xf32>,
      }
      %scan3A_224 = arith.constant 20 : i32
      %mul3A_225 = arith.constant 4 : i32
      %mul3A_226 = arith.muli %add3A_197, %mul3A_225 : i32
      %add3A_227 = arith.addi %mul3A_2, %mul3A_226 : i32
      %dma_start3A_228 = arith.constant 0 : i32
      %dma_start3A_229 = arith.constant 0 : i32
      %dma_start3A_230 = tpu.memref_slice %arg8[%add3A_227, %dma_start3A_228, %dma_start3A_229] : memref<16384x20x64xf32, #tpu.memory_space<hbm>> -> memref<4x20x64xf32, #tpu.memory_space<hbm>>
      %dma_start3A_231 = arith.constant 0 : i32
      %dma_start3A_232 = arith.constant 0 : i32
      %dma_start3A_233 = tpu.memref_slice %arg8[%add3A_227, %dma_start3A_231, %dma_start3A_232] : memref<16384x20x64xf32, #tpu.memory_space<hbm>> -> memref<4x20x64xf32, #tpu.memory_space<hbm>>
      tpu.enqueue_dma source(%arg23 : memref<4x20x64xf32, #tpu.memory_space<vmem>>) target(%dma_start3A_233 : memref<4x20x64xf32, #tpu.memory_space<hbm>>) target_semaphore(%arg27 : memref<!tpu.dma_semaphore, #tpu.memory_space<semaphore_mem>>)
      %add3A_234 = arith.constant 4 : i32
      %add3A_235 = arith.addi %add3A_197, %add3A_234 : i32
      %sub3A_236 = arith.constant 1 : i32
      %sub3A_237 = arith.subi %add3A_235, %sub3A_236 : i32
      %ge3A_238 = arith.constant 1 : i32
      %ge3A_239 = arith.cmpi sge, %add3A_197, %ge3A_238 : i32
      %convert_element_type3A_240 = arith.extui %ge3A_239 : i1 to i32
      %cond3A_241 = arith.constant 0 : i32
      %cond3A_242 = arith.cmpi ne, %convert_element_type3A_240, %cond3A_241 : i32
      scf.if %cond3A_242 {
        %dma_wait3A_302 = arith.constant 0 : i32
        %dma_wait3A_303 = arith.constant 0 : i32
        %dma_wait3A_304 = tpu.memref_slice %arg8[%mul3A_2, %dma_wait3A_302, %dma_wait3A_303] : memref<16384x20x64xf32, #tpu.memory_space<hbm>> -> memref<4x20x64xf32, #tpu.memory_space<hbm>>
        %dma_wait3A_305 = arith.constant 0 : i32
        %dma_wait3A_306 = arith.constant 0 : i32
        %dma_wait3A_307 = tpu.memref_slice %arg8[%mul3A_2, %dma_wait3A_305, %dma_wait3A_306] : memref<16384x20x64xf32, #tpu.memory_space<hbm>> -> memref<4x20x64xf32, #tpu.memory_space<hbm>>
        tpu.wait_dma2 semaphore(%arg22 : memref<!tpu.dma_semaphore, #tpu.memory_space<semaphore_mem>>) src(%arg18 : memref<4x20x64xf32, #tpu.memory_space<vmem>>) dst(%dma_wait3A_307 : memref<4x20x64xf32, #tpu.memory_space<hbm>>)
      } else {
      }
      %lt3A_243 = arith.constant 128 : i32
      %lt3A_244 = arith.cmpi slt, %sub3A_237, %lt3A_243 : i32
      %convert_element_type3A_245 = arith.extui %lt3A_244 : i1 to i32
      %cond3A_246 = arith.constant 0 : i32
      %cond3A_247 = arith.cmpi ne, %convert_element_type3A_245, %cond3A_246 : i32
      scf.if %cond3A_247 {
        %mul3A_302 = arith.constant 4 : i32
        %mul3A_303 = arith.muli %sub3A_237, %mul3A_302 : i32
        %add3A_304 = arith.addi %mul3A_2, %mul3A_303 : i32
        %dma_start3A_305 = arith.constant 0 : i32
        %dma_start3A_306 = arith.constant 0 : i32
        %dma_start3A_307 = tpu.memref_slice %arg2[%add3A_304, %dma_start3A_305, %dma_start3A_306] : memref<16384x20x64xf32, #tpu.memory_space<hbm>> -> memref<4x20x64xf32, #tpu.memory_space<hbm>>
        %dma_start3A_308 = arith.constant 0 : i32
        %dma_start3A_309 = arith.constant 0 : i32
        %dma_start3A_310 = tpu.memref_slice %arg2[%add3A_304, %dma_start3A_308, %dma_start3A_309] : memref<16384x20x64xf32, #tpu.memory_space<hbm>> -> memref<4x20x64xf32, #tpu.memory_space<hbm>>
        tpu.enqueue_dma source(%dma_start3A_310 : memref<4x20x64xf32, #tpu.memory_space<hbm>>) target(%arg18 : memref<4x20x64xf32, #tpu.memory_space<vmem>>) target_semaphore(%arg21 : memref<!tpu.dma_semaphore, #tpu.memory_space<semaphore_mem>>)
        %dma_start3A_311 = arith.constant 0 : i32
        %dma_start3A_312 = tpu.memref_slice %arg11[%sub3A_237, %dma_start3A_311] : memref<128x80xi32, #tpu.memory_space<vmem>> -> memref<1x80xi32, #tpu.memory_space<vmem>>
        %dma_start3A_313 = tpu.memref_squeeze %dma_start3A_312 : memref<1x80xi32, #tpu.memory_space<vmem>> -> memref<80xi32, #tpu.memory_space<vmem>>
        %dma_start3A_314 = arith.constant 0 : i32
        %dma_start3A_315 = arith.constant 0 : i32
        %dma_start3A_316 = tpu.memref_slice %arg6[%dma_start3A_314, %dma_start3A_315] : memref<1000000x128xf32, #tpu.memory_space<hbm>> -> memref<1000000x128xf32, #tpu.memory_space<hbm>>
        tpu.enqueue_indirect_dma source(%dma_start3A_316 : memref<1000000x128xf32, #tpu.memory_space<hbm>>) target(%arg19 : memref<80x128xf32, #tpu.memory_space<vmem>>) offsets(%dma_start3A_313 : memref<80xi32, #tpu.memory_space<vmem>>) semaphore(%arg21 : memref<!tpu.dma_semaphore, #tpu.memory_space<semaphore_mem>>)
        %dma_start3A_317 = arith.constant 0 : i32
        %dma_start3A_318 = tpu.memref_slice %arg12[%sub3A_237, %dma_start3A_317] : memref<128x80xi32, #tpu.memory_space<vmem>> -> memref<1x80xi32, #tpu.memory_space<vmem>>
        %dma_start3A_319 = tpu.memref_squeeze %dma_start3A_318 : memref<1x80xi32, #tpu.memory_space<vmem>> -> memref<80xi32, #tpu.memory_space<vmem>>
        %dma_start3A_320 = arith.constant 0 : i32
        %dma_start3A_321 = arith.constant 0 : i32
        %dma_start3A_322 = tpu.memref_slice %arg7[%dma_start3A_320, %dma_start3A_321] : memref<15360x64xf32, #tpu.memory_space<hbm>> -> memref<15360x64xf32, #tpu.memory_space<hbm>>
        tpu.enqueue_indirect_dma source(%dma_start3A_322 : memref<15360x64xf32, #tpu.memory_space<hbm>>) target(%arg20 : memref<80x64xf32, #tpu.memory_space<vmem>>) offsets(%dma_start3A_319 : memref<80xi32, #tpu.memory_space<vmem>>) semaphore(%arg21 : memref<!tpu.dma_semaphore, #tpu.memory_space<semaphore_mem>>)
      } else {
      }
      %mul3A_248 = arith.constant 4 : i32
      %mul3A_249 = arith.muli %mul3A_248, %scan3A_90 : i32
      %add3A_250 = arith.constant 3 : i32
      %add3A_251 = arith.addi %mul3A_249, %add3A_250 : i32
      %mul3A_252 = arith.constant 4 : i32
      %mul3A_253 = arith.muli %add3A_251, %mul3A_252 : i32
      %add3A_254 = arith.addi %mul3A_2, %mul3A_253 : i32
      %dma_wait3A_255 = arith.constant 0 : i32
      %dma_wait3A_256 = arith.constant 0 : i32
      %dma_wait3A_257 = tpu.memref_slice %arg2[%add3A_254, %dma_wait3A_255, %dma_wait3A_256] : memref<16384x20x64xf32, #tpu.memory_space<hbm>> -> memref<4x20x64xf32, #tpu.memory_space<hbm>>
      %dma_wait3A_258 = arith.constant 0 : i32
      %dma_wait3A_259 = arith.constant 0 : i32
      %dma_wait3A_260 = tpu.memref_slice %arg2[%add3A_254, %dma_wait3A_258, %dma_wait3A_259] : memref<16384x20x64xf32, #tpu.memory_space<hbm>> -> memref<4x20x64xf32, #tpu.memory_space<hbm>>
      tpu.wait_dma2 semaphore(%arg31 : memref<!tpu.dma_semaphore, #tpu.memory_space<semaphore_mem>>) src(%dma_wait3A_260 : memref<4x20x64xf32, #tpu.memory_space<hbm>>) dst(%arg28 : memref<4x20x64xf32, #tpu.memory_space<vmem>>)
      %dma_wait3A_261 = arith.constant 0 : i32
      %dma_wait3A_262 = tpu.memref_slice %arg11[%add3A_251, %dma_wait3A_261] : memref<128x80xi32, #tpu.memory_space<vmem>> -> memref<1x80xi32, #tpu.memory_space<vmem>>
      %dma_wait3A_263 = tpu.memref_squeeze %dma_wait3A_262 : memref<1x80xi32, #tpu.memory_space<vmem>> -> memref<80xi32, #tpu.memory_space<vmem>>
      %dma_wait3A_264 = arith.constant 0 : i32
      %dma_wait3A_265 = arith.constant 0 : i32
      %dma_wait3A_266 = tpu.memref_slice %arg6[%dma_wait3A_264, %dma_wait3A_265] : memref<1000000x128xf32, #tpu.memory_space<hbm>> -> memref<1000000x128xf32, #tpu.memory_space<hbm>>
      tpu.wait_indirect_dma semaphore(%arg31 : memref<!tpu.dma_semaphore, #tpu.memory_space<semaphore_mem>>) src(%dma_wait3A_266 : memref<1000000x128xf32, #tpu.memory_space<hbm>>) dst(%arg29 : memref<80x128xf32, #tpu.memory_space<vmem>>)
      %dma_wait3A_267 = arith.constant 0 : i32
      %dma_wait3A_268 = tpu.memref_slice %arg12[%add3A_251, %dma_wait3A_267] : memref<128x80xi32, #tpu.memory_space<vmem>> -> memref<1x80xi32, #tpu.memory_space<vmem>>
      %dma_wait3A_269 = tpu.memref_squeeze %dma_wait3A_268 : memref<1x80xi32, #tpu.memory_space<vmem>> -> memref<80xi32, #tpu.memory_space<vmem>>
      %dma_wait3A_270 = arith.constant 0 : i32
      %dma_wait3A_271 = arith.constant 0 : i32
      %dma_wait3A_272 = tpu.memref_slice %arg7[%dma_wait3A_270, %dma_wait3A_271] : memref<15360x64xf32, #tpu.memory_space<hbm>> -> memref<15360x64xf32, #tpu.memory_space<hbm>>
      tpu.wait_indirect_dma semaphore(%arg31 : memref<!tpu.dma_semaphore, #tpu.memory_space<semaphore_mem>>) src(%dma_wait3A_272 : memref<15360x64xf32, #tpu.memory_space<hbm>>) dst(%arg30 : memref<80x64xf32, #tpu.memory_space<vmem>>)
      %scan3A_273 = arith.constant 0 : i32
      %scan3A_274 = arith.constant 0 : i32
      %scan3A_275 = arith.constant 20 : i32
      %scan3A_276 = arith.addi %scan3A_274, %scan3A_275 : i32
      %scan3A_277 = arith.constant 1 : i32
      scf.for %scan3A_302 = %scan3A_274 to %scan3A_276 step %scan3A_277  : i32 {
        %add3A_303 = arith.constant 0 : i32
        %add3A_304 = arith.addi %add3A_303, %scan3A_302 : i32
        %get3A = arith.index_cast %add3A_304 : i32 to index
        %get3A_305 = arith.constant 0 : index
        %get3A_306 = tpu.vector_load %arg29[%get3A, %get3A_305] {strides = array<i32>} : memref<80x128xf32, #tpu.memory_space<vmem>>, vector<16xf32>,
        %swap3A = arith.constant 0 : i32
        %swap3A_307 = arith.index_cast %swap3A : i32 to index
        %swap3A_308 = arith.index_cast %scan3A_302 : i32 to index
        %swap3A_309 = arith.constant 0 : index
        %swap3A_310 = tpu.vector_load %arg28[%swap3A_307, %swap3A_308, %swap3A_309] {strides = array<i32>} : memref<4x20x64xf32, #tpu.memory_space<vmem>>, vector<16xf32>,
        tpu.vector_store %arg28[%swap3A_307, %swap3A_308, %swap3A_309], %get3A_306 {add = true, strides = array<i32>} : memref<4x20x64xf32, #tpu.memory_space<vmem>>, vector<16xf32>,
        %get3A_311 = arith.index_cast %add3A_304 : i32 to index
        %get3A_312 = arith.constant 0 : index
        %get3A_313 = tpu.vector_load %arg30[%get3A_311, %get3A_312] {strides = array<i32>} : memref<80x64xf32, #tpu.memory_space<vmem>>, vector<16xf32>,
        %swap3A_314 = arith.constant 0 : i32
        %swap3A_315 = arith.index_cast %swap3A_314 : i32 to index
        %swap3A_316 = arith.index_cast %scan3A_302 : i32 to index
        %swap3A_317 = arith.constant 0 : index
        %swap3A_318 = tpu.vector_load %arg28[%swap3A_315, %swap3A_316, %swap3A_317] {strides = array<i32>} : memref<4x20x64xf32, #tpu.memory_space<vmem>>, vector<16xf32>,
        tpu.vector_store %arg28[%swap3A_315, %swap3A_316, %swap3A_317], %get3A_313 {add = true, strides = array<i32>} : memref<4x20x64xf32, #tpu.memory_space<vmem>>, vector<16xf32>,
        %get3A_319 = arith.index_cast %add3A_304 : i32 to index
        %get3A_320 = arith.constant 16 : index
        %get3A_321 = tpu.vector_load %arg29[%get3A_319, %get3A_320] {strides = array<i32>} : memref<80x128xf32, #tpu.memory_space<vmem>>, vector<16xf32>,
        %swap3A_322 = arith.constant 0 : i32
        %swap3A_323 = arith.index_cast %swap3A_322 : i32 to index
        %swap3A_324 = arith.index_cast %scan3A_302 : i32 to index
        %swap3A_325 = arith.constant 16 : index
        %swap3A_326 = tpu.vector_load %arg28[%swap3A_323, %swap3A_324, %swap3A_325] {strides = array<i32>} : memref<4x20x64xf32, #tpu.memory_space<vmem>>, vector<16xf32>,
        tpu.vector_store %arg28[%swap3A_323, %swap3A_324, %swap3A_325], %get3A_321 {add = true, strides = array<i32>} : memref<4x20x64xf32, #tpu.memory_space<vmem>>, vector<16xf32>,
        %get3A_327 = arith.index_cast %add3A_304 : i32 to index
        %get3A_328 = arith.constant 16 : index
        %get3A_329 = tpu.vector_load %arg30[%get3A_327, %get3A_328] {strides = array<i32>} : memref<80x64xf32, #tpu.memory_space<vmem>>, vector<16xf32>,
        %swap3A_330 = arith.constant 0 : i32
        %swap3A_331 = arith.index_cast %swap3A_330 : i32 to index
        %swap3A_332 = arith.index_cast %scan3A_302 : i32 to index
        %swap3A_333 = arith.constant 16 : index
        %swap3A_334 = tpu.vector_load %arg28[%swap3A_331, %swap3A_332, %swap3A_333] {strides = array<i32>} : memref<4x20x64xf32, #tpu.memory_space<vmem>>, vector<16xf32>,
        tpu.vector_store %arg28[%swap3A_331, %swap3A_332, %swap3A_333], %get3A_329 {add = true, strides = array<i32>} : memref<4x20x64xf32, #tpu.memory_space<vmem>>, vector<16xf32>,
        %get3A_335 = arith.index_cast %add3A_304 : i32 to index
        %get3A_336 = arith.constant 32 : index
        %get3A_337 = tpu.vector_load %arg29[%get3A_335, %get3A_336] {strides = array<i32>} : memref<80x128xf32, #tpu.memory_space<vmem>>, vector<16xf32>,
        %swap3A_338 = arith.constant 0 : i32
        %swap3A_339 = arith.index_cast %swap3A_338 : i32 to index
        %swap3A_340 = arith.index_cast %scan3A_302 : i32 to index
        %swap3A_341 = arith.constant 32 : index
        %swap3A_342 = tpu.vector_load %arg28[%swap3A_339, %swap3A_340, %swap3A_341] {strides = array<i32>} : memref<4x20x64xf32, #tpu.memory_space<vmem>>, vector<16xf32>,
        tpu.vector_store %arg28[%swap3A_339, %swap3A_340, %swap3A_341], %get3A_337 {add = true, strides = array<i32>} : memref<4x20x64xf32, #tpu.memory_space<vmem>>, vector<16xf32>,
        %get3A_343 = arith.index_cast %add3A_304 : i32 to index
        %get3A_344 = arith.constant 32 : index
        %get3A_345 = tpu.vector_load %arg30[%get3A_343, %get3A_344] {strides = array<i32>} : memref<80x64xf32, #tpu.memory_space<vmem>>, vector<16xf32>,
        %swap3A_346 = arith.constant 0 : i32
        %swap3A_347 = arith.index_cast %swap3A_346 : i32 to index
        %swap3A_348 = arith.index_cast %scan3A_302 : i32 to index
        %swap3A_349 = arith.constant 32 : index
        %swap3A_350 = tpu.vector_load %arg28[%swap3A_347, %swap3A_348, %swap3A_349] {strides = array<i32>} : memref<4x20x64xf32, #tpu.memory_space<vmem>>, vector<16xf32>,
        tpu.vector_store %arg28[%swap3A_347, %swap3A_348, %swap3A_349], %get3A_345 {add = true, strides = array<i32>} : memref<4x20x64xf32, #tpu.memory_space<vmem>>, vector<16xf32>,
        %get3A_351 = arith.index_cast %add3A_304 : i32 to index
        %get3A_352 = arith.constant 48 : index
        %get3A_353 = tpu.vector_load %arg29[%get3A_351, %get3A_352] {strides = array<i32>} : memref<80x128xf32, #tpu.memory_space<vmem>>, vector<16xf32>,
        %swap3A_354 = arith.constant 0 : i32
        %swap3A_355 = arith.index_cast %swap3A_354 : i32 to index
        %swap3A_356 = arith.index_cast %scan3A_302 : i32 to index
        %swap3A_357 = arith.constant 48 : index
        %swap3A_358 = tpu.vector_load %arg28[%swap3A_355, %swap3A_356, %swap3A_357] {strides = array<i32>} : memref<4x20x64xf32, #tpu.memory_space<vmem>>, vector<16xf32>,
        tpu.vector_store %arg28[%swap3A_355, %swap3A_356, %swap3A_357], %get3A_353 {add = true, strides = array<i32>} : memref<4x20x64xf32, #tpu.memory_space<vmem>>, vector<16xf32>,
        %get3A_359 = arith.index_cast %add3A_304 : i32 to index
        %get3A_360 = arith.constant 48 : index
        %get3A_361 = tpu.vector_load %arg30[%get3A_359, %get3A_360] {strides = array<i32>} : memref<80x64xf32, #tpu.memory_space<vmem>>, vector<16xf32>,
        %swap3A_362 = arith.constant 0 : i32
        %swap3A_363 = arith.index_cast %swap3A_362 : i32 to index
        %swap3A_364 = arith.index_cast %scan3A_302 : i32 to index
        %swap3A_365 = arith.constant 48 : index
        %swap3A_366 = tpu.vector_load %arg28[%swap3A_363, %swap3A_364, %swap3A_365] {strides = array<i32>} : memref<4x20x64xf32, #tpu.memory_space<vmem>>, vector<16xf32>,
        tpu.vector_store %arg28[%swap3A_363, %swap3A_364, %swap3A_365], %get3A_361 {add = true, strides = array<i32>} : memref<4x20x64xf32, #tpu.memory_space<vmem>>, vector<16xf32>,
        %add3A_367 = arith.constant 20 : i32
        %add3A_368 = arith.addi %add3A_367, %scan3A_302 : i32
        %get3A_369 = arith.index_cast %add3A_368 : i32 to index
        %get3A_370 = arith.constant 0 : index
        %get3A_371 = tpu.vector_load %arg29[%get3A_369, %get3A_370] {strides = array<i32>} : memref<80x128xf32, #tpu.memory_space<vmem>>, vector<16xf32>,
        %swap3A_372 = arith.constant 1 : i32
        %swap3A_373 = arith.index_cast %swap3A_372 : i32 to index
        %swap3A_374 = arith.index_cast %scan3A_302 : i32 to index
        %swap3A_375 = arith.constant 0 : index
        %swap3A_376 = tpu.vector_load %arg28[%swap3A_373, %swap3A_374, %swap3A_375] {strides = array<i32>} : memref<4x20x64xf32, #tpu.memory_space<vmem>>, vector<16xf32>,
        tpu.vector_store %arg28[%swap3A_373, %swap3A_374, %swap3A_375], %get3A_371 {add = true, strides = array<i32>} : memref<4x20x64xf32, #tpu.memory_space<vmem>>, vector<16xf32>,
        %get3A_377 = arith.index_cast %add3A_368 : i32 to index
        %get3A_378 = arith.constant 0 : index
        %get3A_379 = tpu.vector_load %arg30[%get3A_377, %get3A_378] {strides = array<i32>} : memref<80x64xf32, #tpu.memory_space<vmem>>, vector<16xf32>,
        %swap3A_380 = arith.constant 1 : i32
        %swap3A_381 = arith.index_cast %swap3A_380 : i32 to index
        %swap3A_382 = arith.index_cast %scan3A_302 : i32 to index
        %swap3A_383 = arith.constant 0 : index
        %swap3A_384 = tpu.vector_load %arg28[%swap3A_381, %swap3A_382, %swap3A_383] {strides = array<i32>} : memref<4x20x64xf32, #tpu.memory_space<vmem>>, vector<16xf32>,
        tpu.vector_store %arg28[%swap3A_381, %swap3A_382, %swap3A_383], %get3A_379 {add = true, strides = array<i32>} : memref<4x20x64xf32, #tpu.memory_space<vmem>>, vector<16xf32>,
        %get3A_385 = arith.index_cast %add3A_368 : i32 to index
        %get3A_386 = arith.constant 16 : index
        %get3A_387 = tpu.vector_load %arg29[%get3A_385, %get3A_386] {strides = array<i32>} : memref<80x128xf32, #tpu.memory_space<vmem>>, vector<16xf32>,
        %swap3A_388 = arith.constant 1 : i32
        %swap3A_389 = arith.index_cast %swap3A_388 : i32 to index
        %swap3A_390 = arith.index_cast %scan3A_302 : i32 to index
        %swap3A_391 = arith.constant 16 : index
        %swap3A_392 = tpu.vector_load %arg28[%swap3A_389, %swap3A_390, %swap3A_391] {strides = array<i32>} : memref<4x20x64xf32, #tpu.memory_space<vmem>>, vector<16xf32>,
        tpu.vector_store %arg28[%swap3A_389, %swap3A_390, %swap3A_391], %get3A_387 {add = true, strides = array<i32>} : memref<4x20x64xf32, #tpu.memory_space<vmem>>, vector<16xf32>,
        %get3A_393 = arith.index_cast %add3A_368 : i32 to index
        %get3A_394 = arith.constant 16 : index
        %get3A_395 = tpu.vector_load %arg30[%get3A_393, %get3A_394] {strides = array<i32>} : memref<80x64xf32, #tpu.memory_space<vmem>>, vector<16xf32>,
        %swap3A_396 = arith.constant 1 : i32
        %swap3A_397 = arith.index_cast %swap3A_396 : i32 to index
        %swap3A_398 = arith.index_cast %scan3A_302 : i32 to index
        %swap3A_399 = arith.constant 16 : index
        %swap3A_400 = tpu.vector_load %arg28[%swap3A_397, %swap3A_398, %swap3A_399] {strides = array<i32>} : memref<4x20x64xf32, #tpu.memory_space<vmem>>, vector<16xf32>,
        tpu.vector_store %arg28[%swap3A_397, %swap3A_398, %swap3A_399], %get3A_395 {add = true, strides = array<i32>} : memref<4x20x64xf32, #tpu.memory_space<vmem>>, vector<16xf32>,
        %get3A_401 = arith.index_cast %add3A_368 : i32 to index
        %get3A_402 = arith.constant 32 : index
        %get3A_403 = tpu.vector_load %arg29[%get3A_401, %get3A_402] {strides = array<i32>} : memref<80x128xf32, #tpu.memory_space<vmem>>, vector<16xf32>,
        %swap3A_404 = arith.constant 1 : i32
        %swap3A_405 = arith.index_cast %swap3A_404 : i32 to index
        %swap3A_406 = arith.index_cast %scan3A_302 : i32 to index
        %swap3A_407 = arith.constant 32 : index
        %swap3A_408 = tpu.vector_load %arg28[%swap3A_405, %swap3A_406, %swap3A_407] {strides = array<i32>} : memref<4x20x64xf32, #tpu.memory_space<vmem>>, vector<16xf32>,
        tpu.vector_store %arg28[%swap3A_405, %swap3A_406, %swap3A_407], %get3A_403 {add = true, strides = array<i32>} : memref<4x20x64xf32, #tpu.memory_space<vmem>>, vector<16xf32>,
        %get3A_409 = arith.index_cast %add3A_368 : i32 to index
        %get3A_410 = arith.constant 32 : index
        %get3A_411 = tpu.vector_load %arg30[%get3A_409, %get3A_410] {strides = array<i32>} : memref<80x64xf32, #tpu.memory_space<vmem>>, vector<16xf32>,
        %swap3A_412 = arith.constant 1 : i32
        %swap3A_413 = arith.index_cast %swap3A_412 : i32 to index
        %swap3A_414 = arith.index_cast %scan3A_302 : i32 to index
        %swap3A_415 = arith.constant 32 : index
        %swap3A_416 = tpu.vector_load %arg28[%swap3A_413, %swap3A_414, %swap3A_415] {strides = array<i32>} : memref<4x20x64xf32, #tpu.memory_space<vmem>>, vector<16xf32>,
        tpu.vector_store %arg28[%swap3A_413, %swap3A_414, %swap3A_415], %get3A_411 {add = true, strides = array<i32>} : memref<4x20x64xf32, #tpu.memory_space<vmem>>, vector<16xf32>,
        %get3A_417 = arith.index_cast %add3A_368 : i32 to index
        %get3A_418 = arith.constant 48 : index
        %get3A_419 = tpu.vector_load %arg29[%get3A_417, %get3A_418] {strides = array<i32>} : memref<80x128xf32, #tpu.memory_space<vmem>>, vector<16xf32>,
        %swap3A_420 = arith.constant 1 : i32
        %swap3A_421 = arith.index_cast %swap3A_420 : i32 to index
        %swap3A_422 = arith.index_cast %scan3A_302 : i32 to index
        %swap3A_423 = arith.constant 48 : index
        %swap3A_424 = tpu.vector_load %arg28[%swap3A_421, %swap3A_422, %swap3A_423] {strides = array<i32>} : memref<4x20x64xf32, #tpu.memory_space<vmem>>, vector<16xf32>,
        tpu.vector_store %arg28[%swap3A_421, %swap3A_422, %swap3A_423], %get3A_419 {add = true, strides = array<i32>} : memref<4x20x64xf32, #tpu.memory_space<vmem>>, vector<16xf32>,
        %get3A_425 = arith.index_cast %add3A_368 : i32 to index
        %get3A_426 = arith.constant 48 : index
        %get3A_427 = tpu.vector_load %arg30[%get3A_425, %get3A_426] {strides = array<i32>} : memref<80x64xf32, #tpu.memory_space<vmem>>, vector<16xf32>,
        %swap3A_428 = arith.constant 1 : i32
        %swap3A_429 = arith.index_cast %swap3A_428 : i32 to index
        %swap3A_430 = arith.index_cast %scan3A_302 : i32 to index
        %swap3A_431 = arith.constant 48 : index
        %swap3A_432 = tpu.vector_load %arg28[%swap3A_429, %swap3A_430, %swap3A_431] {strides = array<i32>} : memref<4x20x64xf32, #tpu.memory_space<vmem>>, vector<16xf32>,
        tpu.vector_store %arg28[%swap3A_429, %swap3A_430, %swap3A_431], %get3A_427 {add = true, strides = array<i32>} : memref<4x20x64xf32, #tpu.memory_space<vmem>>, vector<16xf32>,
        %add3A_433 = arith.constant 40 : i32
        %add3A_434 = arith.addi %add3A_433, %scan3A_302 : i32
        %get3A_435 = arith.index_cast %add3A_434 : i32 to index
        %get3A_436 = arith.constant 0 : index
        %get3A_437 = tpu.vector_load %arg29[%get3A_435, %get3A_436] {strides = array<i32>} : memref<80x128xf32, #tpu.memory_space<vmem>>, vector<16xf32>,
        %swap3A_438 = arith.constant 2 : i32
        %swap3A_439 = arith.index_cast %swap3A_438 : i32 to index
        %swap3A_440 = arith.index_cast %scan3A_302 : i32 to index
        %swap3A_441 = arith.constant 0 : index
        %swap3A_442 = tpu.vector_load %arg28[%swap3A_439, %swap3A_440, %swap3A_441] {strides = array<i32>} : memref<4x20x64xf32, #tpu.memory_space<vmem>>, vector<16xf32>,
        tpu.vector_store %arg28[%swap3A_439, %swap3A_440, %swap3A_441], %get3A_437 {add = true, strides = array<i32>} : memref<4x20x64xf32, #tpu.memory_space<vmem>>, vector<16xf32>,
        %get3A_443 = arith.index_cast %add3A_434 : i32 to index
        %get3A_444 = arith.constant 0 : index
        %get3A_445 = tpu.vector_load %arg30[%get3A_443, %get3A_444] {strides = array<i32>} : memref<80x64xf32, #tpu.memory_space<vmem>>, vector<16xf32>,
        %swap3A_446 = arith.constant 2 : i32
        %swap3A_447 = arith.index_cast %swap3A_446 : i32 to index
        %swap3A_448 = arith.index_cast %scan3A_302 : i32 to index
        %swap3A_449 = arith.constant 0 : index
        %swap3A_450 = tpu.vector_load %arg28[%swap3A_447, %swap3A_448, %swap3A_449] {strides = array<i32>} : memref<4x20x64xf32, #tpu.memory_space<vmem>>, vector<16xf32>,
        tpu.vector_store %arg28[%swap3A_447, %swap3A_448, %swap3A_449], %get3A_445 {add = true, strides = array<i32>} : memref<4x20x64xf32, #tpu.memory_space<vmem>>, vector<16xf32>,
        %get3A_451 = arith.index_cast %add3A_434 : i32 to index
        %get3A_452 = arith.constant 16 : index
        %get3A_453 = tpu.vector_load %arg29[%get3A_451, %get3A_452] {strides = array<i32>} : memref<80x128xf32, #tpu.memory_space<vmem>>, vector<16xf32>,
        %swap3A_454 = arith.constant 2 : i32
        %swap3A_455 = arith.index_cast %swap3A_454 : i32 to index
        %swap3A_456 = arith.index_cast %scan3A_302 : i32 to index
        %swap3A_457 = arith.constant 16 : index
        %swap3A_458 = tpu.vector_load %arg28[%swap3A_455, %swap3A_456, %swap3A_457] {strides = array<i32>} : memref<4x20x64xf32, #tpu.memory_space<vmem>>, vector<16xf32>,
        tpu.vector_store %arg28[%swap3A_455, %swap3A_456, %swap3A_457], %get3A_453 {add = true, strides = array<i32>} : memref<4x20x64xf32, #tpu.memory_space<vmem>>, vector<16xf32>,
        %get3A_459 = arith.index_cast %add3A_434 : i32 to index
        %get3A_460 = arith.constant 16 : index
        %get3A_461 = tpu.vector_load %arg30[%get3A_459, %get3A_460] {strides = array<i32>} : memref<80x64xf32, #tpu.memory_space<vmem>>, vector<16xf32>,
        %swap3A_462 = arith.constant 2 : i32
        %swap3A_463 = arith.index_cast %swap3A_462 : i32 to index
        %swap3A_464 = arith.index_cast %scan3A_302 : i32 to index
        %swap3A_465 = arith.constant 16 : index
        %swap3A_466 = tpu.vector_load %arg28[%swap3A_463, %swap3A_464, %swap3A_465] {strides = array<i32>} : memref<4x20x64xf32, #tpu.memory_space<vmem>>, vector<16xf32>,
        tpu.vector_store %arg28[%swap3A_463, %swap3A_464, %swap3A_465], %get3A_461 {add = true, strides = array<i32>} : memref<4x20x64xf32, #tpu.memory_space<vmem>>, vector<16xf32>,
        %get3A_467 = arith.index_cast %add3A_434 : i32 to index
        %get3A_468 = arith.constant 32 : index
        %get3A_469 = tpu.vector_load %arg29[%get3A_467, %get3A_468] {strides = array<i32>} : memref<80x128xf32, #tpu.memory_space<vmem>>, vector<16xf32>,
        %swap3A_470 = arith.constant 2 : i32
        %swap3A_471 = arith.index_cast %swap3A_470 : i32 to index
        %swap3A_472 = arith.index_cast %scan3A_302 : i32 to index
        %swap3A_473 = arith.constant 32 : index
        %swap3A_474 = tpu.vector_load %arg28[%swap3A_471, %swap3A_472, %swap3A_473] {strides = array<i32>} : memref<4x20x64xf32, #tpu.memory_space<vmem>>, vector<16xf32>,
        tpu.vector_store %arg28[%swap3A_471, %swap3A_472, %swap3A_473], %get3A_469 {add = true, strides = array<i32>} : memref<4x20x64xf32, #tpu.memory_space<vmem>>, vector<16xf32>,
        %get3A_475 = arith.index_cast %add3A_434 : i32 to index
        %get3A_476 = arith.constant 32 : index
        %get3A_477 = tpu.vector_load %arg30[%get3A_475, %get3A_476] {strides = array<i32>} : memref<80x64xf32, #tpu.memory_space<vmem>>, vector<16xf32>,
        %swap3A_478 = arith.constant 2 : i32
        %swap3A_479 = arith.index_cast %swap3A_478 : i32 to index
        %swap3A_480 = arith.index_cast %scan3A_302 : i32 to index
        %swap3A_481 = arith.constant 32 : index
        %swap3A_482 = tpu.vector_load %arg28[%swap3A_479, %swap3A_480, %swap3A_481] {strides = array<i32>} : memref<4x20x64xf32, #tpu.memory_space<vmem>>, vector<16xf32>,
        tpu.vector_store %arg28[%swap3A_479, %swap3A_480, %swap3A_481], %get3A_477 {add = true, strides = array<i32>} : memref<4x20x64xf32, #tpu.memory_space<vmem>>, vector<16xf32>,
        %get3A_483 = arith.index_cast %add3A_434 : i32 to index
        %get3A_484 = arith.constant 48 : index
        %get3A_485 = tpu.vector_load %arg29[%get3A_483, %get3A_484] {strides = array<i32>} : memref<80x128xf32, #tpu.memory_space<vmem>>, vector<16xf32>,
        %swap3A_486 = arith.constant 2 : i32
        %swap3A_487 = arith.index_cast %swap3A_486 : i32 to index
        %swap3A_488 = arith.index_cast %scan3A_302 : i32 to index
        %swap3A_489 = arith.constant 48 : index
        %swap3A_490 = tpu.vector_load %arg28[%swap3A_487, %swap3A_488, %swap3A_489] {strides = array<i32>} : memref<4x20x64xf32, #tpu.memory_space<vmem>>, vector<16xf32>,
        tpu.vector_store %arg28[%swap3A_487, %swap3A_488, %swap3A_489], %get3A_485 {add = true, strides = array<i32>} : memref<4x20x64xf32, #tpu.memory_space<vmem>>, vector<16xf32>,
        %get3A_491 = arith.index_cast %add3A_434 : i32 to index
        %get3A_492 = arith.constant 48 : index
        %get3A_493 = tpu.vector_load %arg30[%get3A_491, %get3A_492] {strides = array<i32>} : memref<80x64xf32, #tpu.memory_space<vmem>>, vector<16xf32>,
        %swap3A_494 = arith.constant 2 : i32
        %swap3A_495 = arith.index_cast %swap3A_494 : i32 to index
        %swap3A_496 = arith.index_cast %scan3A_302 : i32 to index
        %swap3A_497 = arith.constant 48 : index
        %swap3A_498 = tpu.vector_load %arg28[%swap3A_495, %swap3A_496, %swap3A_497] {strides = array<i32>} : memref<4x20x64xf32, #tpu.memory_space<vmem>>, vector<16xf32>,
        tpu.vector_store %arg28[%swap3A_495, %swap3A_496, %swap3A_497], %get3A_493 {add = true, strides = array<i32>} : memref<4x20x64xf32, #tpu.memory_space<vmem>>, vector<16xf32>,
        %add3A_499 = arith.constant 60 : i32
        %add3A_500 = arith.addi %add3A_499, %scan3A_302 : i32
        %get3A_501 = arith.index_cast %add3A_500 : i32 to index
        %get3A_502 = arith.constant 0 : index
        %get3A_503 = tpu.vector_load %arg29[%get3A_501, %get3A_502] {strides = array<i32>} : memref<80x128xf32, #tpu.memory_space<vmem>>, vector<16xf32>,
        %swap3A_504 = arith.constant 3 : i32
        %swap3A_505 = arith.index_cast %swap3A_504 : i32 to index
        %swap3A_506 = arith.index_cast %scan3A_302 : i32 to index
        %swap3A_507 = arith.constant 0 : index
        %swap3A_508 = tpu.vector_load %arg28[%swap3A_505, %swap3A_506, %swap3A_507] {strides = array<i32>} : memref<4x20x64xf32, #tpu.memory_space<vmem>>, vector<16xf32>,
        tpu.vector_store %arg28[%swap3A_505, %swap3A_506, %swap3A_507], %get3A_503 {add = true, strides = array<i32>} : memref<4x20x64xf32, #tpu.memory_space<vmem>>, vector<16xf32>,
        %get3A_509 = arith.index_cast %add3A_500 : i32 to index
        %get3A_510 = arith.constant 0 : index
        %get3A_511 = tpu.vector_load %arg30[%get3A_509, %get3A_510] {strides = array<i32>} : memref<80x64xf32, #tpu.memory_space<vmem>>, vector<16xf32>,
        %swap3A_512 = arith.constant 3 : i32
        %swap3A_513 = arith.index_cast %swap3A_512 : i32 to index
        %swap3A_514 = arith.index_cast %scan3A_302 : i32 to index
        %swap3A_515 = arith.constant 0 : index
        %swap3A_516 = tpu.vector_load %arg28[%swap3A_513, %swap3A_514, %swap3A_515] {strides = array<i32>} : memref<4x20x64xf32, #tpu.memory_space<vmem>>, vector<16xf32>,
        tpu.vector_store %arg28[%swap3A_513, %swap3A_514, %swap3A_515], %get3A_511 {add = true, strides = array<i32>} : memref<4x20x64xf32, #tpu.memory_space<vmem>>, vector<16xf32>,
        %get3A_517 = arith.index_cast %add3A_500 : i32 to index
        %get3A_518 = arith.constant 16 : index
        %get3A_519 = tpu.vector_load %arg29[%get3A_517, %get3A_518] {strides = array<i32>} : memref<80x128xf32, #tpu.memory_space<vmem>>, vector<16xf32>,
        %swap3A_520 = arith.constant 3 : i32
        %swap3A_521 = arith.index_cast %swap3A_520 : i32 to index
        %swap3A_522 = arith.index_cast %scan3A_302 : i32 to index
        %swap3A_523 = arith.constant 16 : index
        %swap3A_524 = tpu.vector_load %arg28[%swap3A_521, %swap3A_522, %swap3A_523] {strides = array<i32>} : memref<4x20x64xf32, #tpu.memory_space<vmem>>, vector<16xf32>,
        tpu.vector_store %arg28[%swap3A_521, %swap3A_522, %swap3A_523], %get3A_519 {add = true, strides = array<i32>} : memref<4x20x64xf32, #tpu.memory_space<vmem>>, vector<16xf32>,
        %get3A_525 = arith.index_cast %add3A_500 : i32 to index
        %get3A_526 = arith.constant 16 : index
        %get3A_527 = tpu.vector_load %arg30[%get3A_525, %get3A_526] {strides = array<i32>} : memref<80x64xf32, #tpu.memory_space<vmem>>, vector<16xf32>,
        %swap3A_528 = arith.constant 3 : i32
        %swap3A_529 = arith.index_cast %swap3A_528 : i32 to index
        %swap3A_530 = arith.index_cast %scan3A_302 : i32 to index
        %swap3A_531 = arith.constant 16 : index
        %swap3A_532 = tpu.vector_load %arg28[%swap3A_529, %swap3A_530, %swap3A_531] {strides = array<i32>} : memref<4x20x64xf32, #tpu.memory_space<vmem>>, vector<16xf32>,
        tpu.vector_store %arg28[%swap3A_529, %swap3A_530, %swap3A_531], %get3A_527 {add = true, strides = array<i32>} : memref<4x20x64xf32, #tpu.memory_space<vmem>>, vector<16xf32>,
        %get3A_533 = arith.index_cast %add3A_500 : i32 to index
        %get3A_534 = arith.constant 32 : index
        %get3A_535 = tpu.vector_load %arg29[%get3A_533, %get3A_534] {strides = array<i32>} : memref<80x128xf32, #tpu.memory_space<vmem>>, vector<16xf32>,
        %swap3A_536 = arith.constant 3 : i32
        %swap3A_537 = arith.index_cast %swap3A_536 : i32 to index
        %swap3A_538 = arith.index_cast %scan3A_302 : i32 to index
        %swap3A_539 = arith.constant 32 : index
        %swap3A_540 = tpu.vector_load %arg28[%swap3A_537, %swap3A_538, %swap3A_539] {strides = array<i32>} : memref<4x20x64xf32, #tpu.memory_space<vmem>>, vector<16xf32>,
        tpu.vector_store %arg28[%swap3A_537, %swap3A_538, %swap3A_539], %get3A_535 {add = true, strides = array<i32>} : memref<4x20x64xf32, #tpu.memory_space<vmem>>, vector<16xf32>,
        %get3A_541 = arith.index_cast %add3A_500 : i32 to index
        %get3A_542 = arith.constant 32 : index
        %get3A_543 = tpu.vector_load %arg30[%get3A_541, %get3A_542] {strides = array<i32>} : memref<80x64xf32, #tpu.memory_space<vmem>>, vector<16xf32>,
        %swap3A_544 = arith.constant 3 : i32
        %swap3A_545 = arith.index_cast %swap3A_544 : i32 to index
        %swap3A_546 = arith.index_cast %scan3A_302 : i32 to index
        %swap3A_547 = arith.constant 32 : index
        %swap3A_548 = tpu.vector_load %arg28[%swap3A_545, %swap3A_546, %swap3A_547] {strides = array<i32>} : memref<4x20x64xf32, #tpu.memory_space<vmem>>, vector<16xf32>,
        tpu.vector_store %arg28[%swap3A_545, %swap3A_546, %swap3A_547], %get3A_543 {add = true, strides = array<i32>} : memref<4x20x64xf32, #tpu.memory_space<vmem>>, vector<16xf32>,
        %get3A_549 = arith.index_cast %add3A_500 : i32 to index
        %get3A_550 = arith.constant 48 : index
        %get3A_551 = tpu.vector_load %arg29[%get3A_549, %get3A_550] {strides = array<i32>} : memref<80x128xf32, #tpu.memory_space<vmem>>, vector<16xf32>,
        %swap3A_552 = arith.constant 3 : i32
        %swap3A_553 = arith.index_cast %swap3A_552 : i32 to index
        %swap3A_554 = arith.index_cast %scan3A_302 : i32 to index
        %swap3A_555 = arith.constant 48 : index
        %swap3A_556 = tpu.vector_load %arg28[%swap3A_553, %swap3A_554, %swap3A_555] {strides = array<i32>} : memref<4x20x64xf32, #tpu.memory_space<vmem>>, vector<16xf32>,
        tpu.vector_store %arg28[%swap3A_553, %swap3A_554, %swap3A_555], %get3A_551 {add = true, strides = array<i32>} : memref<4x20x64xf32, #tpu.memory_space<vmem>>, vector<16xf32>,
        %get3A_557 = arith.index_cast %add3A_500 : i32 to index
        %get3A_558 = arith.constant 48 : index
        %get3A_559 = tpu.vector_load %arg30[%get3A_557, %get3A_558] {strides = array<i32>} : memref<80x64xf32, #tpu.memory_space<vmem>>, vector<16xf32>,
        %swap3A_560 = arith.constant 3 : i32
        %swap3A_561 = arith.index_cast %swap3A_560 : i32 to index
        %swap3A_562 = arith.index_cast %scan3A_302 : i32 to index
        %swap3A_563 = arith.constant 48 : index
        %swap3A_564 = tpu.vector_load %arg28[%swap3A_561, %swap3A_562, %swap3A_563] {strides = array<i32>} : memref<4x20x64xf32, #tpu.memory_space<vmem>>, vector<16xf32>,
        tpu.vector_store %arg28[%swap3A_561, %swap3A_562, %swap3A_563], %get3A_559 {add = true, strides = array<i32>} : memref<4x20x64xf32, #tpu.memory_space<vmem>>, vector<16xf32>,
      }
      %scan3A_278 = arith.constant 20 : i32
      %mul3A_279 = arith.constant 4 : i32
      %mul3A_280 = arith.muli %add3A_251, %mul3A_279 : i32
      %add3A_281 = arith.addi %mul3A_2, %mul3A_280 : i32
      %dma_start3A_282 = arith.constant 0 : i32
      %dma_start3A_283 = arith.constant 0 : i32
      %dma_start3A_284 = tpu.memref_slice %arg8[%add3A_281, %dma_start3A_282, %dma_start3A_283] : memref<16384x20x64xf32, #tpu.memory_space<hbm>> -> memref<4x20x64xf32, #tpu.memory_space<hbm>>
      %dma_start3A_285 = arith.constant 0 : i32
      %dma_start3A_286 = arith.constant 0 : i32
      %dma_start3A_287 = tpu.memref_slice %arg8[%add3A_281, %dma_start3A_285, %dma_start3A_286] : memref<16384x20x64xf32, #tpu.memory_space<hbm>> -> memref<4x20x64xf32, #tpu.memory_space<hbm>>
      tpu.enqueue_dma source(%arg28 : memref<4x20x64xf32, #tpu.memory_space<vmem>>) target(%dma_start3A_287 : memref<4x20x64xf32, #tpu.memory_space<hbm>>) target_semaphore(%arg32 : memref<!tpu.dma_semaphore, #tpu.memory_space<semaphore_mem>>)
      %add3A_288 = arith.constant 4 : i32
      %add3A_289 = arith.addi %add3A_251, %add3A_288 : i32
      %sub3A_290 = arith.constant 1 : i32
      %sub3A_291 = arith.subi %add3A_289, %sub3A_290 : i32
      %ge3A_292 = arith.constant 1 : i32
      %ge3A_293 = arith.cmpi sge, %add3A_251, %ge3A_292 : i32
      %convert_element_type3A_294 = arith.extui %ge3A_293 : i1 to i32
      %cond3A_295 = arith.constant 0 : i32
      %cond3A_296 = arith.cmpi ne, %convert_element_type3A_294, %cond3A_295 : i32
      scf.if %cond3A_296 {
        %dma_wait3A_302 = arith.constant 0 : i32
        %dma_wait3A_303 = arith.constant 0 : i32
        %dma_wait3A_304 = tpu.memref_slice %arg8[%mul3A_2, %dma_wait3A_302, %dma_wait3A_303] : memref<16384x20x64xf32, #tpu.memory_space<hbm>> -> memref<4x20x64xf32, #tpu.memory_space<hbm>>
        %dma_wait3A_305 = arith.constant 0 : i32
        %dma_wait3A_306 = arith.constant 0 : i32
        %dma_wait3A_307 = tpu.memref_slice %arg8[%mul3A_2, %dma_wait3A_305, %dma_wait3A_306] : memref<16384x20x64xf32, #tpu.memory_space<hbm>> -> memref<4x20x64xf32, #tpu.memory_space<hbm>>
        tpu.wait_dma2 semaphore(%arg27 : memref<!tpu.dma_semaphore, #tpu.memory_space<semaphore_mem>>) src(%arg23 : memref<4x20x64xf32, #tpu.memory_space<vmem>>) dst(%dma_wait3A_307 : memref<4x20x64xf32, #tpu.memory_space<hbm>>)
      } else {
      }
      %lt3A_297 = arith.constant 128 : i32
      %lt3A_298 = arith.cmpi slt, %sub3A_291, %lt3A_297 : i32
      %convert_element_type3A_299 = arith.extui %lt3A_298 : i1 to i32
      %cond3A_300 = arith.constant 0 : i32
      %cond3A_301 = arith.cmpi ne, %convert_element_type3A_299, %cond3A_300 : i32
      scf.if %cond3A_301 {
        %mul3A_302 = arith.constant 4 : i32
        %mul3A_303 = arith.muli %sub3A_291, %mul3A_302 : i32
        %add3A_304 = arith.addi %mul3A_2, %mul3A_303 : i32
        %dma_start3A_305 = arith.constant 0 : i32
        %dma_start3A_306 = arith.constant 0 : i32
        %dma_start3A_307 = tpu.memref_slice %arg2[%add3A_304, %dma_start3A_305, %dma_start3A_306] : memref<16384x20x64xf32, #tpu.memory_space<hbm>> -> memref<4x20x64xf32, #tpu.memory_space<hbm>>
        %dma_start3A_308 = arith.constant 0 : i32
        %dma_start3A_309 = arith.constant 0 : i32
        %dma_start3A_310 = tpu.memref_slice %arg2[%add3A_304, %dma_start3A_308, %dma_start3A_309] : memref<16384x20x64xf32, #tpu.memory_space<hbm>> -> memref<4x20x64xf32, #tpu.memory_space<hbm>>
        tpu.enqueue_dma source(%dma_start3A_310 : memref<4x20x64xf32, #tpu.memory_space<hbm>>) target(%arg23 : memref<4x20x64xf32, #tpu.memory_space<vmem>>) target_semaphore(%arg26 : memref<!tpu.dma_semaphore, #tpu.memory_space<semaphore_mem>>)
        %dma_start3A_311 = arith.constant 0 : i32
        %dma_start3A_312 = tpu.memref_slice %arg11[%sub3A_291, %dma_start3A_311] : memref<128x80xi32, #tpu.memory_space<vmem>> -> memref<1x80xi32, #tpu.memory_space<vmem>>
        %dma_start3A_313 = tpu.memref_squeeze %dma_start3A_312 : memref<1x80xi32, #tpu.memory_space<vmem>> -> memref<80xi32, #tpu.memory_space<vmem>>
        %dma_start3A_314 = arith.constant 0 : i32
        %dma_start3A_315 = arith.constant 0 : i32
        %dma_start3A_316 = tpu.memref_slice %arg6[%dma_start3A_314, %dma_start3A_315] : memref<1000000x128xf32, #tpu.memory_space<hbm>> -> memref<1000000x128xf32, #tpu.memory_space<hbm>>
        tpu.enqueue_indirect_dma source(%dma_start3A_316 : memref<1000000x128xf32, #tpu.memory_space<hbm>>) target(%arg24 : memref<80x128xf32, #tpu.memory_space<vmem>>) offsets(%dma_start3A_313 : memref<80xi32, #tpu.memory_space<vmem>>) semaphore(%arg26 : memref<!tpu.dma_semaphore, #tpu.memory_space<semaphore_mem>>)
        %dma_start3A_317 = arith.constant 0 : i32
        %dma_start3A_318 = tpu.memref_slice %arg12[%sub3A_291, %dma_start3A_317] : memref<128x80xi32, #tpu.memory_space<vmem>> -> memref<1x80xi32, #tpu.memory_space<vmem>>
        %dma_start3A_319 = tpu.memref_squeeze %dma_start3A_318 : memref<1x80xi32, #tpu.memory_space<vmem>> -> memref<80xi32, #tpu.memory_space<vmem>>
        %dma_start3A_320 = arith.constant 0 : i32
        %dma_start3A_321 = arith.constant 0 : i32
        %dma_start3A_322 = tpu.memref_slice %arg7[%dma_start3A_320, %dma_start3A_321] : memref<15360x64xf32, #tpu.memory_space<hbm>> -> memref<15360x64xf32, #tpu.memory_space<hbm>>
        tpu.enqueue_indirect_dma source(%dma_start3A_322 : memref<15360x64xf32, #tpu.memory_space<hbm>>) target(%arg25 : memref<80x64xf32, #tpu.memory_space<vmem>>) offsets(%dma_start3A_319 : memref<80xi32, #tpu.memory_space<vmem>>) semaphore(%arg26 : memref<!tpu.dma_semaphore, #tpu.memory_space<semaphore_mem>>)
      } else {
      }
    }
    %scan3A_84 = arith.constant 32 : i32
    %dma_wait3A = arith.constant 0 : i32
    %dma_wait3A_85 = arith.constant 0 : i32
    %dma_wait3A_86 = tpu.memref_slice %arg8[%mul3A_2, %dma_wait3A, %dma_wait3A_85] : memref<16384x20x64xf32, #tpu.memory_space<hbm>> -> memref<4x20x64xf32, #tpu.memory_space<hbm>>
    %dma_wait3A_87 = arith.constant 0 : i32
    %dma_wait3A_88 = arith.constant 0 : i32
    %dma_wait3A_89 = tpu.memref_slice %arg8[%mul3A_2, %dma_wait3A_87, %dma_wait3A_88] : memref<16384x20x64xf32, #tpu.memory_space<hbm>> -> memref<4x20x64xf32, #tpu.memory_space<hbm>>
    tpu.wait_dma2 semaphore(%arg32 : memref<!tpu.dma_semaphore, #tpu.memory_space<semaphore_mem>>) src(%arg28 : memref<4x20x64xf32, #tpu.memory_space<vmem>>) dst(%dma_wait3A_89 : memref<4x20x64xf32, #tpu.memory_space<hbm>>)
    return
  }
}

module attributes {stable_mosaic.version = 14 : i64} {
  func.func @body(%arg0: i32, %arg1: memref<64x12800xf32, #tpu.memory_space<vmem>>, %arg2: memref<64x64xf32, #tpu.memory_space<vmem>>, %arg3: memref<12800x128xf32, #tpu.memory_space<vmem>>) attributes {dimension_semantics = [#tpu.dimension_semantics<arbitrary>], iteration_bounds = array<i64: 79>, scalar_prefetch = 0 : i64, scratch_operands = 0 : i64, tpu.core_type = #tpu.core_type<tc>, window_params = [{transform_indices = @transform_0, window_bounds = array<i64: 64, 12800>}, {pipeline_mode = #tpu.pipeline_mode<synchronous>, transform_indices = @transform_1, window_bounds = array<i64: 64, 64>}, {transform_indices = @transform_2, window_bounds = array<i64: 12800, 128>}]} {
    %get3A = arith.constant 0 : index
    %get3A_0 = arith.constant 0 : index
    %get3A_1 = vector.load %arg1[%get3A, %get3A_0] : memref<64x12800xf32, #tpu.memory_space<vmem>>, vector<64x12800xf32>
    %get3A_2 = arith.constant 0 : index
    %get3A_3 = arith.constant 0 : index
    %get3A_4 = vector.load %arg2[%get3A_2, %get3A_3] : memref<64x64xf32, #tpu.memory_space<vmem>>, vector<64x64xf32>
    %dot_general3A = arith.constant dense<0.000000e+00> : vector<12800x64xf32>
    %dot_general3A_5 = tpu.matmul %get3A_1, %get3A_4, %dot_general3A {dimension_numbers = #tpu.dot_dimension_numbers<[0], [0], [1], [1], [0, 1, 1, 1], [], []>, transpose_lhs_hint = false} : vector<64x12800xf32>, vector<64x64xf32>, vector<12800x64xf32> -> vector<12800x64xf32>
    %concatenate3A = tpu.concatenate %dot_general3A_5, %dot_general3A_5 in 1 : vector<12800x64xf32>, vector<12800x64xf32> -> vector<12800x128xf32>
    %swap3A = arith.constant 0 : index
    %swap3A_6 = arith.constant 0 : index
    %swap3A_7 = vector.load %arg3[%swap3A, %swap3A_6] : memref<12800x128xf32, #tpu.memory_space<vmem>>, vector<12800x128xf32>
    tpu.vector_store %arg3[%swap3A, %swap3A_6], %concatenate3A {strides = array<i32>} : memref<12800x128xf32, #tpu.memory_space<vmem>>, vector<12800x128xf32>,
    return
  }
  func.func @transform_0(%arg0: i32) -> (i32, i32) {
    %c0_i32 = arith.constant 0 : i32
    %c0_i32_0 = arith.constant 0 : i32
    return %c0_i32, %arg0 : i32, i32
  }
  func.func @transform_1(%arg0: i32) -> (i32, i32) {
    %c0_i32 = arith.constant 0 : i32
    %c0_i32_0 = arith.constant 0 : i32
    %c0_i32_1 = arith.constant 0 : i32
    return %c0_i32, %c0_i32_0 : i32, i32
  }
  func.func @transform_2(%arg0: i32) -> (i32, i32) {
    %c0_i32 = arith.constant 0 : i32
    %c0_i32_0 = arith.constant 0 : i32
    return %arg0, %c0_i32 : i32, i32
  }
}

</mosaic_0001>

<sc_bundles>
// kernel: kernel.4.cloned.1.call-start
scs
__scs_entry_jumppad:
0x0: {  	(pc) =	sbr.rel $0x88, $3  }
0x1: {  	(tag) =	ssettag $0x0;
	lr =	simm.s32 $0x1  }
0x2: {  	[smem:$0x3F9A] =	sst lr;
	_ =	strace $0xD0000000  }
0x3: {  	_ = 	snop  }
0x4: {  	_ = 	snop  }
0x5: {  	_ = 	snop  }
0x6: {  	_ = 	snop  }
0x7: {  	_ = 	snop  }
__scs_overlays_trampoline_lowered:
0x8: {  	[smem:$0x3FA9] =	sst s0  }
0x9: {  	[smem:$0x3FAA] =	sst s1  }
0xa: {  	[smem:$0x3FAB] =	sst s2  }
0xb: {  	[smem:$0x3FAC] =	sst s3  }
0xc: {  	[smem:$0x3FAD] =	sst s4  }
0xd: {  	[smem:$0x3FAE] =	sst s5  }
0xe: {  	[smem:$0x3FAF] =	sst s6  }
0xf: {  	[smem:$0x3FB0] =	sst s7  }
0x10: {  	[smem:$0x3FB1] =	sst s8  }
0x11: {  	[smem:$0x3FB2] =	sst s9;
	s0 =	simm.s32 @!p0 $0x0  }
0x12: {  	s1 =	sld [smem:$0x3F98];
	s0 =	simm.s32 @p0 $0x1  }
0x13: {  	[smem:$0x3FB3] =	sst s0;
	s0 =	simm.s32 @!p1 $0x0  }
0x14: {  	s2 =	sld [smem:$0x3F97];
	s0 =	simm.s32 @p1 $0x1  }
0x15: {  	[smem:$0x3FB4] =	sst s0;
	s0 =	simm.s32 @!p2 $0x0  }
0x16: {  	s3 =	sld [smem:$0x3FDB];
	s0 =	simm.s32 @p2 $0x1  }
0x17: {  	s4 =	simm.s32 $0x1BF5;
	[smem:$0x3FB6] =	sst s0  }
0x18: {  	s0 =	sld [smem:$0x3F99];
	_ =	swait.ge [sflag:s4], $0x0  }
0x19: {  	s7 =	sld [smem:$0x3F9A]  }
0x1a: {  	s8 =	sadd.s32 $0xFFFFE003, lr  }
0x1b: {  	s9 =	sadd.s32 $0xFFFFFEF7, lr;
	s5 =	simm.s32 $0xFFFFFFFF;
	p2 =	slt.u32 s8, $0xFFFFF086  }
0x1c: {  	p1 =	slt.u32 s9, $0xF7A;
	s5 =	simm.s32 @!p2 $0x0  }
0x1d: {  	s5 =	simm.s32 @p1 $0x1;
	p0 =	seq.s32 s7, s2  }
0x1e: {  	s7 =	smul.u32 @!p0 $0xF7A, s2;
	p2 =	seq.s32 @!p0 s5, $0x0  }
0x1f: {  	s9 =	smul.u32 $0xF7A, s1;
	s8 =	simm.s32 @!p0 $0x1BF5;
	p2 =	por !p2, p0  }
0x20: {  	[sflag:s8] =	ssyncset.s32 @!p0 $0xFFFFF086;
	s6 =	sadd.s32 @!p0 s3, s7;
	s7 =	simm.s32 @!p0 $0x108  }
0x21: {  	s3 =	sadd.s32 s3, s9;
	s6 =	sadd.s32 @!p0 $0x88, s6;
	s7 =	simm.s32 @p2 $0x1082  }
0x22: {  	[simem:s7], [sflag:s8] =	dma.local @!p0 [hbm:s6], $0xF7A  }
0x23: {  	s9 =	sor.u32 $0xD0000000, s2;
	s6 =	simm.s32 $0x108;
	_ =	swait.ge @!p0 [sflag:s8], $0x0  }
0x24: {  	s3 =	sadd.s32 $0x88, s3;
	s6 =	simm.s32 @!p1 $0x1082;
	[sflag:s4] =	ssyncset.s32 $0xFFFFF086  }
0x25: {  	[simem:s6], [sflag:s4] =	dma.local [hbm:s3], $0xF7A  }
0x26: {  	[smem:$0x3F9A] =	sst s1;
	(tag) =	ssettag s2;
	_ =	strace s9  }
0x27: {  	s1 =	sld [smem:$0x3FAA]  }
0x28: {  	s2 =	sld [smem:$0x3FAB]  }
0x29: {  	s4 =	sld [smem:$0x3FAD]  }
0x2a: {  	p0 =	seq.s32 s5, $0x0;
	s5 =	sld [smem:$0x3FAE]  }
0x2b: {  	s6 =	sld [smem:$0x3FAF]  }
0x2c: {  	s7 =	sld [smem:$0x3FB0]  }
0x2d: {  	s3 =	simm.s32 $0x108;
	s8 =	sld [smem:$0x3FB1]  }
0x2e: {  	s3 =	simm.s32 @!p0 $0x1082;
	s9 =	sld [smem:$0x3FB2]  }
0x2f: {  	lr =	sadd.s32 s0, s3;
	s0 =	sld [smem:$0x3FA9]  }
0x30: {  	s3 =	sld [smem:$0x3FAC]  }
0x31: {  	[smem:$0x3FB5] =	sst s10  }
0x32: {  	s10 =	sld [smem:$0x3FB3];
	_ =	sdelay $0x3  }
0x33: {  	p0 =	seq.s32 s10, $0x1;
	s10 =	sld [smem:$0x3FB5];
	_ =	sdelay $0x3  }
0x34: {  	[smem:$0x3FB5] =	sst s10  }
0x35: {  	s10 =	sld [smem:$0x3FB4];
	_ =	sdelay $0x3  }
0x36: {  	p1 =	seq.s32 s10, $0x1;
	s10 =	sld [smem:$0x3FB5];
	_ =	sdelay $0x3  }
0x37: {  	[smem:$0x3FB5] =	sst s10  }
0x38: {  	s10 =	sld [smem:$0x3FB6]  }
0x39: {  	_ = 	snop;
	(pc) =	sbr.ind lr, $3  }
0x3a: {  	_ = 	snop  }
0x3b: {  	_ = 	snop  }
0x3c: {  	p2 =	seq.s32 s10, $0x1;
	s10 =	sld [smem:$0x3FB5]  }
0x3d: {  	_ =	shalt  }
0x3e: {  	_ =	shalt  }
0x3f: {  	_ =	shalt  }
0x40: {  	_ =	shalt  }
0x41: {  	_ =	shalt  }
0x42: {  	_ =	shalt  }
0x43: {  	_ =	shalt  }
0x44: {  	_ =	shalt  }
0x45: {  	_ =	shalt  }
0x46: {  	_ =	shalt  }
0x47: {  	_ =	shalt  }
0x48: {  	_ =	shalt  }
0x49: {  	_ =	shalt  }
0x4a: {  	_ =	shalt  }
0x4b: {  	_ =	shalt  }
0x4c: {  	_ =	shalt  }
0x4d: {  	_ =	shalt  }
0x4e: {  	_ =	shalt  }
0x4f: {  	_ =	shalt  }
0x50: {  	_ =	shalt  }
0x51: {  	_ =	shalt  }
0x52: {  	_ =	shalt  }
0x53: {  	_ =	shalt  }
0x54: {  	_ =	shalt  }
0x55: {  	_ =	shalt  }
0x56: {  	_ =	shalt  }
0x57: {  	_ =	shalt  }
0x58: {  	_ =	shalt  }
0x59: {  	_ =	shalt  }
0x5a: {  	_ =	shalt  }
0x5b: {  	_ =	shalt  }
0x5c: {  	_ =	shalt  }
0x5d: {  	_ =	shalt  }
0x5e: {  	_ =	shalt  }
0x5f: {  	_ =	shalt  }
0x60: {  	_ =	shalt  }
0x61: {  	_ =	shalt  }
0x62: {  	_ =	shalt  }
0x63: {  	_ =	shalt  }
0x64: {  	_ =	shalt  }
0x65: {  	_ =	shalt  }
0x66: {  	_ =	shalt  }
0x67: {  	_ =	shalt  }
0x68: {  	_ =	shalt  }
0x69: {  	_ =	shalt  }
0x6a: {  	_ =	shalt  }
0x6b: {  	_ =	shalt  }
0x6c: {  	_ =	shalt  }
0x6d: {  	_ =	shalt  }
0x6e: {  	_ =	shalt  }
0x6f: {  	_ =	shalt  }
0x70: {  	_ =	shalt  }
0x71: {  	_ =	shalt  }
0x72: {  	_ =	shalt  }
0x73: {  	_ =	shalt  }
0x74: {  	_ =	shalt  }
0x75: {  	_ =	shalt  }
0x76: {  	_ =	shalt  }
0x77: {  	_ =	shalt  }
0x78: {  	_ =	shalt  }
0x79: {  	_ =	shalt  }
0x7a: {  	_ =	shalt  }
0x7b: {  	_ =	shalt  }
0x7c: {  	_ =	shalt  }
0x7d: {  	_ =	shalt  }
0x7e: {  	_ =	shalt  }
0x7f: {  	_ =	shalt  }
0x80: {  	_ =	shalt  }
0x81: {  	_ =	shalt  }
0x82: {  	_ =	shalt  }
0x83: {  	_ =	shalt  }
0x84: {  	_ =	shalt  }
0x85: {  	_ =	shalt  }
0x86: {  	_ =	shalt  }
0x87: {  	_ =	shalt  }
.Lfunc_end0:
.L_simem_size_0:
called_computation.1_lowered:
.L_overlay_start_0:
0x88: {  	s2 =	sld [smem:$0x3FD9]  }
0x89: {  	s3 =	sld [smem:$0x3FFE];
	_ =	sdelay $0x1  }
0x8a: {  	s1 =	srdreg.scid  }
0x8b: {  	s0 =	sand.u32 $0x1, s1  }
0x8c: {  	s17 =	sshll.u32 s0, $0xA;
	s2 =	sadd.s32 s3, s2  }
0x8d: {  	s2 =	sadd.s32 s2, s17  }
0x8e: {  	[smem:$0x3FC1] =	sst s2  }
0x8f: {  	_ = 	snop  }
0x90: {  	s2 =	sld [smem:$0x3FD0];
	(tm) =	ssettm $0x1  }
0x91: {  	s18 =	sld [smem:$0x3FFB];
	_ =	sdelay $0x3  }
0x92: {  	_ =	strace s18  }
0x93: {  	s3 =	sld [smem:$0x3FFC];
	_ =	sdelay $0x3  }
0x94: {  	_ =	strace s3  }
0x95: {  	s3 =	sld [smem:$0x3FFD];
	_ =	sdelay $0x3  }
0x96: {  	_ =	strace s3  }
0x97: {  	_ =	strace $0x8FFFFFFF  }
0x98: {  	s19 =	sld [smem:$0x3FDB];
	_ =	sdelay $0x1  }
0x99: {  	s4 =	simm.s32 $_scs_section_size  }
0x9a: {  	s5 =	simm.s32 $_size__tile_overlayer_lowered;
	s6 =	simm.s32 $_tile_overlayer_lowered  }
0x9b: {  	s22 =	simm.s32 $0x1BFF;
	s21 =	sshll.u32 s6, $0x1;
	s3 =	sadd.s32 s4, s19  }
0x9c: {  	s7 =	simm.s32 $0x0;
	s20 =	sshll.u32 s5, $0x1;
	s5 =	sadd.s32 s21, s3  }
0x9d: {  	[timem:s7], [sflag:s22] =	dma.local [hbm:s5], s20  }
0x9e: {  	_ =	swait.ge [sflag:s22], s20  }
0x9f: {  	s4 =	ssub.s32 $0x0, s20;
	[sflag:s22] =	ssyncset.done $0x0  }
0xa0: {  	[sflag:s22] =	ssyncadd.s32 s4;
	_ =	sdelay $0x1  }
0xa1: {  	s23 =	simm.s32 $0x1B8B  }
0xa2: {  	_ =	swait.ge [sflag:s23], $0x1  }
0xa3: {  	[sflag:s23] =	ssyncset.done $0x0  }
0xa4: {  	s25 =	simm.s32 $0x1B8E;
	s24 =	sld [smem:$0x3FFE];
	[sflag:s23] =	ssyncadd.s32 $0xFFFFFFFF  }
0xa5: {  	s26 =	simm.s32 $execute0_lowered;
	[smem:$0x3FD2] =	sst s25  }
0xa6: {  	s5 =	sshll.u32 s26, $0x1;
	_ =	strace $0x80000046;
	[dreg:$0x1] =	wrdreg $0xFFFFFFFF  }
0xa7: {  	s28 =	simm.s32 $_size_execute0_lowered;
	s3 =	sadd.s32 s3, s5;
	[dreg:$0x0] =	wrdreg $0x0  }
0xa8: {  	s5 =	sshll.u32 s28, $0x1;
	[dreg:$0x2] =	wrdreg s3  }
0xa9: {  	[dreg:$0x3] =	wrdreg s5  }
0xaa: {  	[dreg:$0x4] =	wrdreg $0xC0  }
0xab: {  	_ =	task [dreg:s7], $0x5FFFF  }
0xac: {  	[dreg:$0x1] =	wrdreg $0xFFFFFFFF  }
0xad: {  	[dreg:$0x0] =	wrdreg $0x60  }
0xae: {  	[dreg:$0x2] =	wrdreg s2  }
0xaf: {  	[dreg:$0x3] =	wrdreg s24  }
0xb0: {  	[dreg:$0x4] =	wrdreg $0x9  }
0xb1: {  	_ =	task.clear_ibuf [dreg:s7], $0x5FFFF;
	_ =	strace $0x90000046  }
0xb2: {  	s29 =	simm.s32 $0x9;
	_ =	strace $0x80000048  }
0xb3: {  	_ =	swait.ge [sflag:s29], $0x1  }
0xb4: {  	[sflag:s29] =	ssyncadd.s32 $0xFFFFFFFF  }
0xb5: {  	_ =	strace $0x90000048  }
0xb6: {  	_ =	sfence  }
0xb7: {  	s30 =	sld [smem:$0x0];
	_ =	sdelay $0x2  }
0xb8: {  	s31 =	sshll.u32 s1, $0xD;
	s1 =	sshrl.u32 s1, $0x2  }
0xb9: {  	s3 =	sand.u32 $0x4000, s31;
	s1 =	sadd.s32 s1, s30  }
0xba: {  	s0 =	sor.u32 s3, s0;
	s1 =	sshll.u32 s1, $0x11  }
0xbb: {  	s0 =	sor.u32 s1, s0  }
0xbc: {  	s0 =	sadd.s32 $0x8F2B, s0  }
0xbd: {  	[sflag:s0] =	ssyncadd.remote.s32 $0x1  }
0xbe: {  	_ =	sfence.sel $0xFFFF  }
0xbf: {  	[dreg:$0x0] =	wrdreg $0xFFFFFFFF;
	(pc) =	sbr.abs _section_cstart, $3  }
0xc0: {  	[dreg:$0x1] =	wrdreg $0xFFFFFFFF  }
0xc1: {  	_ =	task.clear_ibuf [dreg:s7], $0x2FFFF;
	_ =	strace $0x9FFFFFFF  }
0xc2: {  	(tm) =	ssettm $0x7FFFFFFF  }
0xc3: {  	_ =	shalt  }
tec
execute0_lowered:
.L_overlay_start_1:
0x0: {  	(tag) =	ssettag $0x1  }
0x1: {  	s0 =	srdreg.scid;
	s2 =	rddreg [dreg:$0x0]  }
0x2: {  	s11 =	stileid.u32;
	s6 =	rddreg [dreg:$0x1]  }
0x3: {  	s3 =	simm.s32 $0x0;
	s13 =	simm.s32 $0x9;
	s16 =	simm.s32 $0x3000  }
0x4: {  	s18 =	simm.s32 $0xB000;
	s19 =	simm.s32 $0x50;
	s30 =	simm.s32 $0x15000  }
0x5: {  	s20 =	simm.s32 $0x18C00;
	s21 =	simm.s32 $0x1;
	s22 =	simm.s32 $0x1A000  }
0x6: {  	s23 =	simm.s32 $0x1B400;
	s28 =	simm.s32 $0x2;
	s29 =	simm.s32 $0x5  }
0x7: {  	s31 =	simm.s32 $0x4;
	s0 =	sand.u32 $0x1, s0;
	s1 =	sshll.u32 s11, $0x1  }
0x8: {  	[smem:$0x7FF] =	sst s3;
	s5 =	sadd.s32 $0x1400, s6;
	s1 =	sor.u32 s0, s1  }
0x9: {  	v0 =	vimm.s32 $0x1F1E1D1C;
	v1 =	vimm.s32 $0x23222120;
	s11 =	sshll.u32 s11, $0x8;
	s9 =	ssub.s32 $0x2, s0;
	s4 =	smul.u32 $0x600, s1  }
0xa: {  	v2 =	vimm.s32 $0x13121110;
	v3 =	vimm.s32 $0x1B1A1918;
	s0 =	sshll.u32 s0, $0x7;
	s7 =	sshll.u32 s1, $0x9;
	s1 =	smul.u32 $0x14000, s1  }
0xb: {  	v4 =	vimm.s32 $0x33323130;
	vm0 =	vcmask $0x1F10;
	_ =	strace $0x80000047;
	s10 =	sshrl.u32 s9, $0x1;
	s0 =	sor.u32 s0, s11  }
0xc: {  	v5 =	vimm.s32 $0x37363534;
	v6 =	vimm.s32 $0x27262524;
	v7 =	vimm.s32 $0x2B2A2928;
	s11 =	simm.s32 $0x0;
	s8 =	sadd.s32 s4, s6;
	s1 =	sadd.s32 s2, s1  }
0xd: {  	v8 =	vimm.s32 $0x3B3A3938;
	v9 =	vimm.s32 $0x3F3E3D3C;
	v0 =	vunpack.c.0.s8.s32 v0;
	s0 =	sshrl.u32 s0, $0x7;
	s12 =	sadd.s32 $0x2B400, s8;
	[dreg:$0x6] =	wrdreg s1  }
0xe: {  	v1 =	vunpack.c.0.s8.s32 v1;
	v2 =	vunpack.c.0.s8.s32 v2;
	v3 =	vunpack.c.0.s8.s32 v3;
	s26 =	ssub.s32 s9, s10;
	s24 =	sadd.s32 $0x37400, s8;
	[dreg:$0x3] =	wrdreg s12  }
0xf: {  	v5 =	vunpack.c.0.s8.s32 v5;
	v6 =	vunpack.c.0.s8.s32 v6;
	v7 =	vunpack.c.0.s8.s32 v7;
	s4 =	sadd.s32 $0x43400, s6;
	s8 =	sadd.s32 $0x1F400, s8;
	[dreg:$0x4] =	wrdreg s24  }
0x10: {  	v8 =	vunpack.c.0.s8.s32 v8;
	v0 =	vsel vm0, v1, v0;
	v1 =	vimm.s32 $0x43424140;
	s0 =	sand.u32 $0x3, s0;
	s25 =	sadd.s32 $0x280, s1;
	[dreg:$0x5] =	wrdreg s8  }
.Ltmp0:
0x11: {  	v2 =	vsel vm0, v3, v2;
	v3 =	vunpack.c.0.s8.s32 v4;
	v4 =	vimm.s32 $0x4B4A4948;
	s1 =	sadd.s32 $0x500, s1;
	[dreg:$0x7] =	wrdreg s25;
	(pc) =	sbr.rel .LBB2_1-.Ltmp0, $4  }
0x12: {  	v9 =	vunpack.c.0.s8.s32 v9;
	v1 =	vunpack.c.0.s8.s32 v1;
	v4 =	vunpack.c.0.s8.s32 v4;
	s6 =	sadd.s32 $0xF85800, s6;
	s0 =	smul.u32 $0xF00, s0;
	[dreg:$0x8] =	wrdreg s1  }
0x13: {  	v0 =	vcombine.low v2, v0;
	v2 =	vsel vm0, v5, v3;
	v3 =	vsel vm0, v7, v6;
	s24 =	simm.s32 $0x10000;
	s1 =	simm.s32 $0x16400;
	s25 =	simm.s32 $0x1DC00  }
0x14: {  	v5 =	vsel vm0, v9, v8;
	v4 =	vsel vm0, v4, v1;
	v1 =	vlaneseq.u32;
	s8 =	simm.s32 $0x6;
	[dreg:$0x9] =	wrdreg s0;
	s0 =	smax.u32 s26, $0x1  }
0x15: {  	v2 =	vcombine.low v3, v2;
	v3 =	vcombine.low v5, v4;
	v4 =	vadd.s32 $0x4C, v1;
	s26 =	simm.s32 $0x3;
	[dreg:$0xa] =	wrdreg s0;
	s0 =	simm.s32 $0x7  }
.LBB2_16:
0x16: {  	s10 =	simm.s32 $0x8  }
0x17: {  	_ =	swait.ge [sflag:s10], $0x1400  }
0x18: {  	s11 =	rddreg [dreg:$0xb]  }
0x19: {  	s9 =	rddreg [dreg:$0xa];
	s11 =	sadd.s32 $0x1, s11  }
0x1a: {  	p0 =	sne.s32 s11, s9  }
.Ltmp1:
0x1b: {  	_ = 	snop;
	(pc) =	sbr.rel @!p0 .LBB2_17-.Ltmp1, $3  }
0x1c: {  	_ =	sdelay $0x1  }
0x1d: {  	[sflag:s10] =	ssyncset.done $0x0  }
0x1e: {  	s13 =	simm.s32 $0x9;
	[sflag:s10] =	ssyncadd.s32 $0xFFFFEC00  }
.LBB2_1:
0x1f: {  	[dreg:$0xb] =	wrdreg s11;
	v5 =	vmov s3  }
0x20: {  	s9 =	rddreg [dreg:$0x3];
	v5 =	vmul.u32 $0x18, v5  }
0x21: {  	[tilespmem:s3], [sflag:$0x9] =	stream.linear.gather [hbm4b:s9+s3], $0x3000, $0x38;
	[tilespmem:$0x1F000] =	vst v63  }
0x22: {  	_ =	swait.ge [sflag:s13], $0x3000;
	v5 =	vbroadcast v5, $0x0  }
0x23: {  	[sflag:s13] =	ssyncset.done $0x0  }
0x24: {  	s15 =	rddreg [dreg:$0x4];
	[sflag:s13] =	ssyncadd.s32 $0xFFFFD000;
	v6 =	vor.u32 v1, v5  }
0x25: {  	[tilespmem:s16], [sflag:$0x9] =	stream.linear.gather [hbm4b:s15+s3], $0x3000, $0x38;
	[tilespmem:$0x1F000] =	vst v63  }
0x26: {  	_ =	swait.ge [sflag:s13], $0x3000  }
0x27: {  	[sflag:s13] =	ssyncset.done $0x0  }
0x28: {  	[sflag:s13] =	ssyncadd.s32 $0xFFFFD000  }
0x29: {  	v7 =	vld.idx.msk [tilespmem:v6+s3+$0x0], $0xffff  }
0x2a: {  	v6 =	vld.idx.msk [tilespmem:v6+s16+$0x0], $0xffff;
	_ =	sdelay $0x2  }
0x2b: {  	v8 =	vadd.s32 v0, v5  }
0x2c: {  	s10 =	rddreg [dreg:$0x9];
	v7 =	vmul.u32 $0xA, v7  }
0x2d: {  	v6 =	vadd.s32 s10, v6  }
0x2e: {  	s9 =	simm.s32 $0x8820;
	v6 =	vadd.s32 v7, v6  }
0x2f: {  	[tilespmem:s9+$0xFFFFFFE0] =	vst v6  }
0x30: {  	v6 =	vld.idx.msk [tilespmem:v8+s3+$0x0], $0xffff  }
0x31: {  	v7 =	vld.idx.msk [tilespmem:v8+s16+$0x0], $0xffff;
	_ =	sdelay $0x2  }
0x32: {  	v8 =	vadd.s32 v2, v5  }
0x33: {  	v6 =	vmul.u32 $0xA, v6  }
0x34: {  	v7 =	vadd.s32 s10, v7  }
0x35: {  	v6 =	vadd.s32 v6, v7  }
0x36: {  	[tilespmem:s9+$0xFFFFFFF0] =	vst v6  }
0x37: {  	v6 =	vld.idx.msk [tilespmem:v8+s3+$0x0], $0xffff  }
0x38: {  	v7 =	vld.idx.msk [tilespmem:v8+s16+$0x0], $0xffff;
	_ =	sdelay $0x2  }
0x39: {  	v8 =	vadd.s32 v3, v5  }
0x3a: {  	v6 =	vmul.u32 $0xA, v6  }
0x3b: {  	v7 =	vadd.s32 s10, v7  }
0x3c: {  	v6 =	vadd.s32 v6, v7  }
0x3d: {  	[tilespmem:s9+$0x0] =	vst v6  }
0x3e: {  	v6 =	vld.idx.msk [tilespmem:v8+s3+$0x0], $0xffff  }
0x3f: {  	v7 =	vld.idx.msk [tilespmem:v8+s16+$0x0], $0xffff;
	_ =	sdelay $0x2  }
0x40: {  	v5 =	vadd.s32 v4, v5  }
0x41: {  	v6 =	vmul.u32 $0xA, v6  }
0x42: {  	v7 =	vadd.s32 s10, v7  }
0x43: {  	v6 =	vadd.s32 v6, v7  }
0x44: {  	s17 =	simm.s32 $0x4;
	[tilespmem:s9+$0x10] =	vst v6  }
0x45: {  	s12 =	simm.s32 $0x8;
	s11 =	smov.u32 s10;
	v7 =	vmov s17;
	v6 =	vld.idx.msk [tilespmem:v5+s3+$0x0], $0xffff  }
.LBB2_2:
0x46: {  	p0 =	sne.s32 s12, $0x1FC;
	v7 =	vmul.u32 $0x18, v7;
	v5 =	vld.idx.msk [tilespmem:v5+s16+$0x0], $0xffff;
	_ =	sdelay $0x1  }
0x47: {  	v7 =	vbroadcast v7, $0x0;
	_ =	sdelay $0x1  }
0x48: {  	v8 =	vor.u32 v1, v7  }
0x49: {  	v6 =	vmul.u32 $0xA, v6  }
0x4a: {  	v5 =	vadd.s32 s11, v5  }
0x4b: {  	v5 =	vadd.s32 v6, v5  }
0x4c: {  	[tilespmem:s9+$0x20] =	vst v5  }
0x4d: {  	v5 =	vld.idx.msk [tilespmem:v8+s3+$0x0], $0xffff  }
0x4e: {  	v6 =	vld.idx.msk [tilespmem:v8+s16+$0x0], $0xffff;
	_ =	sdelay $0x3  }
0x4f: {  	v8 =	vadd.s32 v0, v7  }
0x50: {  	s11 =	sadd.s32 $0x1E, s11;
	v5 =	vmul.u32 $0xA, v5  }
0x51: {  	v6 =	vadd.s32 s11, v6  }
0x52: {  	s9 =	sadd.s32 $0x50, s9;
	v5 =	vadd.s32 v5, v6  }
0x53: {  	[tilespmem:s9+$0xFFFFFFE0] =	vst v5  }
0x54: {  	v5 =	vld.idx.msk [tilespmem:v8+s3+$0x0], $0xffff  }
0x55: {  	v6 =	vld.idx.msk [tilespmem:v8+s16+$0x0], $0xffff;
	_ =	sdelay $0x3  }
0x56: {  	v8 =	vadd.s32 v2, v7  }
0x57: {  	v5 =	vmul.u32 $0xA, v5  }
0x58: {  	v6 =	vadd.s32 s11, v6  }
0x59: {  	v5 =	vadd.s32 v5, v6  }
0x5a: {  	[tilespmem:s9+$0xFFFFFFF0] =	vst v5  }
0x5b: {  	v5 =	vld.idx.msk [tilespmem:v8+s3+$0x0], $0xffff  }
0x5c: {  	v6 =	vld.idx.msk [tilespmem:v8+s16+$0x0], $0xffff;
	_ =	sdelay $0x3  }
0x5d: {  	v8 =	vadd.s32 v3, v7  }
0x5e: {  	v5 =	vmul.u32 $0xA, v5  }
0x5f: {  	v6 =	vadd.s32 s11, v6  }
0x60: {  	v5 =	vadd.s32 v5, v6  }
0x61: {  	[tilespmem:s9+$0x0] =	vst v5  }
0x62: {  	v6 =	vld.idx.msk [tilespmem:v8+s3+$0x0], $0xffff  }
0x63: {  	v8 =	vld.idx.msk [tilespmem:v8+s16+$0x0], $0xffff;
	_ =	sdelay $0x3  }
0x64: {  	v5 =	vadd.s32 v4, v7  }
.Ltmp2:
0x65: {  	v6 =	vmul.u32 $0xA, v6;
	(pc) =	sbr.rel @p0 .LBB2_2-.Ltmp2, $4  }
0x66: {  	v7 =	vadd.s32 s11, v8  }
0x67: {  	v6 =	vadd.s32 v6, v7  }
0x68: {  	[tilespmem:s9+$0x10] =	vst v6  }
0x69: {  	v7 =	vmov s12;
	s12 =	sadd.s32 $0x4, s12;
	v6 =	vld.idx.msk [tilespmem:v5+s3+$0x0], $0xffff  }
0x6a: {  	_ =	sdelay $0x2  }
0x6b: {  	v7 =	vmul.u32 $0x18, v7  }
0x6c: {  	v5 =	vld.idx.msk [tilespmem:v5+s16+$0x0], $0xffff  }
0x6d: {  	v7 =	vbroadcast v7, $0x0;
	_ =	sdelay $0x1  }
0x6e: {  	v8 =	vor.u32 v1, v7  }
0x6f: {  	v6 =	vmul.u32 $0xA, v6  }
0x70: {  	v5 =	vadd.s32 s11, v5  }
0x71: {  	v5 =	vadd.s32 v6, v5  }
0x72: {  	[tilespmem:s9+$0x20] =	vst v5  }
0x73: {  	v5 =	vld.idx.msk [tilespmem:v8+s3+$0x0], $0xffff  }
0x74: {  	v6 =	vld.idx.msk [tilespmem:v8+s16+$0x0], $0xffff;
	_ =	sdelay $0x2  }
0x75: {  	v8 =	vadd.s32 v0, v7  }
0x76: {  	s10 =	sadd.s32 $0x1E, s11;
	v5 =	vmul.u32 $0xA, v5  }
0x77: {  	v6 =	vadd.s32 s10, v6  }
0x78: {  	s14 =	sadd.s32 $0x50, s9;
	v5 =	vadd.s32 v5, v6  }
0x79: {  	[tilespmem:s14+$0xFFFFFFE0] =	vst v5  }
0x7a: {  	v5 =	vld.idx.msk [tilespmem:v8+s3+$0x0], $0xffff  }
0x7b: {  	v6 =	vld.idx.msk [tilespmem:v8+s16+$0x0], $0xffff;
	_ =	sdelay $0x2  }
0x7c: {  	v8 =	vadd.s32 v2, v7  }
0x7d: {  	v5 =	vmul.u32 $0xA, v5  }
0x7e: {  	v6 =	vadd.s32 s10, v6  }
0x7f: {  	v5 =	vadd.s32 v5, v6  }
0x80: {  	[tilespmem:s14+$0xFFFFFFF0] =	vst v5  }
0x81: {  	v5 =	vld.idx.msk [tilespmem:v8+s3+$0x0], $0xffff  }
0x82: {  	v6 =	vld.idx.msk [tilespmem:v8+s16+$0x0], $0xffff;
	_ =	sdelay $0x2  }
0x83: {  	v8 =	vadd.s32 v3, v7  }
0x84: {  	v5 =	vmul.u32 $0xA, v5  }
0x85: {  	v6 =	vadd.s32 s10, v6  }
0x86: {  	v5 =	vadd.s32 v5, v6  }
0x87: {  	[tilespmem:s14+$0x0] =	vst v5  }
0x88: {  	v5 =	vld.idx.msk [tilespmem:v8+s3+$0x0], $0xffff  }
0x89: {  	v6 =	vld.idx.msk [tilespmem:v8+s16+$0x0], $0xffff;
	_ =	sdelay $0x2  }
0x8a: {  	v7 =	vadd.s32 v4, v7  }
0x8b: {  	v5 =	vmul.u32 $0xA, v5  }
0x8c: {  	v6 =	vadd.s32 s10, v6  }
0x8d: {  	v5 =	vadd.s32 v5, v6  }
0x8e: {  	[tilespmem:s14+$0x10] =	vst v5  }
0x8f: {  	v5 =	vld.idx.msk [tilespmem:v7+s3+$0x0], $0xffff  }
0x90: {  	v6 =	vld.idx.msk [tilespmem:v7+s16+$0x0], $0xffff  }
0x91: {  	s12 =	simm.s32 $0x0  }
0x92: {  	v7 =	vmov s12  }
0x93: {  	v7 =	vmul.u32 $0x18, v7  }
0x94: {  	v5 =	vmul.u32 $0xA, v5  }
0x95: {  	v7 =	vbroadcast v7, $0x0;
	v6 =	vadd.s32 s10, v6  }
0x96: {  	v5 =	vadd.s32 v5, v6  }
0x97: {  	s15 =	rddreg [dreg:$0x5];
	[tilespmem:s14+$0x20] =	vst v5;
	v5 =	vor.u32 v1, v7  }
0x98: {  	[tilespmem:s12], [sflag:$0x9] =	stream.linear.gather [hbm4b:s15+s12], $0x3000, $0x38;
	[tilespmem:$0x1F000] =	vst v63  }
0x99: {  	_ =	swait.ge [sflag:s13], $0x3000  }
0x9a: {  	[sflag:s13] =	ssyncset.done $0x0  }
0x9b: {  	[sflag:s13] =	ssyncadd.s32 $0xFFFFD000  }
0x9c: {  	v5 =	vld.idx.msk [tilespmem:v5+s3+$0x0], $0xffff  }
0x9d: {  	v6 =	vadd.s32 v0, v7;
	_ =	sdelay $0x2  }
0x9e: {  	s9 =	simm.s32 $0x6020  }
0x9f: {  	[tilespmem:s9+$0xFFFFFFE0] =	vst v5  }
0xa0: {  	v5 =	vld.idx.msk [tilespmem:v6+s3+$0x0], $0xffff  }
0xa1: {  	v6 =	vadd.s32 v2, v7;
	_ =	sdelay $0x3  }
0xa2: {  	[tilespmem:s9+$0xFFFFFFF0] =	vst v5  }
0xa3: {  	v5 =	vld.idx.msk [tilespmem:v6+s3+$0x0], $0xffff  }
0xa4: {  	v6 =	vadd.s32 v3, v7;
	_ =	sdelay $0x3  }
0xa5: {  	[tilespmem:s9+$0x0] =	vst v5  }
0xa6: {  	v6 =	vld.idx.msk [tilespmem:v6+s3+$0x0], $0xffff  }
0xa7: {  	v5 =	vadd.s32 v4, v7  }
0xa8: {  	s17 =	simm.s32 $0x4  }
0xa9: {  	s11 =	simm.s32 $0x8;
	v7 =	vmov s17  }
.LBB2_4:
0xaa: {  	p0 =	sne.s32 s11, $0x1FC;
	v7 =	vmul.u32 $0x18, v7  }
0xab: {  	[tilespmem:s9+$0x10] =	vst v6  }
0xac: {  	v7 =	vbroadcast v7, $0x0;
	v5 =	vld.idx.msk [tilespmem:v5+s3+$0x0], $0xffff;
	_ =	sdelay $0x1  }
0xad: {  	v6 =	vor.u32 v1, v7;
	_ =	sdelay $0x3  }
0xae: {  	[tilespmem:s9+$0x20] =	vst v5  }
0xaf: {  	v5 =	vld.idx.msk [tilespmem:v6+s3+$0x0], $0xffff;
	_ =	sdelay $0x1  }
0xb0: {  	v6 =	vadd.s32 v0, v7;
	_ =	sdelay $0x2  }
0xb1: {  	s9 =	sadd.s32 $0x50, s9  }
0xb2: {  	[tilespmem:s9+$0xFFFFFFE0] =	vst v5  }
0xb3: {  	v5 =	vld.idx.msk [tilespmem:v6+s3+$0x0], $0xffff;
	_ =	sdelay $0x1  }
0xb4: {  	v6 =	vadd.s32 v2, v7;
	_ =	sdelay $0x3  }
0xb5: {  	[tilespmem:s9+$0xFFFFFFF0] =	vst v5  }
0xb6: {  	v5 =	vld.idx.msk [tilespmem:v6+s3+$0x0], $0xffff;
	_ =	sdelay $0x1  }
0xb7: {  	v6 =	vadd.s32 v3, v7;
	_ =	sdelay $0x3  }
0xb8: {  	[tilespmem:s9+$0x0] =	vst v5  }
.Ltmp3:
0xb9: {  	v6 =	vld.idx.msk [tilespmem:v6+s3+$0x0], $0xffff;
	(pc) =	sbr.rel @p0 .LBB2_4-.Ltmp3, $3  }
0xba: {  	_ = 	snop  }
0xbb: {  	v5 =	vadd.s32 v4, v7;
	_ =	sdelay $0x1  }
0xbc: {  	v7 =	vmov s11;
	s11 =	sadd.s32 $0x4, s11  }
0xbd: {  	_ = 	snop  }
0xbe: {  	v7 =	vmul.u32 $0x18, v7;
	_ =	sdelay $0x1  }
0xbf: {  	[tilespmem:s9+$0x10] =	vst v6;
	v6 =	vbroadcast v7, $0x0  }
0xc0: {  	v5 =	vld.idx.msk [tilespmem:v5+s3+$0x0], $0xffff  }
0xc1: {  	v7 =	vor.u32 v1, v6;
	_ =	sdelay $0x3  }
0xc2: {  	[tilespmem:s9+$0x20] =	vst v5  }
0xc3: {  	v5 =	vld.idx.msk [tilespmem:v7+s3+$0x0], $0xffff  }
0xc4: {  	v7 =	vadd.s32 v0, v6;
	_ =	sdelay $0x2  }
0xc5: {  	s14 =	sadd.s32 $0x50, s9  }
0xc6: {  	[tilespmem:s14+$0xFFFFFFE0] =	vst v5  }
0xc7: {  	v5 =	vld.idx.msk [tilespmem:v7+s3+$0x0], $0xffff  }
0xc8: {  	v7 =	vadd.s32 v2, v6;
	_ =	sdelay $0x3  }
0xc9: {  	[tilespmem:s14+$0xFFFFFFF0] =	vst v5  }
0xca: {  	v5 =	vld.idx.msk [tilespmem:v7+s3+$0x0], $0xffff  }
0xcb: {  	v7 =	vadd.s32 v3, v6;
	_ =	sdelay $0x3  }
0xcc: {  	[tilespmem:s14+$0x0] =	vst v5  }
0xcd: {  	v5 =	vld.idx.msk [tilespmem:v7+s3+$0x0], $0xffff  }
0xce: {  	v6 =	vadd.s32 v4, v6;
	_ =	sdelay $0x3  }
0xcf: {  	[tilespmem:s14+$0x10] =	vst v5  }
0xd0: {  	v5 =	vld.idx.msk [tilespmem:v6+s3+$0x0], $0xffff;
	_ =	sdelay $0x4  }
0xd1: {  	s12 =	simm.s32 $0x0;
	s15 =	rddreg [dreg:$0x6];
	[tilespmem:s14+$0x20] =	vst v5  }
0xd2: {  	[tilespmem:s18], [sflag:$0x1] =	stream.linear.gather [hbm4b:s15+s12], $0x1400, $0x38;
	[tilespmem:$0x1F000] =	vst v63  }
0xd3: {  	s17 =	simm.s32 $0x6000;
	s10 =	simm.s32 $0xC400  }
0xd4: {  	[tilespmem:s10], [sflag:$0x1] =	stream.indirect.gather [hbm4b:s4+s19], $0x80, s17, s19, $0xb8;
	[tilespmem:$0x1F000] =	vst v63  }
0xd5: {  	s11 =	simm.s32 $0x8800;
	s13 =	simm.s32 $0xEC00  }
0xd6: {  	[tilespmem:s13], [sflag:$0x1] =	stream.indirect.gather [hbm4b:s5+s19], $0x40, s11, s19, $0xb8;
	[tilespmem:$0x1F000] =	vst v63  }
0xd7: {  	s14 =	rddreg [dreg:$0x7]  }
0xd8: {  	[tilespmem:s24], [sflag:$0x3] =	stream.linear.gather [hbm4b:s14+s12], $0x1400, $0x38;
	[tilespmem:$0x1F000] =	vst v63  }
0xd9: {  	s15 =	simm.s32 $0x6050;
	s17 =	simm.s32 $0x11400  }
0xda: {  	[tilespmem:s17], [sflag:$0x3] =	stream.indirect.gather [hbm4b:s4+s19], $0x80, s15, s19, $0xb8;
	[tilespmem:$0x1F000] =	vst v63  }
0xdb: {  	s11 =	simm.s32 $0x8850;
	s13 =	simm.s32 $0x13C00  }
0xdc: {  	[tilespmem:s13], [sflag:$0x3] =	stream.indirect.gather [hbm4b:s5+s19], $0x40, s11, s19, $0xb8;
	[tilespmem:$0x1F000] =	vst v63  }
0xdd: {  	s14 =	rddreg [dreg:$0x8]  }
0xde: {  	[tilespmem:s30], [sflag:$0x5] =	stream.linear.gather [hbm4b:s14+s12], $0x1400, $0x38;
	[tilespmem:$0x1F000] =	vst v63  }
0xdf: {  	s15 =	simm.s32 $0x60A0  }
0xe0: {  	[tilespmem:s1], [sflag:$0x5] =	stream.indirect.gather [hbm4b:s4+s19], $0x80, s15, s19, $0xb8;
	[tilespmem:$0x1F000] =	vst v63  }
0xe1: {  	s17 =	simm.s32 $0x88A0  }
0xe2: {  	[tilespmem:s20], [sflag:$0x5] =	stream.indirect.gather [hbm4b:s5+s19], $0x40, s17, s19, $0xb8;
	[tilespmem:$0x1F000] =	vst v63  }
.LBB2_6:
0xe3: {  	_ =	swait.ge [sflag:s21], $0x1400  }
0xe4: {  	[sflag:s21] =	ssyncset.done $0x0  }
0xe5: {  	[sflag:s21] =	ssyncadd.s32 $0xFFFFEC00  }
0xe6: {  	_ =	swait.ge [sflag:s21], $0x2800  }
0xe7: {  	[sflag:s21] =	ssyncset.done $0x0  }
0xe8: {  	[sflag:s21] =	ssyncadd.s32 $0xFFFFD800  }
0xe9: {  	_ =	swait.ge [sflag:s21], $0x1400  }
0xea: {  	[sflag:s21] =	ssyncset.done $0x0  }
0xeb: {  	s11 =	simm.s32 $0xD800;
	[sflag:s21] =	ssyncadd.s32 $0xFFFFEC00  }
0xec: {  	s9 =	simm.s32 $0x0;
	v5 =	vld [tilespmem:s11+$0xFFFFEC00]  }
0xed: {  	v6 =	vld [tilespmem:s9+$0xEC00];
	_ =	sdelay $0x3  }
0xee: {  	[tilespmem:s9+$0xB000] =	vst.add.f32.msk $0xffff, v5  }
0xef: {  	[tilespmem:s9+$0xB000] =	vst.add.f32.msk $0xffff, v6  }
0xf0: {  	v5 =	vld [tilespmem:s11+$0xFFFFEC10]  }
0xf1: {  	v6 =	vld [tilespmem:s9+$0xEC10];
	_ =	sdelay $0x3  }
0xf2: {  	[tilespmem:s9+$0xB010] =	vst.add.f32.msk $0xffff, v5  }
0xf3: {  	[tilespmem:s9+$0xB010] =	vst.add.f32.msk $0xffff, v6  }
0xf4: {  	v5 =	vld [tilespmem:s11+$0xFFFFEC20]  }
0xf5: {  	s13 =	simm.s32 $0x100;
	v6 =	vld [tilespmem:s9+$0xEC20]  }
.LBB2_7:
0xf6: {  	p0 =	sne.s32 s13, $0x1300;
	_ =	sdelay $0x2  }
0xf7: {  	[tilespmem:s9+$0xB020] =	vst.add.f32.msk $0xffff, v5  }
0xf8: {  	[tilespmem:s9+$0xB020] =	vst.add.f32.msk $0xffff, v6  }
0xf9: {  	v5 =	vld [tilespmem:s11+$0xFFFFEC30]  }
0xfa: {  	v6 =	vld [tilespmem:s9+$0xEC30];
	_ =	sdelay $0x3  }
0xfb: {  	[tilespmem:s9+$0xB030] =	vst.add.f32.msk $0xffff, v5  }
0xfc: {  	[tilespmem:s9+$0xB030] =	vst.add.f32.msk $0xffff, v6  }
0xfd: {  	v5 =	vld [tilespmem:s11+$0xFFFFF600]  }
0xfe: {  	v6 =	vld [tilespmem:s9+$0xF100];
	_ =	sdelay $0x3  }
0xff: {  	[tilespmem:s9+$0xB500] =	vst.add.f32.msk $0xffff, v5  }
0x100: {  	[tilespmem:s9+$0xB500] =	vst.add.f32.msk $0xffff, v6  }
0x101: {  	v5 =	vld [tilespmem:s11+$0xFFFFF610]  }
0x102: {  	v6 =	vld [tilespmem:s9+$0xF110];
	_ =	sdelay $0x3  }
0x103: {  	[tilespmem:s9+$0xB510] =	vst.add.f32.msk $0xffff, v5  }
0x104: {  	[tilespmem:s9+$0xB510] =	vst.add.f32.msk $0xffff, v6  }
0x105: {  	v5 =	vld [tilespmem:s11+$0xFFFFF620]  }
0x106: {  	v6 =	vld [tilespmem:s9+$0xF120];
	_ =	sdelay $0x3  }
0x107: {  	[tilespmem:s9+$0xB520] =	vst.add.f32.msk $0xffff, v5  }
0x108: {  	[tilespmem:s9+$0xB520] =	vst.add.f32.msk $0xffff, v6  }
0x109: {  	v5 =	vld [tilespmem:s11+$0xFFFFF630]  }
0x10a: {  	v6 =	vld [tilespmem:s9+$0xF130];
	_ =	sdelay $0x3  }
0x10b: {  	[tilespmem:s9+$0xB530] =	vst.add.f32.msk $0xffff, v5  }
0x10c: {  	[tilespmem:s9+$0xB530] =	vst.add.f32.msk $0xffff, v6  }
0x10d: {  	v5 =	vld [tilespmem:s11+$0x0]  }
0x10e: {  	v6 =	vld [tilespmem:s9+$0xF600];
	_ =	sdelay $0x3  }
0x10f: {  	[tilespmem:s9+$0xBA00] =	vst.add.f32.msk $0xffff, v5  }
0x110: {  	[tilespmem:s9+$0xBA00] =	vst.add.f32.msk $0xffff, v6  }
0x111: {  	v5 =	vld [tilespmem:s11+$0x10]  }
0x112: {  	v6 =	vld [tilespmem:s9+$0xF610];
	_ =	sdelay $0x3  }
0x113: {  	[tilespmem:s9+$0xBA10] =	vst.add.f32.msk $0xffff, v5  }
0x114: {  	[tilespmem:s9+$0xBA10] =	vst.add.f32.msk $0xffff, v6  }
0x115: {  	v5 =	vld [tilespmem:s11+$0x20]  }
0x116: {  	v6 =	vld [tilespmem:s9+$0xF620];
	_ =	sdelay $0x3  }
0x117: {  	[tilespmem:s9+$0xBA20] =	vst.add.f32.msk $0xffff, v5  }
0x118: {  	[tilespmem:s9+$0xBA20] =	vst.add.f32.msk $0xffff, v6  }
0x119: {  	v5 =	vld [tilespmem:s11+$0x30]  }
0x11a: {  	v6 =	vld [tilespmem:s9+$0xF630];
	_ =	sdelay $0x3  }
0x11b: {  	[tilespmem:s9+$0xBA30] =	vst.add.f32.msk $0xffff, v5  }
0x11c: {  	[tilespmem:s9+$0xBA30] =	vst.add.f32.msk $0xffff, v6  }
0x11d: {  	v5 =	vld [tilespmem:s11+$0xA00]  }
0x11e: {  	v6 =	vld [tilespmem:s9+$0xFB00];
	_ =	sdelay $0x3  }
0x11f: {  	[tilespmem:s9+$0xBF00] =	vst.add.f32.msk $0xffff, v5  }
0x120: {  	[tilespmem:s9+$0xBF00] =	vst.add.f32.msk $0xffff, v6  }
0x121: {  	v5 =	vld [tilespmem:s11+$0xA10]  }
0x122: {  	v6 =	vld [tilespmem:s9+$0xFB10];
	_ =	sdelay $0x3  }
0x123: {  	[tilespmem:s9+$0xBF10] =	vst.add.f32.msk $0xffff, v5  }
0x124: {  	[tilespmem:s9+$0xBF10] =	vst.add.f32.msk $0xffff, v6  }
0x125: {  	v5 =	vld [tilespmem:s11+$0xA20]  }
0x126: {  	v6 =	vld [tilespmem:s9+$0xFB20];
	_ =	sdelay $0x3  }
0x127: {  	[tilespmem:s9+$0xBF20] =	vst.add.f32.msk $0xffff, v5  }
0x128: {  	[tilespmem:s9+$0xBF20] =	vst.add.f32.msk $0xffff, v6  }
0x129: {  	v5 =	vld [tilespmem:s11+$0xA30]  }
0x12a: {  	v6 =	vld [tilespmem:s9+$0xFB30];
	_ =	sdelay $0x3  }
0x12b: {  	[tilespmem:s9+$0xBF30] =	vst.add.f32.msk $0xffff, v5  }
0x12c: {  	s11 =	sadd.s32 $0x80, s11;
	[tilespmem:s9+$0xBF30] =	vst.add.f32.msk $0xffff, v6  }
0x12d: {  	s9 =	sshra.s32 s13, $0x2;
	v5 =	vld [tilespmem:s11+$0xFFFFEC00]  }
0x12e: {  	v6 =	vld [tilespmem:s9+$0xEC00];
	_ =	sdelay $0x3  }
0x12f: {  	[tilespmem:s9+$0xB000] =	vst.add.f32.msk $0xffff, v5  }
0x130: {  	[tilespmem:s9+$0xB000] =	vst.add.f32.msk $0xffff, v6  }
0x131: {  	v5 =	vld [tilespmem:s11+$0xFFFFEC10]  }
0x132: {  	v6 =	vld [tilespmem:s9+$0xEC10];
	_ =	sdelay $0x2  }
.Ltmp4:
0x133: {  	(pc) =	sbr.rel @p0 .LBB2_7-.Ltmp4, $4  }
0x134: {  	[tilespmem:s9+$0xB010] =	vst.add.f32.msk $0xffff, v5  }
0x135: {  	[tilespmem:s9+$0xB010] =	vst.add.f32.msk $0xffff, v6  }
0x136: {  	v5 =	vld [tilespmem:s11+$0xFFFFEC20]  }
0x137: {  	s13 =	sadd.s32 $0x100, s13;
	v6 =	vld [tilespmem:s9+$0xEC20]  }
0x138: {  	_ =	sdelay $0x2  }
0x139: {  	[tilespmem:s9+$0xB020] =	vst.add.f32.msk $0xffff, v5  }
0x13a: {  	[tilespmem:s9+$0xB020] =	vst.add.f32.msk $0xffff, v6  }
0x13b: {  	v5 =	vld [tilespmem:s11+$0xFFFFEC30]  }
0x13c: {  	v6 =	vld [tilespmem:s9+$0xEC30];
	_ =	sdelay $0x3  }
0x13d: {  	[tilespmem:s9+$0xB030] =	vst.add.f32.msk $0xffff, v5  }
0x13e: {  	[tilespmem:s9+$0xB030] =	vst.add.f32.msk $0xffff, v6  }
0x13f: {  	v5 =	vld [tilespmem:s11+$0xFFFFF600]  }
0x140: {  	v6 =	vld [tilespmem:s9+$0xF100];
	_ =	sdelay $0x3  }
0x141: {  	[tilespmem:s9+$0xB500] =	vst.add.f32.msk $0xffff, v5  }
0x142: {  	[tilespmem:s9+$0xB500] =	vst.add.f32.msk $0xffff, v6  }
0x143: {  	v5 =	vld [tilespmem:s11+$0xFFFFF610]  }
0x144: {  	v6 =	vld [tilespmem:s9+$0xF110];
	_ =	sdelay $0x3  }
0x145: {  	[tilespmem:s9+$0xB510] =	vst.add.f32.msk $0xffff, v5  }
0x146: {  	[tilespmem:s9+$0xB510] =	vst.add.f32.msk $0xffff, v6  }
0x147: {  	v5 =	vld [tilespmem:s11+$0xFFFFF620]  }
0x148: {  	v6 =	vld [tilespmem:s9+$0xF120];
	_ =	sdelay $0x3  }
0x149: {  	[tilespmem:s9+$0xB520] =	vst.add.f32.msk $0xffff, v5  }
0x14a: {  	[tilespmem:s9+$0xB520] =	vst.add.f32.msk $0xffff, v6  }
0x14b: {  	v5 =	vld [tilespmem:s11+$0xFFFFF630]  }
0x14c: {  	v6 =	vld [tilespmem:s9+$0xF130];
	_ =	sdelay $0x3  }
0x14d: {  	[tilespmem:s9+$0xB530] =	vst.add.f32.msk $0xffff, v5  }
0x14e: {  	[tilespmem:s9+$0xB530] =	vst.add.f32.msk $0xffff, v6  }
0x14f: {  	v5 =	vld [tilespmem:s11+$0x0]  }
0x150: {  	v6 =	vld [tilespmem:s9+$0xF600];
	_ =	sdelay $0x3  }
0x151: {  	[tilespmem:s9+$0xBA00] =	vst.add.f32.msk $0xffff, v5  }
0x152: {  	[tilespmem:s9+$0xBA00] =	vst.add.f32.msk $0xffff, v6  }
0x153: {  	v5 =	vld [tilespmem:s11+$0x10]  }
0x154: {  	v6 =	vld [tilespmem:s9+$0xF610];
	_ =	sdelay $0x3  }
0x155: {  	[tilespmem:s9+$0xBA10] =	vst.add.f32.msk $0xffff, v5  }
0x156: {  	[tilespmem:s9+$0xBA10] =	vst.add.f32.msk $0xffff, v6  }
0x157: {  	v5 =	vld [tilespmem:s11+$0x20]  }
0x158: {  	v6 =	vld [tilespmem:s9+$0xF620];
	_ =	sdelay $0x3  }
0x159: {  	[tilespmem:s9+$0xBA20] =	vst.add.f32.msk $0xffff, v5  }
0x15a: {  	[tilespmem:s9+$0xBA20] =	vst.add.f32.msk $0xffff, v6  }
0x15b: {  	v5 =	vld [tilespmem:s11+$0x30]  }
0x15c: {  	v6 =	vld [tilespmem:s9+$0xF630];
	_ =	sdelay $0x3  }
0x15d: {  	[tilespmem:s9+$0xBA30] =	vst.add.f32.msk $0xffff, v5  }
0x15e: {  	[tilespmem:s9+$0xBA30] =	vst.add.f32.msk $0xffff, v6  }
0x15f: {  	v5 =	vld [tilespmem:s11+$0xA00]  }
0x160: {  	v6 =	vld [tilespmem:s9+$0xFB00];
	_ =	sdelay $0x3  }
0x161: {  	[tilespmem:s9+$0xBF00] =	vst.add.f32.msk $0xffff, v5  }
0x162: {  	[tilespmem:s9+$0xBF00] =	vst.add.f32.msk $0xffff, v6  }
0x163: {  	v5 =	vld [tilespmem:s11+$0xA10]  }
0x164: {  	v6 =	vld [tilespmem:s9+$0xFB10];
	_ =	sdelay $0x3  }
0x165: {  	[tilespmem:s9+$0xBF10] =	vst.add.f32.msk $0xffff, v5  }
0x166: {  	[tilespmem:s9+$0xBF10] =	vst.add.f32.msk $0xffff, v6  }
0x167: {  	v5 =	vld [tilespmem:s11+$0xA20]  }
0x168: {  	v6 =	vld [tilespmem:s9+$0xFB20];
	_ =	sdelay $0x3  }
0x169: {  	[tilespmem:s9+$0xBF20] =	vst.add.f32.msk $0xffff, v5  }
0x16a: {  	[tilespmem:s9+$0xBF20] =	vst.add.f32.msk $0xffff, v6  }
0x16b: {  	v5 =	vld [tilespmem:s11+$0xA30]  }
0x16c: {  	v6 =	vld [tilespmem:s9+$0xFB30]  }
0x16d: {  	s11 =	sshll.u32 s12, $0x4  }
0x16e: {  	s13 =	sadd.s32 s7, s11  }
0x16f: {  	s13 =	smul.u32 $0xA0, s13  }
0x170: {  	[tilespmem:s9+$0xBF30] =	vst.add.f32.msk $0xffff, v5  }
0x171: {  	s15 =	sadd.s32 s6, s13;
	[tilespmem:s9+$0xBF30] =	vst.add.f32.msk $0xffff, v6;
	s9 =	sshllo.u32 s12, $0x2  }
0x172: {  	[hbm4b:s15+s3] =	stream.linear.scatter [tilespmem:s18], [sflag:$0x2], $0x1400, $0x38;
	[tilespmem:$0x1F000] =	vst v63  }
0x173: {  	p0 =	seq.s32 s12, $0x0;
	s17 =	sshll.u32 s9, $0x2  }
0x174: {  	s14 =	simm.s32 @!p0 $0x8;
	s13 =	sadd.s32 s7, s17  }
0x175: {  	_ =	swait.ge @!p0 [sflag:s14], $0x1400;
	s13 =	smul.u32 $0xA0, s13  }
0x176: {  	s15 =	simm.s32 $0x0;
	[sflag:s14] =	ssyncset.done @!p0 $0x0  }
0x177: {  	s9 =	smul.u32 $0x50, s9;
	[sflag:s14] =	ssyncadd.s32 @!p0 $0xFFFFEC00;
	s10 =	sadd.s32 s2, s13  }
0x178: {  	[tilespmem:s22], [sflag:$0x7] =	stream.linear.gather [hbm4b:s10+s15], $0x1400, $0x38;
	[tilespmem:$0x1F000] =	vst v63  }
0x179: {  	s17 =	sadd.s32 $0x6000, s9  }
0x17a: {  	[tilespmem:s23], [sflag:$0x7] =	stream.indirect.gather [hbm4b:s4+s19], $0x80, s17, s19, $0xb8;
	[tilespmem:$0x1F000] =	vst v63  }
0x17b: {  	s9 =	sadd.s32 $0x8800, s9  }
0x17c: {  	[tilespmem:s25], [sflag:$0x7] =	stream.indirect.gather [hbm4b:s5+s19], $0x40, s9, s19, $0xb8;
	[tilespmem:$0x1F000] =	vst v63  }
0x17d: {  	_ =	swait.ge [sflag:s26], $0x1400  }
0x17e: {  	[sflag:s26] =	ssyncset.done $0x0  }
0x17f: {  	[sflag:s26] =	ssyncadd.s32 $0xFFFFEC00  }
0x180: {  	_ =	swait.ge [sflag:s26], $0x2800  }
0x181: {  	[sflag:s26] =	ssyncset.done $0x0  }
0x182: {  	[sflag:s26] =	ssyncadd.s32 $0xFFFFD800  }
0x183: {  	_ =	swait.ge [sflag:s26], $0x1400  }
0x184: {  	[sflag:s26] =	ssyncset.done $0x0  }
0x185: {  	s15 =	simm.s32 $0x12800;
	[sflag:s26] =	ssyncadd.s32 $0xFFFFEC00  }
0x186: {  	s9 =	simm.s32 $0x0;
	v5 =	vld [tilespmem:s15+$0xFFFFEC00]  }
0x187: {  	v6 =	vld [tilespmem:s9+$0x13C00];
	_ =	sdelay $0x3  }
0x188: {  	[tilespmem:s9+$0x10000] =	vst.add.f32.msk $0xffff, v5  }
0x189: {  	[tilespmem:s9+$0x10000] =	vst.add.f32.msk $0xffff, v6  }
0x18a: {  	v5 =	vld [tilespmem:s15+$0xFFFFEC10]  }
0x18b: {  	v6 =	vld [tilespmem:s9+$0x13C10];
	_ =	sdelay $0x3  }
0x18c: {  	[tilespmem:s9+$0x10010] =	vst.add.f32.msk $0xffff, v5  }
0x18d: {  	[tilespmem:s9+$0x10010] =	vst.add.f32.msk $0xffff, v6  }
0x18e: {  	v5 =	vld [tilespmem:s15+$0xFFFFEC20]  }
0x18f: {  	s14 =	simm.s32 $0x100;
	s17 =	sshll.u32 s12, $0x2;
	v6 =	vld [tilespmem:s9+$0x13C20]  }
.LBB2_9:
0x190: {  	p0 =	sne.s32 s14, $0x1300;
	_ =	sdelay $0x2  }
0x191: {  	[tilespmem:s9+$0x10020] =	vst.add.f32.msk $0xffff, v5  }
0x192: {  	[tilespmem:s9+$0x10020] =	vst.add.f32.msk $0xffff, v6  }
0x193: {  	v5 =	vld [tilespmem:s15+$0xFFFFEC30]  }
0x194: {  	v6 =	vld [tilespmem:s9+$0x13C30];
	_ =	sdelay $0x3  }
0x195: {  	[tilespmem:s9+$0x10030] =	vst.add.f32.msk $0xffff, v5  }
0x196: {  	[tilespmem:s9+$0x10030] =	vst.add.f32.msk $0xffff, v6  }
0x197: {  	v5 =	vld [tilespmem:s15+$0xFFFFF600]  }
0x198: {  	v6 =	vld [tilespmem:s9+$0x14100];
	_ =	sdelay $0x3  }
0x199: {  	[tilespmem:s9+$0x10500] =	vst.add.f32.msk $0xffff, v5  }
0x19a: {  	[tilespmem:s9+$0x10500] =	vst.add.f32.msk $0xffff, v6  }
0x19b: {  	v5 =	vld [tilespmem:s15+$0xFFFFF610]  }
0x19c: {  	v6 =	vld [tilespmem:s9+$0x14110];
	_ =	sdelay $0x3  }
0x19d: {  	[tilespmem:s9+$0x10510] =	vst.add.f32.msk $0xffff, v5  }
0x19e: {  	[tilespmem:s9+$0x10510] =	vst.add.f32.msk $0xffff, v6  }
0x19f: {  	v5 =	vld [tilespmem:s15+$0xFFFFF620]  }
0x1a0: {  	v6 =	vld [tilespmem:s9+$0x14120];
	_ =	sdelay $0x3  }
0x1a1: {  	[tilespmem:s9+$0x10520] =	vst.add.f32.msk $0xffff, v5  }
0x1a2: {  	[tilespmem:s9+$0x10520] =	vst.add.f32.msk $0xffff, v6  }
0x1a3: {  	v5 =	vld [tilespmem:s15+$0xFFFFF630]  }
0x1a4: {  	v6 =	vld [tilespmem:s9+$0x14130];
	_ =	sdelay $0x3  }
0x1a5: {  	[tilespmem:s9+$0x10530] =	vst.add.f32.msk $0xffff, v5  }
0x1a6: {  	[tilespmem:s9+$0x10530] =	vst.add.f32.msk $0xffff, v6  }
0x1a7: {  	v5 =	vld [tilespmem:s15+$0x0]  }
0x1a8: {  	v6 =	vld [tilespmem:s9+$0x14600];
	_ =	sdelay $0x3  }
0x1a9: {  	[tilespmem:s9+$0x10A00] =	vst.add.f32.msk $0xffff, v5  }
0x1aa: {  	[tilespmem:s9+$0x10A00] =	vst.add.f32.msk $0xffff, v6  }
0x1ab: {  	v5 =	vld [tilespmem:s15+$0x10]  }
0x1ac: {  	v6 =	vld [tilespmem:s9+$0x14610];
	_ =	sdelay $0x3  }
0x1ad: {  	[tilespmem:s9+$0x10A10] =	vst.add.f32.msk $0xffff, v5  }
0x1ae: {  	[tilespmem:s9+$0x10A10] =	vst.add.f32.msk $0xffff, v6  }
0x1af: {  	v5 =	vld [tilespmem:s15+$0x20]  }
0x1b0: {  	v6 =	vld [tilespmem:s9+$0x14620];
	_ =	sdelay $0x3  }
0x1b1: {  	[tilespmem:s9+$0x10A20] =	vst.add.f32.msk $0xffff, v5  }
0x1b2: {  	[tilespmem:s9+$0x10A20] =	vst.add.f32.msk $0xffff, v6  }
0x1b3: {  	v5 =	vld [tilespmem:s15+$0x30]  }
0x1b4: {  	v6 =	vld [tilespmem:s9+$0x14630];
	_ =	sdelay $0x3  }
0x1b5: {  	[tilespmem:s9+$0x10A30] =	vst.add.f32.msk $0xffff, v5  }
0x1b6: {  	[tilespmem:s9+$0x10A30] =	vst.add.f32.msk $0xffff, v6  }
0x1b7: {  	v5 =	vld [tilespmem:s15+$0xA00]  }
0x1b8: {  	v6 =	vld [tilespmem:s9+$0x14B00];
	_ =	sdelay $0x3  }
0x1b9: {  	[tilespmem:s9+$0x10F00] =	vst.add.f32.msk $0xffff, v5  }
0x1ba: {  	[tilespmem:s9+$0x10F00] =	vst.add.f32.msk $0xffff, v6  }
0x1bb: {  	v5 =	vld [tilespmem:s15+$0xA10]  }
0x1bc: {  	v6 =	vld [tilespmem:s9+$0x14B10];
	_ =	sdelay $0x3  }
0x1bd: {  	[tilespmem:s9+$0x10F10] =	vst.add.f32.msk $0xffff, v5  }
0x1be: {  	[tilespmem:s9+$0x10F10] =	vst.add.f32.msk $0xffff, v6  }
0x1bf: {  	v5 =	vld [tilespmem:s15+$0xA20]  }
0x1c0: {  	v6 =	vld [tilespmem:s9+$0x14B20];
	_ =	sdelay $0x3  }
0x1c1: {  	[tilespmem:s9+$0x10F20] =	vst.add.f32.msk $0xffff, v5  }
0x1c2: {  	[tilespmem:s9+$0x10F20] =	vst.add.f32.msk $0xffff, v6  }
0x1c3: {  	v5 =	vld [tilespmem:s15+$0xA30]  }
0x1c4: {  	v6 =	vld [tilespmem:s9+$0x14B30];
	_ =	sdelay $0x3  }
0x1c5: {  	[tilespmem:s9+$0x10F30] =	vst.add.f32.msk $0xffff, v5  }
0x1c6: {  	s15 =	sadd.s32 $0x80, s15;
	[tilespmem:s9+$0x10F30] =	vst.add.f32.msk $0xffff, v6  }
0x1c7: {  	s9 =	sshra.s32 s14, $0x2;
	v5 =	vld [tilespmem:s15+$0xFFFFEC00]  }
0x1c8: {  	v6 =	vld [tilespmem:s9+$0x13C00];
	_ =	sdelay $0x3  }
0x1c9: {  	[tilespmem:s9+$0x10000] =	vst.add.f32.msk $0xffff, v5  }
0x1ca: {  	[tilespmem:s9+$0x10000] =	vst.add.f32.msk $0xffff, v6  }
0x1cb: {  	v5 =	vld [tilespmem:s15+$0xFFFFEC10]  }
0x1cc: {  	v6 =	vld [tilespmem:s9+$0x13C10];
	_ =	sdelay $0x2  }
.Ltmp5:
0x1cd: {  	(pc) =	sbr.rel @p0 .LBB2_9-.Ltmp5, $4  }
0x1ce: {  	[tilespmem:s9+$0x10010] =	vst.add.f32.msk $0xffff, v5  }
0x1cf: {  	[tilespmem:s9+$0x10010] =	vst.add.f32.msk $0xffff, v6  }
0x1d0: {  	v5 =	vld [tilespmem:s15+$0xFFFFEC20]  }
0x1d1: {  	s14 =	sadd.s32 $0x100, s14;
	v6 =	vld [tilespmem:s9+$0x13C20]  }
0x1d2: {  	_ =	sdelay $0x2  }
0x1d3: {  	[tilespmem:s9+$0x10020] =	vst.add.f32.msk $0xffff, v5  }
0x1d4: {  	[tilespmem:s9+$0x10020] =	vst.add.f32.msk $0xffff, v6  }
0x1d5: {  	v5 =	vld [tilespmem:s15+$0xFFFFEC30]  }
0x1d6: {  	v6 =	vld [tilespmem:s9+$0x13C30];
	_ =	sdelay $0x3  }
0x1d7: {  	[tilespmem:s9+$0x10030] =	vst.add.f32.msk $0xffff, v5  }
0x1d8: {  	[tilespmem:s9+$0x10030] =	vst.add.f32.msk $0xffff, v6  }
0x1d9: {  	v5 =	vld [tilespmem:s15+$0xFFFFF600]  }
0x1da: {  	v6 =	vld [tilespmem:s9+$0x14100];
	_ =	sdelay $0x3  }
0x1db: {  	[tilespmem:s9+$0x10500] =	vst.add.f32.msk $0xffff, v5  }
0x1dc: {  	[tilespmem:s9+$0x10500] =	vst.add.f32.msk $0xffff, v6  }
0x1dd: {  	v5 =	vld [tilespmem:s15+$0xFFFFF610]  }
0x1de: {  	v6 =	vld [tilespmem:s9+$0x14110];
	_ =	sdelay $0x3  }
0x1df: {  	[tilespmem:s9+$0x10510] =	vst.add.f32.msk $0xffff, v5  }
0x1e0: {  	[tilespmem:s9+$0x10510] =	vst.add.f32.msk $0xffff, v6  }
0x1e1: {  	v5 =	vld [tilespmem:s15+$0xFFFFF620]  }
0x1e2: {  	v6 =	vld [tilespmem:s9+$0x14120];
	_ =	sdelay $0x3  }
0x1e3: {  	[tilespmem:s9+$0x10520] =	vst.add.f32.msk $0xffff, v5  }
0x1e4: {  	[tilespmem:s9+$0x10520] =	vst.add.f32.msk $0xffff, v6  }
0x1e5: {  	v5 =	vld [tilespmem:s15+$0xFFFFF630]  }
0x1e6: {  	v6 =	vld [tilespmem:s9+$0x14130];
	_ =	sdelay $0x3  }
0x1e7: {  	[tilespmem:s9+$0x10530] =	vst.add.f32.msk $0xffff, v5  }
0x1e8: {  	[tilespmem:s9+$0x10530] =	vst.add.f32.msk $0xffff, v6  }
0x1e9: {  	v5 =	vld [tilespmem:s15+$0x0]  }
0x1ea: {  	v6 =	vld [tilespmem:s9+$0x14600];
	_ =	sdelay $0x3  }
0x1eb: {  	[tilespmem:s9+$0x10A00] =	vst.add.f32.msk $0xffff, v5  }
0x1ec: {  	[tilespmem:s9+$0x10A00] =	vst.add.f32.msk $0xffff, v6  }
0x1ed: {  	v5 =	vld [tilespmem:s15+$0x10]  }
0x1ee: {  	v6 =	vld [tilespmem:s9+$0x14610];
	_ =	sdelay $0x3  }
0x1ef: {  	[tilespmem:s9+$0x10A10] =	vst.add.f32.msk $0xffff, v5  }
0x1f0: {  	[tilespmem:s9+$0x10A10] =	vst.add.f32.msk $0xffff, v6  }
0x1f1: {  	v5 =	vld [tilespmem:s15+$0x20]  }
0x1f2: {  	v6 =	vld [tilespmem:s9+$0x14620];
	_ =	sdelay $0x3  }
0x1f3: {  	[tilespmem:s9+$0x10A20] =	vst.add.f32.msk $0xffff, v5  }
0x1f4: {  	[tilespmem:s9+$0x10A20] =	vst.add.f32.msk $0xffff, v6  }
0x1f5: {  	v5 =	vld [tilespmem:s15+$0x30]  }
0x1f6: {  	v6 =	vld [tilespmem:s9+$0x14630];
	_ =	sdelay $0x3  }
0x1f7: {  	[tilespmem:s9+$0x10A30] =	vst.add.f32.msk $0xffff, v5  }
0x1f8: {  	[tilespmem:s9+$0x10A30] =	vst.add.f32.msk $0xffff, v6  }
0x1f9: {  	v5 =	vld [tilespmem:s15+$0xA00]  }
0x1fa: {  	v6 =	vld [tilespmem:s9+$0x14B00];
	_ =	sdelay $0x3  }
0x1fb: {  	[tilespmem:s9+$0x10F00] =	vst.add.f32.msk $0xffff, v5  }
0x1fc: {  	[tilespmem:s9+$0x10F00] =	vst.add.f32.msk $0xffff, v6  }
0x1fd: {  	v5 =	vld [tilespmem:s15+$0xA10]  }
0x1fe: {  	v6 =	vld [tilespmem:s9+$0x14B10];
	_ =	sdelay $0x3  }
0x1ff: {  	[tilespmem:s9+$0x10F10] =	vst.add.f32.msk $0xffff, v5  }
0x200: {  	[tilespmem:s9+$0x10F10] =	vst.add.f32.msk $0xffff, v6  }
0x201: {  	v5 =	vld [tilespmem:s15+$0xA20]  }
0x202: {  	v6 =	vld [tilespmem:s9+$0x14B20];
	_ =	sdelay $0x3  }
0x203: {  	[tilespmem:s9+$0x10F20] =	vst.add.f32.msk $0xffff, v5  }
0x204: {  	[tilespmem:s9+$0x10F20] =	vst.add.f32.msk $0xffff, v6  }
0x205: {  	v5 =	vld [tilespmem:s15+$0xA30]  }
0x206: {  	v6 =	vld [tilespmem:s9+$0x14B30]  }
0x207: {  	s11 =	sadd.s32 s11, s7  }
0x208: {  	s11 =	smul.u32 $0xA0, s11;
	_ =	sdelay $0x1  }
0x209: {  	p0 =	seq.s32 s12, $0x1F;
	s11 =	sadd.s32 s6, s11;
	[tilespmem:s9+$0x10F30] =	vst.add.f32.msk $0xffff, v5  }
0x20a: {  	s15 =	sadd.s32 $0x280, s11;
	[tilespmem:s9+$0x10F30] =	vst.add.f32.msk $0xffff, v6;
	s9 =	sadd.s32 @!p0 $0x4, s17  }
0x20b: {  	[hbm4b:s15+s3] =	stream.linear.scatter [tilespmem:s24], [sflag:$0x4], $0x1400, $0x38;
	[tilespmem:$0x1F000] =	vst v63  }
0x20c: {  	s14 =	sshll.u32 @!p0 s9, $0x2  }
0x20d: {  	s14 =	sadd.s32 @!p0 s7, s14  }
0x20e: {  	_ =	swait.ge [sflag:s28], $0x1400;
	s14 =	smul.u32 @!p0 $0xA0, s14  }
0x20f: {  	s10 =	simm.s32 @!p0 $0xB000;
	s15 =	simm.s32 @!p0 $0x0;
	[sflag:s28] =	ssyncset.done $0x0  }
0x210: {  	s9 =	smul.u32 @!p0 $0x50, s9;
	[sflag:s28] =	ssyncadd.s32 $0xFFFFEC00;
	s14 =	sadd.s32 @!p0 s2, s14  }
0x211: {  	[tilespmem:s10], [sflag:$0x1] =	stream.linear.gather @!p0 [hbm4b:s14+s15], $0x1400, $0x38;
	[tilespmem:$0x1F000] =	vst v63  }
0x212: {  	s10 =	sadd.s32 @!p0 $0x6000, s9;
	s14 =	simm.s32 @!p0 $0x50;
	s15 =	simm.s32 @!p0 $0xC400  }
0x213: {  	[tilespmem:s15], [sflag:$0x1] =	stream.indirect.gather @!p0 [hbm4b:s4+s14], $0x80, s10, s14, $0xb8;
	[tilespmem:$0x1F000] =	vst v63  }
0x214: {  	s9 =	sadd.s32 @!p0 $0x8800, s9;
	s10 =	simm.s32 @!p0 $0xEC00  }
0x215: {  	[tilespmem:s10], [sflag:$0x1] =	stream.indirect.gather @!p0 [hbm4b:s5+s14], $0x40, s9, s14, $0xb8;
	[tilespmem:$0x1F000] =	vst v63  }
0x216: {  	_ =	swait.ge [sflag:s29], $0x1400  }
0x217: {  	[sflag:s29] =	ssyncset.done $0x0  }
0x218: {  	[sflag:s29] =	ssyncadd.s32 $0xFFFFEC00  }
0x219: {  	_ =	swait.ge [sflag:s29], $0x2800  }
0x21a: {  	[sflag:s29] =	ssyncset.done $0x0  }
0x21b: {  	[sflag:s29] =	ssyncadd.s32 $0xFFFFD800  }
0x21c: {  	_ =	swait.ge [sflag:s29], $0x1400  }
0x21d: {  	[sflag:s29] =	ssyncset.done $0x0  }
0x21e: {  	s9 =	simm.s32 $0x17800;
	[sflag:s29] =	ssyncadd.s32 $0xFFFFEC00  }
0x21f: {  	s15 =	simm.s32 $0x0;
	v5 =	vld [tilespmem:s9+$0xFFFFEC00]  }
0x220: {  	v6 =	vld [tilespmem:s15+$0x18C00];
	_ =	sdelay $0x3  }
0x221: {  	[tilespmem:s15+$0x15000] =	vst.add.f32.msk $0xffff, v5  }
0x222: {  	[tilespmem:s15+$0x15000] =	vst.add.f32.msk $0xffff, v6  }
0x223: {  	v5 =	vld [tilespmem:s9+$0xFFFFEC10]  }
0x224: {  	v6 =	vld [tilespmem:s15+$0x18C10];
	_ =	sdelay $0x3  }
0x225: {  	[tilespmem:s15+$0x15010] =	vst.add.f32.msk $0xffff, v5  }
0x226: {  	[tilespmem:s15+$0x15010] =	vst.add.f32.msk $0xffff, v6  }
0x227: {  	v5 =	vld [tilespmem:s9+$0xFFFFEC20]  }
0x228: {  	s14 =	simm.s32 $0x100;
	v6 =	vld [tilespmem:s15+$0x18C20]  }
.LBB2_11:
0x229: {  	p1 =	sne.s32 s14, $0x1300;
	_ =	sdelay $0x2  }
0x22a: {  	[tilespmem:s15+$0x15020] =	vst.add.f32.msk $0xffff, v5  }
0x22b: {  	[tilespmem:s15+$0x15020] =	vst.add.f32.msk $0xffff, v6  }
0x22c: {  	v5 =	vld [tilespmem:s9+$0xFFFFEC30]  }
0x22d: {  	v6 =	vld [tilespmem:s15+$0x18C30];
	_ =	sdelay $0x3  }
0x22e: {  	[tilespmem:s15+$0x15030] =	vst.add.f32.msk $0xffff, v5  }
0x22f: {  	[tilespmem:s15+$0x15030] =	vst.add.f32.msk $0xffff, v6  }
0x230: {  	v5 =	vld [tilespmem:s9+$0xFFFFF600]  }
0x231: {  	v6 =	vld [tilespmem:s15+$0x19100];
	_ =	sdelay $0x3  }
0x232: {  	[tilespmem:s15+$0x15500] =	vst.add.f32.msk $0xffff, v5  }
0x233: {  	[tilespmem:s15+$0x15500] =	vst.add.f32.msk $0xffff, v6  }
0x234: {  	v5 =	vld [tilespmem:s9+$0xFFFFF610]  }
0x235: {  	v6 =	vld [tilespmem:s15+$0x19110];
	_ =	sdelay $0x3  }
0x236: {  	[tilespmem:s15+$0x15510] =	vst.add.f32.msk $0xffff, v5  }
0x237: {  	[tilespmem:s15+$0x15510] =	vst.add.f32.msk $0xffff, v6  }
0x238: {  	v5 =	vld [tilespmem:s9+$0xFFFFF620]  }
0x239: {  	v6 =	vld [tilespmem:s15+$0x19120];
	_ =	sdelay $0x3  }
0x23a: {  	[tilespmem:s15+$0x15520] =	vst.add.f32.msk $0xffff, v5  }
0x23b: {  	[tilespmem:s15+$0x15520] =	vst.add.f32.msk $0xffff, v6  }
0x23c: {  	v5 =	vld [tilespmem:s9+$0xFFFFF630]  }
0x23d: {  	v6 =	vld [tilespmem:s15+$0x19130];
	_ =	sdelay $0x3  }
0x23e: {  	[tilespmem:s15+$0x15530] =	vst.add.f32.msk $0xffff, v5  }
0x23f: {  	[tilespmem:s15+$0x15530] =	vst.add.f32.msk $0xffff, v6  }
0x240: {  	v5 =	vld [tilespmem:s9+$0x0]  }
0x241: {  	v6 =	vld [tilespmem:s15+$0x19600];
	_ =	sdelay $0x3  }
0x242: {  	[tilespmem:s15+$0x15A00] =	vst.add.f32.msk $0xffff, v5  }
0x243: {  	[tilespmem:s15+$0x15A00] =	vst.add.f32.msk $0xffff, v6  }
0x244: {  	v5 =	vld [tilespmem:s9+$0x10]  }
0x245: {  	v6 =	vld [tilespmem:s15+$0x19610];
	_ =	sdelay $0x3  }
0x246: {  	[tilespmem:s15+$0x15A10] =	vst.add.f32.msk $0xffff, v5  }
0x247: {  	[tilespmem:s15+$0x15A10] =	vst.add.f32.msk $0xffff, v6  }
0x248: {  	v5 =	vld [tilespmem:s9+$0x20]  }
0x249: {  	v6 =	vld [tilespmem:s15+$0x19620];
	_ =	sdelay $0x3  }
0x24a: {  	[tilespmem:s15+$0x15A20] =	vst.add.f32.msk $0xffff, v5  }
0x24b: {  	[tilespmem:s15+$0x15A20] =	vst.add.f32.msk $0xffff, v6  }
0x24c: {  	v5 =	vld [tilespmem:s9+$0x30]  }
0x24d: {  	v6 =	vld [tilespmem:s15+$0x19630];
	_ =	sdelay $0x3  }
0x24e: {  	[tilespmem:s15+$0x15A30] =	vst.add.f32.msk $0xffff, v5  }
0x24f: {  	[tilespmem:s15+$0x15A30] =	vst.add.f32.msk $0xffff, v6  }
0x250: {  	v5 =	vld [tilespmem:s9+$0xA00]  }
0x251: {  	v6 =	vld [tilespmem:s15+$0x19B00];
	_ =	sdelay $0x3  }
0x252: {  	[tilespmem:s15+$0x15F00] =	vst.add.f32.msk $0xffff, v5  }
0x253: {  	[tilespmem:s15+$0x15F00] =	vst.add.f32.msk $0xffff, v6  }
0x254: {  	v5 =	vld [tilespmem:s9+$0xA10]  }
0x255: {  	v6 =	vld [tilespmem:s15+$0x19B10];
	_ =	sdelay $0x3  }
0x256: {  	[tilespmem:s15+$0x15F10] =	vst.add.f32.msk $0xffff, v5  }
0x257: {  	[tilespmem:s15+$0x15F10] =	vst.add.f32.msk $0xffff, v6  }
0x258: {  	v5 =	vld [tilespmem:s9+$0xA20]  }
0x259: {  	v6 =	vld [tilespmem:s15+$0x19B20];
	_ =	sdelay $0x3  }
0x25a: {  	[tilespmem:s15+$0x15F20] =	vst.add.f32.msk $0xffff, v5  }
0x25b: {  	[tilespmem:s15+$0x15F20] =	vst.add.f32.msk $0xffff, v6  }
0x25c: {  	v5 =	vld [tilespmem:s9+$0xA30]  }
0x25d: {  	v6 =	vld [tilespmem:s15+$0x19B30];
	_ =	sdelay $0x3  }
0x25e: {  	[tilespmem:s15+$0x15F30] =	vst.add.f32.msk $0xffff, v5  }
0x25f: {  	s9 =	sadd.s32 $0x80, s9;
	[tilespmem:s15+$0x15F30] =	vst.add.f32.msk $0xffff, v6  }
0x260: {  	s15 =	sshra.s32 s14, $0x2;
	v5 =	vld [tilespmem:s9+$0xFFFFEC00]  }
0x261: {  	v6 =	vld [tilespmem:s15+$0x18C00];
	_ =	sdelay $0x3  }
0x262: {  	[tilespmem:s15+$0x15000] =	vst.add.f32.msk $0xffff, v5  }
0x263: {  	[tilespmem:s15+$0x15000] =	vst.add.f32.msk $0xffff, v6  }
0x264: {  	v5 =	vld [tilespmem:s9+$0xFFFFEC10]  }
0x265: {  	v6 =	vld [tilespmem:s15+$0x18C10];
	_ =	sdelay $0x2  }
.Ltmp6:
0x266: {  	(pc) =	sbr.rel @p1 .LBB2_11-.Ltmp6, $4  }
0x267: {  	[tilespmem:s15+$0x15010] =	vst.add.f32.msk $0xffff, v5  }
0x268: {  	[tilespmem:s15+$0x15010] =	vst.add.f32.msk $0xffff, v6  }
0x269: {  	v5 =	vld [tilespmem:s9+$0xFFFFEC20]  }
0x26a: {  	s14 =	sadd.s32 $0x100, s14;
	v6 =	vld [tilespmem:s15+$0x18C20]  }
0x26b: {  	_ =	sdelay $0x2  }
0x26c: {  	[tilespmem:s15+$0x15020] =	vst.add.f32.msk $0xffff, v5  }
0x26d: {  	[tilespmem:s15+$0x15020] =	vst.add.f32.msk $0xffff, v6  }
0x26e: {  	v5 =	vld [tilespmem:s9+$0xFFFFEC30]  }
0x26f: {  	v6 =	vld [tilespmem:s15+$0x18C30];
	_ =	sdelay $0x3  }
0x270: {  	[tilespmem:s15+$0x15030] =	vst.add.f32.msk $0xffff, v5  }
0x271: {  	[tilespmem:s15+$0x15030] =	vst.add.f32.msk $0xffff, v6  }
0x272: {  	v5 =	vld [tilespmem:s9+$0xFFFFF600]  }
0x273: {  	v6 =	vld [tilespmem:s15+$0x19100];
	_ =	sdelay $0x3  }
0x274: {  	[tilespmem:s15+$0x15500] =	vst.add.f32.msk $0xffff, v5  }
0x275: {  	[tilespmem:s15+$0x15500] =	vst.add.f32.msk $0xffff, v6  }
0x276: {  	v5 =	vld [tilespmem:s9+$0xFFFFF610]  }
0x277: {  	v6 =	vld [tilespmem:s15+$0x19110];
	_ =	sdelay $0x3  }
0x278: {  	[tilespmem:s15+$0x15510] =	vst.add.f32.msk $0xffff, v5  }
0x279: {  	[tilespmem:s15+$0x15510] =	vst.add.f32.msk $0xffff, v6  }
0x27a: {  	v5 =	vld [tilespmem:s9+$0xFFFFF620]  }
0x27b: {  	v6 =	vld [tilespmem:s15+$0x19120];
	_ =	sdelay $0x3  }
0x27c: {  	[tilespmem:s15+$0x15520] =	vst.add.f32.msk $0xffff, v5  }
0x27d: {  	[tilespmem:s15+$0x15520] =	vst.add.f32.msk $0xffff, v6  }
0x27e: {  	v5 =	vld [tilespmem:s9+$0xFFFFF630]  }
0x27f: {  	v6 =	vld [tilespmem:s15+$0x19130];
	_ =	sdelay $0x3  }
0x280: {  	[tilespmem:s15+$0x15530] =	vst.add.f32.msk $0xffff, v5  }
0x281: {  	[tilespmem:s15+$0x15530] =	vst.add.f32.msk $0xffff, v6  }
0x282: {  	v5 =	vld [tilespmem:s9+$0x0]  }
0x283: {  	v6 =	vld [tilespmem:s15+$0x19600];
	_ =	sdelay $0x3  }
0x284: {  	[tilespmem:s15+$0x15A00] =	vst.add.f32.msk $0xffff, v5  }
0x285: {  	[tilespmem:s15+$0x15A00] =	vst.add.f32.msk $0xffff, v6  }
0x286: {  	v5 =	vld [tilespmem:s9+$0x10]  }
0x287: {  	v6 =	vld [tilespmem:s15+$0x19610];
	_ =	sdelay $0x3  }
0x288: {  	[tilespmem:s15+$0x15A10] =	vst.add.f32.msk $0xffff, v5  }
0x289: {  	[tilespmem:s15+$0x15A10] =	vst.add.f32.msk $0xffff, v6  }
0x28a: {  	v5 =	vld [tilespmem:s9+$0x20]  }
0x28b: {  	v6 =	vld [tilespmem:s15+$0x19620];
	_ =	sdelay $0x3  }
0x28c: {  	[tilespmem:s15+$0x15A20] =	vst.add.f32.msk $0xffff, v5  }
0x28d: {  	[tilespmem:s15+$0x15A20] =	vst.add.f32.msk $0xffff, v6  }
0x28e: {  	v5 =	vld [tilespmem:s9+$0x30]  }
0x28f: {  	v6 =	vld [tilespmem:s15+$0x19630];
	_ =	sdelay $0x3  }
0x290: {  	[tilespmem:s15+$0x15A30] =	vst.add.f32.msk $0xffff, v5  }
0x291: {  	[tilespmem:s15+$0x15A30] =	vst.add.f32.msk $0xffff, v6  }
0x292: {  	v5 =	vld [tilespmem:s9+$0xA00]  }
0x293: {  	v6 =	vld [tilespmem:s15+$0x19B00];
	_ =	sdelay $0x3  }
0x294: {  	[tilespmem:s15+$0x15F00] =	vst.add.f32.msk $0xffff, v5  }
0x295: {  	[tilespmem:s15+$0x15F00] =	vst.add.f32.msk $0xffff, v6  }
0x296: {  	v5 =	vld [tilespmem:s9+$0xA10]  }
0x297: {  	v6 =	vld [tilespmem:s15+$0x19B10];
	_ =	sdelay $0x3  }
0x298: {  	[tilespmem:s15+$0x15F10] =	vst.add.f32.msk $0xffff, v5  }
0x299: {  	[tilespmem:s15+$0x15F10] =	vst.add.f32.msk $0xffff, v6  }
0x29a: {  	v5 =	vld [tilespmem:s9+$0xA20]  }
0x29b: {  	v6 =	vld [tilespmem:s15+$0x19B20];
	_ =	sdelay $0x3  }
0x29c: {  	[tilespmem:s15+$0x15F20] =	vst.add.f32.msk $0xffff, v5  }
0x29d: {  	[tilespmem:s15+$0x15F20] =	vst.add.f32.msk $0xffff, v6  }
0x29e: {  	v5 =	vld [tilespmem:s9+$0xA30]  }
0x29f: {  	v6 =	vld [tilespmem:s15+$0x19B30];
	_ =	sdelay $0x2  }
0x2a0: {  	s9 =	sadd.s32 @!p0 $0x5, s17  }
0x2a1: {  	s10 =	sshll.u32 @!p0 s9, $0x2;
	[tilespmem:s15+$0x15F30] =	vst.add.f32.msk $0xffff, v5  }
0x2a2: {  	s10 =	sadd.s32 @!p0 s7, s10;
	[tilespmem:s15+$0x15F30] =	vst.add.f32.msk $0xffff, v6;
	s15 =	sadd.s32 $0x500, s11  }
0x2a3: {  	[hbm4b:s15+s3] =	stream.linear.scatter [tilespmem:s30], [sflag:$0x6], $0x1400, $0x38;
	[tilespmem:$0x1F000] =	vst v63  }
0x2a4: {  	s10 =	smul.u32 @!p0 $0xA0, s10;
	_ =	swait.ge [sflag:s31], $0x1400  }
0x2a5: {  	s14 =	simm.s32 @!p0 $0x10000;
	s9 =	smul.u32 @!p0 $0x50, s9;
	[sflag:s31] =	ssyncset.done $0x0  }
0x2a6: {  	s10 =	sadd.s32 @!p0 s2, s10;
	s11 =	simm.s32 @!p0 $0x0;
	[sflag:s31] =	ssyncadd.s32 $0xFFFFEC00  }
0x2a7: {  	[tilespmem:s14], [sflag:$0x3] =	stream.linear.gather @!p0 [hbm4b:s10+s11], $0x1400, $0x38;
	[tilespmem:$0x1F000] =	vst v63  }
0x2a8: {  	s10 =	sadd.s32 @!p0 $0x6000, s9;
	s11 =	simm.s32 @!p0 $0x50;
	s14 =	simm.s32 @!p0 $0x11400  }
0x2a9: {  	[tilespmem:s14], [sflag:$0x3] =	stream.indirect.gather @!p0 [hbm4b:s4+s11], $0x80, s10, s11, $0xb8;
	[tilespmem:$0x1F000] =	vst v63  }
0x2aa: {  	s9 =	sadd.s32 @!p0 $0x8800, s9;
	s10 =	simm.s32 @!p0 $0x13C00  }
0x2ab: {  	[tilespmem:s10], [sflag:$0x3] =	stream.indirect.gather @!p0 [hbm4b:s5+s11], $0x40, s9, s11, $0xb8;
	[tilespmem:$0x1F000] =	vst v63  }
0x2ac: {  	_ =	swait.ge [sflag:s0], $0x1400  }
0x2ad: {  	[sflag:s0] =	ssyncset.done $0x0  }
0x2ae: {  	[sflag:s0] =	ssyncadd.s32 $0xFFFFEC00  }
0x2af: {  	_ =	swait.ge [sflag:s0], $0x2800  }
0x2b0: {  	[sflag:s0] =	ssyncset.done $0x0  }
0x2b1: {  	[sflag:s0] =	ssyncadd.s32 $0xFFFFD800  }
0x2b2: {  	_ =	swait.ge [sflag:s0], $0x1400  }
0x2b3: {  	[sflag:s0] =	ssyncset.done $0x0  }
0x2b4: {  	s9 =	simm.s32 $0x1C800;
	[sflag:s0] =	ssyncadd.s32 $0xFFFFEC00  }
0x2b5: {  	s11 =	simm.s32 $0x0;
	v5 =	vld [tilespmem:s9+$0xFFFFEC00]  }
0x2b6: {  	v6 =	vld [tilespmem:s11+$0x1DC00];
	_ =	sdelay $0x3  }
0x2b7: {  	[tilespmem:s11+$0x1A000] =	vst.add.f32.msk $0xffff, v5  }
0x2b8: {  	[tilespmem:s11+$0x1A000] =	vst.add.f32.msk $0xffff, v6  }
0x2b9: {  	v5 =	vld [tilespmem:s9+$0xFFFFEC10]  }
0x2ba: {  	v6 =	vld [tilespmem:s11+$0x1DC10];
	_ =	sdelay $0x3  }
0x2bb: {  	[tilespmem:s11+$0x1A010] =	vst.add.f32.msk $0xffff, v5  }
0x2bc: {  	[tilespmem:s11+$0x1A010] =	vst.add.f32.msk $0xffff, v6  }
0x2bd: {  	v5 =	vld [tilespmem:s9+$0xFFFFEC20]  }
0x2be: {  	s14 =	simm.s32 $0x100;
	v6 =	vld [tilespmem:s11+$0x1DC20]  }
.LBB2_13:
0x2bf: {  	p1 =	sne.s32 s14, $0x1300;
	_ =	sdelay $0x2  }
0x2c0: {  	[tilespmem:s11+$0x1A020] =	vst.add.f32.msk $0xffff, v5  }
0x2c1: {  	[tilespmem:s11+$0x1A020] =	vst.add.f32.msk $0xffff, v6  }
0x2c2: {  	v5 =	vld [tilespmem:s9+$0xFFFFEC30]  }
0x2c3: {  	v6 =	vld [tilespmem:s11+$0x1DC30];
	_ =	sdelay $0x3  }
0x2c4: {  	[tilespmem:s11+$0x1A030] =	vst.add.f32.msk $0xffff, v5  }
0x2c5: {  	[tilespmem:s11+$0x1A030] =	vst.add.f32.msk $0xffff, v6  }
0x2c6: {  	v5 =	vld [tilespmem:s9+$0xFFFFF600]  }
0x2c7: {  	v6 =	vld [tilespmem:s11+$0x1E100];
	_ =	sdelay $0x3  }
0x2c8: {  	[tilespmem:s11+$0x1A500] =	vst.add.f32.msk $0xffff, v5  }
0x2c9: {  	[tilespmem:s11+$0x1A500] =	vst.add.f32.msk $0xffff, v6  }
0x2ca: {  	v5 =	vld [tilespmem:s9+$0xFFFFF610]  }
0x2cb: {  	v6 =	vld [tilespmem:s11+$0x1E110];
	_ =	sdelay $0x3  }
0x2cc: {  	[tilespmem:s11+$0x1A510] =	vst.add.f32.msk $0xffff, v5  }
0x2cd: {  	[tilespmem:s11+$0x1A510] =	vst.add.f32.msk $0xffff, v6  }
0x2ce: {  	v5 =	vld [tilespmem:s9+$0xFFFFF620]  }
0x2cf: {  	v6 =	vld [tilespmem:s11+$0x1E120];
	_ =	sdelay $0x3  }
0x2d0: {  	[tilespmem:s11+$0x1A520] =	vst.add.f32.msk $0xffff, v5  }
0x2d1: {  	[tilespmem:s11+$0x1A520] =	vst.add.f32.msk $0xffff, v6  }
0x2d2: {  	v5 =	vld [tilespmem:s9+$0xFFFFF630]  }
0x2d3: {  	v6 =	vld [tilespmem:s11+$0x1E130];
	_ =	sdelay $0x3  }
0x2d4: {  	[tilespmem:s11+$0x1A530] =	vst.add.f32.msk $0xffff, v5  }
0x2d5: {  	[tilespmem:s11+$0x1A530] =	vst.add.f32.msk $0xffff, v6  }
0x2d6: {  	v5 =	vld [tilespmem:s9+$0x0]  }
0x2d7: {  	v6 =	vld [tilespmem:s11+$0x1E600];
	_ =	sdelay $0x3  }
0x2d8: {  	[tilespmem:s11+$0x1AA00] =	vst.add.f32.msk $0xffff, v5  }
0x2d9: {  	[tilespmem:s11+$0x1AA00] =	vst.add.f32.msk $0xffff, v6  }
0x2da: {  	v5 =	vld [tilespmem:s9+$0x10]  }
0x2db: {  	v6 =	vld [tilespmem:s11+$0x1E610];
	_ =	sdelay $0x3  }
0x2dc: {  	[tilespmem:s11+$0x1AA10] =	vst.add.f32.msk $0xffff, v5  }
0x2dd: {  	[tilespmem:s11+$0x1AA10] =	vst.add.f32.msk $0xffff, v6  }
0x2de: {  	v5 =	vld [tilespmem:s9+$0x20]  }
0x2df: {  	v6 =	vld [tilespmem:s11+$0x1E620];
	_ =	sdelay $0x3  }
0x2e0: {  	[tilespmem:s11+$0x1AA20] =	vst.add.f32.msk $0xffff, v5  }
0x2e1: {  	[tilespmem:s11+$0x1AA20] =	vst.add.f32.msk $0xffff, v6  }
0x2e2: {  	v5 =	vld [tilespmem:s9+$0x30]  }
0x2e3: {  	v6 =	vld [tilespmem:s11+$0x1E630];
	_ =	sdelay $0x3  }
0x2e4: {  	[tilespmem:s11+$0x1AA30] =	vst.add.f32.msk $0xffff, v5  }
0x2e5: {  	[tilespmem:s11+$0x1AA30] =	vst.add.f32.msk $0xffff, v6  }
0x2e6: {  	v5 =	vld [tilespmem:s9+$0xA00]  }
0x2e7: {  	v6 =	vld [tilespmem:s11+$0x1EB00];
	_ =	sdelay $0x3  }
0x2e8: {  	[tilespmem:s11+$0x1AF00] =	vst.add.f32.msk $0xffff, v5  }
0x2e9: {  	[tilespmem:s11+$0x1AF00] =	vst.add.f32.msk $0xffff, v6  }
0x2ea: {  	v5 =	vld [tilespmem:s9+$0xA10]  }
0x2eb: {  	v6 =	vld [tilespmem:s11+$0x1EB10];
	_ =	sdelay $0x3  }
0x2ec: {  	[tilespmem:s11+$0x1AF10] =	vst.add.f32.msk $0xffff, v5  }
0x2ed: {  	[tilespmem:s11+$0x1AF10] =	vst.add.f32.msk $0xffff, v6  }
0x2ee: {  	v5 =	vld [tilespmem:s9+$0xA20]  }
0x2ef: {  	v6 =	vld [tilespmem:s11+$0x1EB20];
	_ =	sdelay $0x3  }
0x2f0: {  	[tilespmem:s11+$0x1AF20] =	vst.add.f32.msk $0xffff, v5  }
0x2f1: {  	[tilespmem:s11+$0x1AF20] =	vst.add.f32.msk $0xffff, v6  }
0x2f2: {  	v5 =	vld [tilespmem:s9+$0xA30]  }
0x2f3: {  	v6 =	vld [tilespmem:s11+$0x1EB30];
	_ =	sdelay $0x3  }
0x2f4: {  	[tilespmem:s11+$0x1AF30] =	vst.add.f32.msk $0xffff, v5  }
0x2f5: {  	s9 =	sadd.s32 $0x80, s9;
	[tilespmem:s11+$0x1AF30] =	vst.add.f32.msk $0xffff, v6  }
0x2f6: {  	s11 =	sshra.s32 s14, $0x2;
	v5 =	vld [tilespmem:s9+$0xFFFFEC00]  }
0x2f7: {  	v6 =	vld [tilespmem:s11+$0x1DC00];
	_ =	sdelay $0x3  }
0x2f8: {  	[tilespmem:s11+$0x1A000] =	vst.add.f32.msk $0xffff, v5  }
0x2f9: {  	[tilespmem:s11+$0x1A000] =	vst.add.f32.msk $0xffff, v6  }
0x2fa: {  	v5 =	vld [tilespmem:s9+$0xFFFFEC10]  }
0x2fb: {  	v6 =	vld [tilespmem:s11+$0x1DC10];
	_ =	sdelay $0x2  }
.Ltmp7:
0x2fc: {  	(pc) =	sbr.rel @p1 .LBB2_13-.Ltmp7, $4  }
0x2fd: {  	[tilespmem:s11+$0x1A010] =	vst.add.f32.msk $0xffff, v5  }
0x2fe: {  	[tilespmem:s11+$0x1A010] =	vst.add.f32.msk $0xffff, v6  }
0x2ff: {  	v5 =	vld [tilespmem:s9+$0xFFFFEC20]  }
0x300: {  	s14 =	sadd.s32 $0x100, s14;
	v6 =	vld [tilespmem:s11+$0x1DC20]  }
0x301: {  	_ =	sdelay $0x2  }
0x302: {  	[tilespmem:s11+$0x1A020] =	vst.add.f32.msk $0xffff, v5  }
0x303: {  	[tilespmem:s11+$0x1A020] =	vst.add.f32.msk $0xffff, v6  }
0x304: {  	v5 =	vld [tilespmem:s9+$0xFFFFEC30]  }
0x305: {  	v6 =	vld [tilespmem:s11+$0x1DC30];
	_ =	sdelay $0x3  }
0x306: {  	[tilespmem:s11+$0x1A030] =	vst.add.f32.msk $0xffff, v5  }
0x307: {  	[tilespmem:s11+$0x1A030] =	vst.add.f32.msk $0xffff, v6  }
0x308: {  	v5 =	vld [tilespmem:s9+$0xFFFFF600]  }
0x309: {  	v6 =	vld [tilespmem:s11+$0x1E100];
	_ =	sdelay $0x3  }
0x30a: {  	[tilespmem:s11+$0x1A500] =	vst.add.f32.msk $0xffff, v5  }
0x30b: {  	[tilespmem:s11+$0x1A500] =	vst.add.f32.msk $0xffff, v6  }
0x30c: {  	v5 =	vld [tilespmem:s9+$0xFFFFF610]  }
0x30d: {  	v6 =	vld [tilespmem:s11+$0x1E110];
	_ =	sdelay $0x3  }
0x30e: {  	[tilespmem:s11+$0x1A510] =	vst.add.f32.msk $0xffff, v5  }
0x30f: {  	[tilespmem:s11+$0x1A510] =	vst.add.f32.msk $0xffff, v6  }
0x310: {  	v5 =	vld [tilespmem:s9+$0xFFFFF620]  }
0x311: {  	v6 =	vld [tilespmem:s11+$0x1E120];
	_ =	sdelay $0x3  }
0x312: {  	[tilespmem:s11+$0x1A520] =	vst.add.f32.msk $0xffff, v5  }
0x313: {  	[tilespmem:s11+$0x1A520] =	vst.add.f32.msk $0xffff, v6  }
0x314: {  	v5 =	vld [tilespmem:s9+$0xFFFFF630]  }
0x315: {  	v6 =	vld [tilespmem:s11+$0x1E130];
	_ =	sdelay $0x3  }
0x316: {  	[tilespmem:s11+$0x1A530] =	vst.add.f32.msk $0xffff, v5  }
0x317: {  	[tilespmem:s11+$0x1A530] =	vst.add.f32.msk $0xffff, v6  }
0x318: {  	v5 =	vld [tilespmem:s9+$0x0]  }
0x319: {  	v6 =	vld [tilespmem:s11+$0x1E600];
	_ =	sdelay $0x3  }
0x31a: {  	[tilespmem:s11+$0x1AA00] =	vst.add.f32.msk $0xffff, v5  }
0x31b: {  	[tilespmem:s11+$0x1AA00] =	vst.add.f32.msk $0xffff, v6  }
0x31c: {  	v5 =	vld [tilespmem:s9+$0x10]  }
0x31d: {  	v6 =	vld [tilespmem:s11+$0x1E610];
	_ =	sdelay $0x3  }
0x31e: {  	[tilespmem:s11+$0x1AA10] =	vst.add.f32.msk $0xffff, v5  }
0x31f: {  	[tilespmem:s11+$0x1AA10] =	vst.add.f32.msk $0xffff, v6  }
0x320: {  	v5 =	vld [tilespmem:s9+$0x20]  }
0x321: {  	v6 =	vld [tilespmem:s11+$0x1E620];
	_ =	sdelay $0x3  }
0x322: {  	[tilespmem:s11+$0x1AA20] =	vst.add.f32.msk $0xffff, v5  }
0x323: {  	[tilespmem:s11+$0x1AA20] =	vst.add.f32.msk $0xffff, v6  }
0x324: {  	v5 =	vld [tilespmem:s9+$0x30]  }
0x325: {  	v6 =	vld [tilespmem:s11+$0x1E630];
	_ =	sdelay $0x3  }
0x326: {  	[tilespmem:s11+$0x1AA30] =	vst.add.f32.msk $0xffff, v5  }
0x327: {  	[tilespmem:s11+$0x1AA30] =	vst.add.f32.msk $0xffff, v6  }
0x328: {  	v5 =	vld [tilespmem:s9+$0xA00]  }
0x329: {  	v6 =	vld [tilespmem:s11+$0x1EB00];
	_ =	sdelay $0x3  }
0x32a: {  	[tilespmem:s11+$0x1AF00] =	vst.add.f32.msk $0xffff, v5  }
0x32b: {  	[tilespmem:s11+$0x1AF00] =	vst.add.f32.msk $0xffff, v6  }
0x32c: {  	v5 =	vld [tilespmem:s9+$0xA10]  }
0x32d: {  	v6 =	vld [tilespmem:s11+$0x1EB10];
	_ =	sdelay $0x3  }
0x32e: {  	[tilespmem:s11+$0x1AF10] =	vst.add.f32.msk $0xffff, v5  }
0x32f: {  	[tilespmem:s11+$0x1AF10] =	vst.add.f32.msk $0xffff, v6  }
0x330: {  	v5 =	vld [tilespmem:s9+$0xA20]  }
0x331: {  	v6 =	vld [tilespmem:s11+$0x1EB20];
	_ =	sdelay $0x3  }
0x332: {  	[tilespmem:s11+$0x1AF20] =	vst.add.f32.msk $0xffff, v5  }
0x333: {  	[tilespmem:s11+$0x1AF20] =	vst.add.f32.msk $0xffff, v6  }
0x334: {  	v5 =	vld [tilespmem:s9+$0xA30]  }
0x335: {  	v6 =	vld [tilespmem:s11+$0x1EB30];
	_ =	sdelay $0x3  }
0x336: {  	[tilespmem:s11+$0x1AF30] =	vst.add.f32.msk $0xffff, v5  }
.Ltmp8:
0x337: {  	s15 =	sadd.s32 s6, s13;
	[tilespmem:s11+$0x1AF30] =	vst.add.f32.msk $0xffff, v6;
	(pc) =	sbr.rel @p0 .LBB2_16-.Ltmp8, $4  }
0x338: {  	[hbm4b:s15+s3] =	stream.linear.scatter [tilespmem:s22], [sflag:$0x8], $0x1400, $0x38;
	[tilespmem:$0x1F000] =	vst v63  }
0x339: {  	_ =	swait.ge [sflag:s8], $0x1400  }
0x33a: {  	[sflag:s8] =	ssyncset.done $0x0  }
0x33b: {  	[sflag:s8] =	ssyncadd.s32 $0xFFFFEC00  }
0x33c: {  	s9 =	sadd.s32 $0x6, s17  }
0x33d: {  	s10 =	sshll.u32 s9, $0x2  }
0x33e: {  	s10 =	sadd.s32 s7, s10  }
0x33f: {  	s10 =	smul.u32 $0xA0, s10;
	_ =	sdelay $0x1  }
0x340: {  	s9 =	smul.u32 $0x50, s9;
	s10 =	sadd.s32 s2, s10  }
0x341: {  	[tilespmem:s30], [sflag:$0x5] =	stream.linear.gather [hbm4b:s10+s3], $0x1400, $0x38;
	[tilespmem:$0x1F000] =	vst v63  }
.Ltmp9:
0x342: {  	_ = 	snop;
	(pc) =	sbr.rel .LBB2_6-.Ltmp9, $4  }
0x343: {  	s17 =	sadd.s32 $0x6000, s9  }
0x344: {  	[tilespmem:s1], [sflag:$0x5] =	stream.indirect.gather [hbm4b:s4+s19], $0x80, s17, s19, $0xb8;
	[tilespmem:$0x1F000] =	vst v63  }
0x345: {  	s12 =	sadd.s32 $0x1, s12;
	s9 =	sadd.s32 $0x8800, s9  }
0x346: {  	[tilespmem:s20], [sflag:$0x5] =	stream.indirect.gather [hbm4b:s5+s19], $0x40, s9, s19, $0xb8;
	[tilespmem:$0x1F000] =	vst v63  }
.LBB2_17:
0x347: {  	_ =	sfence.sel $0x180000  }
0x348: {  	[bflag:$0x0] =	sbarrier.arrive $0xFFFF  }
0x349: {  	_ =	strace $0x90000047  }
0x34a: {  	s0 =	stileid.u32;
	[bflag:$0x2] =	sbarrier.arrive $0xFFFF  }
0x34b: {  	p0 =	sne.s32 s0, $0x0;
	s0 =	rddreg [dreg:$0x2]  }
0x34c: {  	s0 =	sadd.s32 @!p0 $0x100000, s0  }
0x34d: {  	[sflag:s0] =	ssyncadd.tile.s32 @!p0 $0x1;
	_ =	shalt  }
.Lfunc_end2:
_tile_overlayer_lowered:
.L_overlay_start_2:
0x34e: {  	(tag) =	ssettag $0x2  }
0x34f: {  	s0 =	rddreg [dreg:$0x0];
	s2 =	stileid.u32  }
0x350: {  	s1 =	rddreg [dreg:$0x1];
	p0 =	sne.s32 s2, $0x0  }
0x351: {  	s3 =	rddreg [dreg:$0x2];
	[bflag:$0x3] =	sbarrier.arrive $0xFFFF;
	s2 =	simm.s32 @!p0 $0x1C09  }
0x352: {  	[timem:s3], [sflag:s2] =	dma.local @!p0 [hbm:s0], s1  }
0x353: {  	s0 =	simm.s32 @!p0 $0x9  }
0x354: {  	_ =	swait.ge @!p0 [sflag:s0], s1  }
0x355: {  	s1 =	ssub.s32 @!p0 $0x0, s1;
	[sflag:s0] =	ssyncset.done @!p0 $0x0  }
0x356: {  	[sflag:s0] =	ssyncadd.s32 @!p0 s1  }
0x357: {  	[bflag:$0x3] =	sbarrier.arrive $0xFFFF  }
0x358: {  	_ =	shalt  }

// kernel: sparse-core-data-format-call.cloned.1.call-start
scs
called_computation_lowered:
.L_overlay_start_0:
0x0: {  	s2 =	sld [smem:$0x3FD9]  }
0x1: {  	s3 =	sld [smem:$0x3FFE];
	_ =	sdelay $0x1  }
0x2: {  	s1 =	srdreg.scid  }
0x3: {  	s0 =	sand.u32 $0x1, s1  }
0x4: {  	s18 =	sshll.u32 s0, $0xA;
	s2 =	sadd.s32 s3, s2  }
0x5: {  	s2 =	sadd.s32 s2, s18  }
0x6: {  	[smem:$0x3FC1] =	sst s2  }
0x7: {  	_ = 	snop  }
0x8: {  	s2 =	sld [smem:$0x3FD0];
	(tm) =	ssettm $0x1  }
0x9: {  	s19 =	sld [smem:$0x3FFB];
	_ =	sdelay $0x3  }
0xa: {  	_ =	strace s19  }
0xb: {  	s3 =	sld [smem:$0x3FFC];
	_ =	sdelay $0x3  }
0xc: {  	_ =	strace s3  }
0xd: {  	s3 =	sld [smem:$0x3FFD];
	_ =	sdelay $0x3  }
0xe: {  	_ =	strace s3  }
0xf: {  	_ =	strace $0x8FFFFFFF  }
0x10: {  	s20 =	sld [smem:$0x3FDB];
	_ =	sdelay $0x1  }
0x11: {  	s4 =	simm.s32 $_scs_section_size  }
0x12: {  	s5 =	simm.s32 $_size__tile_overlayer_lowered;
	s6 =	simm.s32 $_tile_overlayer_lowered  }
0x13: {  	s23 =	simm.s32 $0x1BFF;
	s22 =	sshll.u32 s6, $0x1;
	s3 =	sadd.s32 s4, s20  }
0x14: {  	s7 =	simm.s32 $0x0;
	s21 =	sshll.u32 s5, $0x1;
	s5 =	sadd.s32 s22, s3  }
0x15: {  	[timem:s7], [sflag:s23] =	dma.local [hbm:s5], s21  }
0x16: {  	_ =	swait.ge [sflag:s23], s21  }
0x17: {  	s4 =	ssub.s32 $0x0, s21;
	[sflag:s23] =	ssyncset.done $0x0  }
0x18: {  	[sflag:s23] =	ssyncadd.s32 s4;
	_ =	sdelay $0x1  }
0x19: {  	s24 =	simm.s32 $0x1B8B  }
0x1a: {  	_ =	swait.ge [sflag:s24], $0x1  }
0x1b: {  	[sflag:s24] =	ssyncset.done $0x0  }
0x1c: {  	s26 =	simm.s32 $0x1B8E;
	s25 =	sld [smem:$0x3FFE];
	[sflag:s24] =	ssyncadd.s32 $0xFFFFFFFF  }
0x1d: {  	s27 =	simm.s32 $execute0_lowered;
	[smem:$0x3FD2] =	sst s26  }
0x1e: {  	s5 =	sshll.u32 s27, $0x1;
	_ =	strace $0x80000049;
	[dreg:$0x1] =	wrdreg $0xFFFFFFFF  }
0x1f: {  	s28 =	simm.s32 $_size_execute0_lowered;
	s3 =	sadd.s32 s3, s5;
	[dreg:$0x0] =	wrdreg $0x0  }
0x20: {  	s5 =	sshll.u32 s28, $0x1;
	[dreg:$0x2] =	wrdreg s3  }
0x21: {  	[dreg:$0x3] =	wrdreg s5  }
0x22: {  	[dreg:$0x4] =	wrdreg $0xC0  }
0x23: {  	_ =	task [dreg:s7], $0x5FFFF  }
0x24: {  	[dreg:$0x1] =	wrdreg $0xFFFFFFFF  }
0x25: {  	[dreg:$0x0] =	wrdreg $0x60  }
0x26: {  	[dreg:$0x2] =	wrdreg s25  }
0x27: {  	[dreg:$0x3] =	wrdreg s2  }
0x28: {  	[dreg:$0x4] =	wrdreg $0x9  }
0x29: {  	_ =	task.clear_ibuf [dreg:s7], $0x5FFFF;
	_ =	strace $0x90000049  }
0x2a: {  	s29 =	simm.s32 $0x9;
	_ =	strace $0x8000004B  }
0x2b: {  	_ =	swait.ge [sflag:s29], $0x1  }
0x2c: {  	[sflag:s29] =	ssyncadd.s32 $0xFFFFFFFF  }
0x2d: {  	_ =	strace $0x9000004B  }
0x2e: {  	_ =	sfence  }
0x2f: {  	s30 =	sld [smem:$0x0];
	_ =	sdelay $0x2  }
0x30: {  	s31 =	sshll.u32 s1, $0xD;
	s1 =	sshrl.u32 s1, $0x2  }
0x31: {  	s3 =	sand.u32 $0x4000, s31;
	s1 =	sadd.s32 s1, s30  }
0x32: {  	s0 =	sor.u32 s3, s0;
	s1 =	sshll.u32 s1, $0x11  }
0x33: {  	s0 =	sor.u32 s1, s0  }
0x34: {  	s0 =	sadd.s32 $0x8F2B, s0  }
0x35: {  	[sflag:s0] =	ssyncadd.remote.s32 $0x1  }
0x36: {  	_ =	sfence.sel $0xFFFF  }
0x37: {  	[dreg:$0x0] =	wrdreg $0xFFFFFFFF;
	(pc) =	sbr.abs _section_cstart, $3  }
0x38: {  	[dreg:$0x1] =	wrdreg $0xFFFFFFFF  }
0x39: {  	_ =	task.clear_ibuf [dreg:s7], $0x2FFFF;
	_ =	strace $0x9FFFFFFF  }
0x3a: {  	(tm) =	ssettm $0x7FFFFFFF  }
0x3b: {  	_ =	shalt  }
tec
execute0_lowered:
.L_overlay_start_1:
0x0: {  	(tag) =	ssettag $0x1  }
0x1: {  	s0 =	srdreg.scid  }
0x2: {  	s1 =	sshll.u32 s0, $0x4  }
0x3: {  	s0 =	stileid.u32;
	s1 =	sand.u32 $0x10, s1  }
0x4: {  	s1 =	sor.u32 s0, s1  }
0x5: {  	s6 =	rddreg [dreg:$0x0];
	s4 =	simm.s32 $0x1;
	s2 =	sshll.u32 s1, $0x7  }
0x6: {  	s7 =	simm.s32 $0x2;
	s12 =	simm.s32 $0x0;
	s1 =	ssub.s32 $0x4000, s2  }
0x7: {  	s8 =	simm.s32 $0x20000;
	s13 =	simm.s32 $0x0;
	s3 =	sand.u32 $0xF80, s1  }
0x8: {  	s9 =	simm.s32 $0x0;
	s5 =	sshrl.u32 s1, $0xC;
	p0 =	sne.s32 s3, $0x0  }
.Ltmp0:
0x9: {  	s1 =	rddreg [dreg:$0x2];
	s4 =	simm.s32 @!p0 $0x0;
	(pc) =	sbr.rel .LBB1_1-.Ltmp0, $4  }
0xa: {  	s11 =	simm.s32 $0x0;
	s3 =	rddreg [dreg:$0x1];
	s5 =	sadd.s32 s4, s5  }
0xb: {  	_ =	strace $0x8000004A;
	s4 =	simm.s32 $0x1;
	s5 =	smul.u32 $0x14, s5  }
0xc: {  	s6 =	sadd.s32 $0x1000, s6;
	s10 =	smov.u32 s2;
	[sflag:s4] =	ssyncpa.u1 $0x0  }
0xd: {  	p0 =	por $0x0, $0x0;
	[sflag:s7] =	ssyncpa.u1 $0x0;
	s7 =	sor.u32 $0x1, s5  }
.LBB1_4:
0xe: {  	s16 =	sshll.u32 s13, $0x3;
	s17 =	sand.u32 $0x78, s13  }
0xf: {  	s30 =	sand.u32 $0x1F800, s13;
	s12 =	sshll.u32 s12, $0x11;
	s16 =	sand.u32 $0x3C00, s16  }
0x10: {  	[tilespmem:s15+$0x810 ss:$0x81] =	vst.msk $0xffff, v2;
	s31 =	sand.u32 $0x7, s13;
	s16 =	sor.u32 s17, s16;
	s17 =	sadd.s32 s3, s30  }
0x11: {  	[tilespmem:s15+$0x1020 ss:$0x81] =	vst.msk $0xffff, v0;
	s13 =	sshll.u32 s31, $0x12;
	s12 =	sadd.s32 s12, s17;
	s16 =	sshrl.u32 s16, $0x3  }
0x12: {  	[tilespmem:s15+$0x0 ss:$0x81] =	vst.msk $0xffff, v1;
	s13 =	sor.u32 $0x400, s13;
	s12 =	sadd.s32 s16, s12  }
0x13: {  	[hbm4b:s12+s13] =	stream.strided.scatter [tilespmem:s14], [sflag:$0x2], $0x2000, s8, s13, $0x20;
	[tilespmem:$0x8080] =	vst v63  }
.LBB1_5:
0x14: {  	s14 =	sadd.s32 $0x1, s9  }
0x15: {  	s12 =	sadd.s32 $0x1000, s10;
	s16 =	smov.u32 s10;
	p2 =	sgt.s32 s14, $0x13  }
0x16: {  	s16 =	smov.u32 @p2 s12  }
0x17: {  	s14 =	simm.s32 @p2 $0x0;
	p2 =	sgt.s32 s16, $0x3FFF  }
0x18: {  	s16 =	smov.u32 @p2 s2;
	p2 =	sne.s32 s11, s7  }
.Ltmp1:
0x19: {  	p1 =	slt.u32 s11, $0x2;
	(pc) =	sbr.rel @!p2 .LBB1_6-.Ltmp1, $4  }
0x1a: {  	s15 =	simm.s32 @!p1 $0x2  }
0x1b: {  	s13 =	smov.u32 s10;
	p0 =	por !p0, !p0;
	_ =	swait.ge @!p1 [sflag:s15], $0x2000  }
0x1c: {  	s12 =	smov.u32 s9;
	[sflag:s15] =	ssyncset.done @!p1 $0x0;
	s9 =	smov.u32 s14  }
0x1d: {  	s11 =	sadd.s32 $0x1, s11;
	[sflag:s15] =	ssyncadd.s32 @!p1 $0xFFFFE000;
	s10 =	smov.u32 s16  }
.LBB1_1:
0x1e: {  	p1 =	sge.u32 s11, s5  }
0x1f: {  	s14 =	sand.u32 @!p1 $0x1FFFFFF, s9  }
0x20: {  	s15 =	smulhi.u32 @!p1 $0xAAAAAAB, s14;
	_ =	sdelay $0x1  }
0x21: {  	s15 =	smul.u32 @!p1 $0x18, s15  }
0x22: {  	s16 =	sxor.u32 @!p1 $0xFFFFFFFF, s11;
	s17 =	smul.u32 @!p1 $0x180, s10  }
0x23: {  	s31 =	sadd.s32 $0xFFFFFFFF, s11;
	s16 =	sshll.u32 @!p1 s16, $0xD;
	s14 =	ssub.s32 @!p1 s14, s15  }
0x24: {  	s15 =	sand.u32 @!p1 $0x2000, s16;
	s16 =	sadd.s32 @!p1 s6, s17;
	s14 =	sshll.u32 @!p1 s14, $0x4  }
0x25: {  	s17 =	simm.s32 @!p1 $0xC00;
	s14 =	sadd.s32 @!p1 s14, s16;
	s16 =	simm.s32 @!p1 $0x40  }
0x26: {  	[tilespmem:s15], [sflag:$0x1] =	stream.strided.gather @!p1 [hbm4b:s14+s16], $0x2000, s17, s16, $0x38;
	[tilespmem:$0x8080] =	vst v63  }
0x27: {  	p1 =	sge.u32 s31, s5  }
.Ltmp2:
0x28: {  	_ = 	snop;
	(pc) =	sbr.rel @p1 .LBB1_5-.Ltmp2, $1  }
0x29: {  	_ =	sdelay $0x3  }
0x2a: {  	s14 =	simm.s32 $0x1  }
0x2b: {  	_ =	swait.ge [sflag:s4], $0x2000;
	s14 =	simm.s32 @!p0 $0x0  }
0x2c: {  	[sflag:s4] =	ssyncset.done $0x0;
	s15 =	sshll.u32 s14, $0xD  }
0x2d: {  	[sflag:s4] =	ssyncadd.s32 $0xFFFFE000;
	s18 =	sor.u32 $0x20, s15  }
0x2e: {  	s14 =	smul.u32 $0x8100, s14;
	v3 =	vld [tilespmem:s18+$0x10]  }
0x2f: {  	s30 =	sand.u32 $0x1, s11;
	v2 =	vld [tilespmem:s18+$0xFFFFFFF0]  }
0x30: {  	s15 =	smul.u32 $0x8100, s30;
	s14 =	sshrl.u32 s14, $0x2;
	v0 =	vld [tilespmem:s18+$0x0]  }
0x31: {  	v1 =	vld [tilespmem:s18+$0xFFFFFFE0];
	s16 =	sor.u32 $0x4000, s14  }
0x32: {  	s31 =	sshrl.u32 s15, $0x2;
	s15 =	sadd.s32 $0x0, s16  }
0x33: {  	s17 =	simm.s32 $0x4;
	s18 =	sadd.s32 $0x40, s18;
	s14 =	sor.u32 $0x4000, s31;
	[tilespmem:s15+$0x1830 ss:$0x81] =	vst.msk $0xffff, v3  }
.LBB1_3:
0x34: {  	v3 =	vld [tilespmem:s18+$0x10];
	p1 =	sne.s32 s17, $0x1FC;
	[tilespmem:s15+$0x810 ss:$0x81] =	vst.msk $0xffff, v2;
	s19 =	smov.u32 s17;
	s17 =	sadd.s32 $0x4, s17  }
.Ltmp3:
0x35: {  	v2 =	vld [tilespmem:s18+$0xFFFFFFF0];
	[tilespmem:s15+$0x1020 ss:$0x81] =	vst.msk $0xffff, v0;
	(pc) =	sbr.rel @p1 .LBB1_3-.Ltmp3, $4  }
0x36: {  	v0 =	vld [tilespmem:s18+$0x0];
	[tilespmem:s15+$0x0 ss:$0x81] =	vst.msk $0xffff, v1  }
0x37: {  	s15 =	sshra.s32 s19, $0x2;
	v1 =	vld [tilespmem:s18+$0xFFFFFFE0]  }
0x38: {  	s15 =	sadd.s32 s15, s16  }
0x39: {  	s18 =	sadd.s32 $0x40, s18;
	[tilespmem:s15+$0x1830 ss:$0x81] =	vst.msk $0xffff, v3  }
.Ltmp4:
0x3a: {  	_ = 	snop;
	(pc) =	sbr.rel .LBB1_4-.Ltmp4, $1  }
0x3b: {  	_ =	sdelay $0x3  }
.LBB1_6:
0x3c: {  	_ =	sfence.sel $0x180000  }
0x3d: {  	s2 =	simm.s32 $0x1;
	[bflag:$0x0] =	sbarrier.arrive $0xFFFF  }
0x3e: {  	s31 =	simm.s32 $0x2;
	[sflag:s2] =	ssyncpa.u1 $0x1  }
0x3f: {  	[sflag:s31] =	ssyncpa.u1 $0x1  }
0x40: {  	p0 =	sne.s32 s0, $0x0;
	_ =	strace $0x9000004A  }
0x41: {  	s0 =	sadd.s32 @!p0 $0x100000, s1;
	[bflag:$0x2] =	sbarrier.arrive $0xFFFF  }
0x42: {  	[sflag:s0] =	ssyncadd.tile.s32 @!p0 $0x1;
	_ =	shalt  }
.Lfunc_end1:
_tile_overlayer_lowered:
.L_overlay_start_2:
0x43: {  	(tag) =	ssettag $0x2  }
0x44: {  	s0 =	rddreg [dreg:$0x0];
	s2 =	stileid.u32  }
0x45: {  	s1 =	rddreg [dreg:$0x1];
	p0 =	sne.s32 s2, $0x0  }
0x46: {  	s3 =	rddreg [dreg:$0x2];
	[bflag:$0x3] =	sbarrier.arrive $0xFFFF;
	s2 =	simm.s32 @!p0 $0x1C01  }
0x47: {  	[timem:s3], [sflag:s2] =	dma.local @!p0 [hbm:s0], s1  }
0x48: {  	s0 =	simm.s32 @!p0 $0x1  }
0x49: {  	_ =	swait.ge @!p0 [sflag:s0], s1  }
0x4a: {  	s1 =	ssub.s32 @!p0 $0x0, s1;
	[sflag:s0] =	ssyncset.done @!p0 $0x0  }
0x4b: {  	[sflag:s0] =	ssyncadd.s32 @!p0 s1  }
0x4c: {  	[bflag:$0x3] =	sbarrier.arrive $0xFFFF  }
0x4d: {  	_ =	shalt  }

</sc_bundles>
